<compile_context>
chip_gen: v7x
topology: tpu7x:2x2x1
jax: 0.10.2.dev20260603
libtpu: 0.0.44.dev20260713+nightly
codegen_flags: <defaults>
</compile_context>

<pallas_src>
import functools

import jax
import jax.numpy as jnp
from jax import lax
from jax.experimental import pallas as pl
from jax.experimental.pallas import tpu as pltpu, tpu_sc as plsc

_N_BINS = 15
_NH = 2 * _N_BINS
_NC, _NS, _L = 2, 16, 16
_NW = _NC * _NS
_N = 16777216
_PER_W = _N // _NW
_C = 16384
_G = _PER_W // _C
_VPC = _C // _L
_TCOLS = 65
_SLOTS = 2 * _NH


def _ece_body(logits_hbm, labels_hbm, out_hbm,
              l0, l1, b0, b1, tab_cnt, tab_conf, obuf, sem0, sem1):
    wid = lax.axis_index("s") * _NC + lax.axis_index("c")
    base = wid * _PER_W

    zeros16 = jnp.zeros((_L,), jnp.float32)
    ones16 = jnp.ones((_L,), jnp.float32)
    laneoff = lax.iota(jnp.int32, _L) * _TCOLS

    for l in range(_L):
        for q in range(4):
            tab_cnt[pl.ds(l * _TCOLS + 16 * q, 16)] = zeros16
            tab_conf[pl.ds(l * _TCOLS + 16 * q, 16)] = zeros16

    lbufs = (l0, l1)
    bbufs = (b0, b1)
    sems = (sem0, sem1)

    def start(g, par):
        off = base + g * _C
        pltpu.async_copy(logits_hbm.at[pl.ds(off, _C)], lbufs[par], sems[par])
        pltpu.async_copy(labels_hbm.at[pl.ds(off, _C)], bbufs[par], sems[par])

    def wait(g, par):
        off = base + g * _C
        pltpu.make_async_copy(
            logits_hbm.at[pl.ds(off, _C)], lbufs[par], sems[par]).wait()
        pltpu.make_async_copy(
            labels_hbm.at[pl.ds(off, _C)], bbufs[par], sems[par]).wait()

    KV = 16

    idx_pad = laneoff + 62

    def process(par):
        lb = lbufs[par]
        bb = bbufs[par]

        init = (tuple(idx_pad for _ in range(KV)),
                tuple(zeros16 for _ in range(KV)))

        @plsc.parallel_loop(0, _VPC, step=KV, carry=init)
        def scan(j, carry):
            prev_idxs, prev_ps = carry
            off = j * _L
            ps = []
            idxs = []
            for k in range(KV):
                x = lb[pl.ds(off + k * _L, _L)]
                li = bb[pl.ds(off + k * _L, _L)]
                p = 1.0 / (1.0 + jnp.exp(x * jnp.float32(-1.0)))
                hb = (p * jnp.float32(_NH)).astype(jnp.int32)
                ps.append(p)
                idxs.append(hb + hb + li + laneoff)
            for k in range(KV):
                plsc.addupdate_scatter(tab_cnt, [prev_idxs[k]], ones16)
                plsc.addupdate_scatter(tab_conf, [prev_idxs[k]], prev_ps[k])
            return (tuple(idxs), tuple(ps))

        last_idxs, last_ps = scan
        for k in range(KV):
            plsc.addupdate_scatter(tab_cnt, [last_idxs[k]], ones16)
            plsc.addupdate_scatter(tab_conf, [last_idxs[k]], last_ps[k])

    start(0, 0)

    @pl.loop(0, _G, step=2)
    def _(g):
        for par in (0, 1):
            gg = g + par
            nxt = gg + 1

            @pl.when(nxt < _G)
            def _():
                start(nxt, 1 - par)

            wait(gg, par)
            process(par)

    accs = [zeros16] * 8
    for l in range(_L):
        for q in range(4):
            accs[q] = accs[q] + tab_cnt[pl.ds(l * _TCOLS + 16 * q, 16)]
            accs[4 + q] = accs[4 + q] + tab_conf[pl.ds(l * _TCOLS + 16 * q, 16)]
    for q in range(8):
        obuf[pl.ds(16 * q, 16)] = accs[q]
    pltpu.sync_copy(obuf, out_hbm.at[wid])


@functools.partial(
    pl.kernel,
    out_type=jax.ShapeDtypeStruct((_NW, 128), jnp.float32),
    mesh=plsc.VectorSubcoreMesh(core_axis_name="c", subcore_axis_name="s"),
    compiler_params=pltpu.CompilerParams(needs_layout_passes=False),
    scratch_types=[
        pltpu.VMEM((_C,), jnp.float32),
        pltpu.VMEM((_C,), jnp.float32),
        pltpu.VMEM((_C,), jnp.int32),
        pltpu.VMEM((_C,), jnp.int32),
        pltpu.VMEM((_L * _TCOLS,), jnp.float32),
        pltpu.VMEM((_L * _TCOLS,), jnp.float32),
        pltpu.VMEM((128,), jnp.float32),
        pltpu.SemaphoreType.DMA,
        pltpu.SemaphoreType.DMA,
    ],
)
def _ece_partials(logits_hbm, labels_hbm, out_hbm,
                  l0, l1, b0, b1, tab_cnt, tab_conf, obuf, sem0, sem1):
    _ece_body(logits_hbm, labels_hbm, out_hbm,
              l0, l1, b0, b1, tab_cnt, tab_conf, obuf, sem0, sem1)


def kernel(logits, labels):
    parts = _ece_partials(logits, labels)
    s = parts.sum(axis=0)
    cnt_s = s[0:_SLOTS]
    conf_s = s[64:64 + _SLOTS]
    cnt_h = cnt_s[0::2] + cnt_s[1::2]
    conf_h = conf_s[0::2] + conf_s[1::2]
    pred = jnp.arange(_NH) >= (_NH // 2)
    acc_h = jnp.where(pred, cnt_s[1::2], cnt_s[0::2])
    cnt = cnt_h[0::2] + cnt_h[1::2]
    conf_sum = conf_h[0::2] + conf_h[1::2]
    acc_sum = acc_h[0::2] + acc_h[1::2]
    prob = cnt / jnp.float32(_N)
    safe = jnp.maximum(cnt, 1.0)
    has = cnt > 0
    acc_in = jnp.where(has, acc_sum / safe, 0.0)
    conf_in = jnp.where(has, conf_sum / safe, 0.0)
    ece = jnp.sum(jnp.abs(conf_in - acc_in) * prob)
    return ece.reshape((1,))

# --- scband reference (transcript-rebuilt; emitter-appended) ---
"""Pipeline reference for scband-ece-36481452212818 (READ-ONLY COPY).

The authoritative reference and input builder live on the scoring server;
editing this copy changes nothing except your own understanding.
"""

import jax, jax.numpy as jnp
import numpy as np

N_BINS = 15


def setup_inputs(seed: int = 0) -> dict:
    key = jax.random.key(seed)
    k1, k2 = jax.random.split(key)
    N = 16777216
    logits = jax.random.normal(k1, (N,), dtype=jnp.float32)
    labels = jax.random.randint(k2, (N,), 0, 2, dtype=jnp.int32)
    return {"logits": logits, "labels": labels}


def reference(logits, labels):
    probs = jax.nn.sigmoid(logits)
    preds = jnp.where(probs > 0.5, 1, 0).astype(labels.dtype)
    acc = (preds == labels)
    bins = np.linspace(0.0, 1.0, N_BINS + 1, dtype=np.float32)
    bin_lowers = bins[:-1]
    bin_uppers = bins[1:]
    ece = jnp.zeros((1,), dtype=probs.dtype)
    accf = acc.astype(probs.dtype)
    for bin_lower, bin_upper in zip(bin_lowers, bin_uppers):
        in_bin = (probs > float(bin_lower)) & (probs <= float(bin_upper))
        inb = in_bin.astype(probs.dtype)
        prob_in_bin = inb.mean()
        cnt = inb.sum()
        safe_cnt = jnp.maximum(cnt, 1.0)
        acc_in_bin = jnp.where(cnt > 0, (accf * inb).sum() / safe_cnt, 0.0)
        avg_conf_in_bin = jnp.where(cnt > 0, (probs * inb).sum() / safe_cnt, 0.0)
        ece = ece + jnp.abs(avg_conf_in_bin - acc_in_bin) * prob_in_bin
    return ece

if __name__ == "__main__":
    import jax
    _d = setup_inputs()
    print(jax.jit(kernel)(*tuple(_d.values())))

</pallas_src>

<mosaic_0001>
#map = affine_map<(d0, d1) -> (0)>
#map1 = affine_map<(d0, d1) -> (0, 0)>
module attributes {stable_mosaic.version = 14 : i64} {
  func.func @_ece_partials(%arg0: i32, %arg1: i32, %arg2: memref<16777216xf32, #tpu.memory_space<hbm>>, %arg3: memref<16777216xi32, #tpu.memory_space<hbm>>, %arg4: memref<32x128xf32, #tpu.memory_space<hbm>>, %arg5: memref<16384xf32, #tpu.memory_space<vmem>>, %arg6: memref<16384xf32, #tpu.memory_space<vmem>>, %arg7: memref<16384xi32, #tpu.memory_space<vmem>>, %arg8: memref<16384xi32, #tpu.memory_space<vmem>>, %arg9: memref<1040xf32, #tpu.memory_space<vmem>>, %arg10: memref<1040xf32, #tpu.memory_space<vmem>>, %arg11: memref<128xf32, #tpu.memory_space<vmem>>, %arg12: memref<!tpu.dma_semaphore, #tpu.memory_space<semaphore_mem>>, %arg13: memref<!tpu.dma_semaphore, #tpu.memory_space<semaphore_mem>>) attributes {dimension_semantics = [#tpu.dimension_semantics<core_parallel>, #tpu.dimension_semantics<subcore_parallel>], iteration_bounds = array<i64: 2, 16>, scalar_prefetch = 0 : i64, scratch_operands = 9 : i64, tpu.core_type = #tpu.core_type<sc_vector_subcore>, window_params = [{transform_indices = #map}, {transform_indices = #map}, {transform_indices = #map1}]} {
    %mul3A = arith.constant 2 : i32
    %mul3A_0 = arith.muli %arg1, %mul3A : i32
    %add3A = arith.addi %mul3A_0, %arg0 : i32
    %mul3A_1 = arith.constant 524288 : i32
    %mul3A_2 = arith.muli %add3A, %mul3A_1 : i32
    %broadcast_in_dim3A = arith.constant 0.000000e+00 : f32
    %broadcast_in_dim3A_3 = vector.broadcast %broadcast_in_dim3A : f32 to vector<16xf32>
    %broadcast_in_dim3A_4 = arith.constant 1.000000e+00 : f32
    %broadcast_in_dim3A_5 = vector.broadcast %broadcast_in_dim3A_4 : f32 to vector<16xf32>
    %iota3A = tpu.iota {dimensions = array<i32: 0>} : vector<16xi32>
    %mul3A_6 = arith.constant 65 : i32
    %mul3A_7 = vector.broadcast %mul3A_6 : i32 to vector<16xi32>
    %mul3A_8 = arith.muli %iota3A, %mul3A_7 : vector<16xi32>
    %swap3A = arith.constant 0 : index
    %swap3A_9 = tpu.vector_load %arg9[%swap3A] {strides = array<i32>} : memref<1040xf32, #tpu.memory_space<vmem>>, vector<16xf32>,
    tpu.vector_store %arg9[%swap3A], %broadcast_in_dim3A_3 {strides = array<i32>} : memref<1040xf32, #tpu.memory_space<vmem>>, vector<16xf32>,
    %swap3A_10 = arith.constant 0 : index
    %swap3A_11 = tpu.vector_load %arg10[%swap3A_10] {strides = array<i32>} : memref<1040xf32, #tpu.memory_space<vmem>>, vector<16xf32>,
    tpu.vector_store %arg10[%swap3A_10], %broadcast_in_dim3A_3 {strides = array<i32>} : memref<1040xf32, #tpu.memory_space<vmem>>, vector<16xf32>,
    %swap3A_12 = arith.constant 16 : index
    %swap3A_13 = tpu.vector_load %arg9[%swap3A_12] {strides = array<i32>} : memref<1040xf32, #tpu.memory_space<vmem>>, vector<16xf32>,
    tpu.vector_store %arg9[%swap3A_12], %broadcast_in_dim3A_3 {strides = array<i32>} : memref<1040xf32, #tpu.memory_space<vmem>>, vector<16xf32>,
    %swap3A_14 = arith.constant 16 : index
    %swap3A_15 = tpu.vector_load %arg10[%swap3A_14] {strides = array<i32>} : memref<1040xf32, #tpu.memory_space<vmem>>, vector<16xf32>,
    tpu.vector_store %arg10[%swap3A_14], %broadcast_in_dim3A_3 {strides = array<i32>} : memref<1040xf32, #tpu.memory_space<vmem>>, vector<16xf32>,
    %swap3A_16 = arith.constant 32 : index
    %swap3A_17 = tpu.vector_load %arg9[%swap3A_16] {strides = array<i32>} : memref<1040xf32, #tpu.memory_space<vmem>>, vector<16xf32>,
    tpu.vector_store %arg9[%swap3A_16], %broadcast_in_dim3A_3 {strides = array<i32>} : memref<1040xf32, #tpu.memory_space<vmem>>, vector<16xf32>,
    %swap3A_18 = arith.constant 32 : index
    %swap3A_19 = tpu.vector_load %arg10[%swap3A_18] {strides = array<i32>} : memref<1040xf32, #tpu.memory_space<vmem>>, vector<16xf32>,
    tpu.vector_store %arg10[%swap3A_18], %broadcast_in_dim3A_3 {strides = array<i32>} : memref<1040xf32, #tpu.memory_space<vmem>>, vector<16xf32>,
    %swap3A_20 = arith.constant 48 : index
    %swap3A_21 = tpu.vector_load %arg9[%swap3A_20] {strides = array<i32>} : memref<1040xf32, #tpu.memory_space<vmem>>, vector<16xf32>,
    tpu.vector_store %arg9[%swap3A_20], %broadcast_in_dim3A_3 {strides = array<i32>} : memref<1040xf32, #tpu.memory_space<vmem>>, vector<16xf32>,
    %swap3A_22 = arith.constant 48 : index
    %swap3A_23 = tpu.vector_load %arg10[%swap3A_22] {strides = array<i32>} : memref<1040xf32, #tpu.memory_space<vmem>>, vector<16xf32>,
    tpu.vector_store %arg10[%swap3A_22], %broadcast_in_dim3A_3 {strides = array<i32>} : memref<1040xf32, #tpu.memory_space<vmem>>, vector<16xf32>,
    %swap3A_24 = arith.constant 65 : index
    %swap3A_25 = tpu.vector_load %arg9[%swap3A_24] {strides = array<i32>} : memref<1040xf32, #tpu.memory_space<vmem>>, vector<16xf32>,
    tpu.vector_store %arg9[%swap3A_24], %broadcast_in_dim3A_3 {strides = array<i32>} : memref<1040xf32, #tpu.memory_space<vmem>>, vector<16xf32>,
    %swap3A_26 = arith.constant 65 : index
    %swap3A_27 = tpu.vector_load %arg10[%swap3A_26] {strides = array<i32>} : memref<1040xf32, #tpu.memory_space<vmem>>, vector<16xf32>,
    tpu.vector_store %arg10[%swap3A_26], %broadcast_in_dim3A_3 {strides = array<i32>} : memref<1040xf32, #tpu.memory_space<vmem>>, vector<16xf32>,
    %swap3A_28 = arith.constant 81 : index
    %swap3A_29 = tpu.vector_load %arg9[%swap3A_28] {strides = array<i32>} : memref<1040xf32, #tpu.memory_space<vmem>>, vector<16xf32>,
    tpu.vector_store %arg9[%swap3A_28], %broadcast_in_dim3A_3 {strides = array<i32>} : memref<1040xf32, #tpu.memory_space<vmem>>, vector<16xf32>,
    %swap3A_30 = arith.constant 81 : index
    %swap3A_31 = tpu.vector_load %arg10[%swap3A_30] {strides = array<i32>} : memref<1040xf32, #tpu.memory_space<vmem>>, vector<16xf32>,
    tpu.vector_store %arg10[%swap3A_30], %broadcast_in_dim3A_3 {strides = array<i32>} : memref<1040xf32, #tpu.memory_space<vmem>>, vector<16xf32>,
    %swap3A_32 = arith.constant 97 : index
    %swap3A_33 = tpu.vector_load %arg9[%swap3A_32] {strides = array<i32>} : memref<1040xf32, #tpu.memory_space<vmem>>, vector<16xf32>,
    tpu.vector_store %arg9[%swap3A_32], %broadcast_in_dim3A_3 {strides = array<i32>} : memref<1040xf32, #tpu.memory_space<vmem>>, vector<16xf32>,
    %swap3A_34 = arith.constant 97 : index
    %swap3A_35 = tpu.vector_load %arg10[%swap3A_34] {strides = array<i32>} : memref<1040xf32, #tpu.memory_space<vmem>>, vector<16xf32>,
    tpu.vector_store %arg10[%swap3A_34], %broadcast_in_dim3A_3 {strides = array<i32>} : memref<1040xf32, #tpu.memory_space<vmem>>, vector<16xf32>,
    %swap3A_36 = arith.constant 113 : index
    %swap3A_37 = tpu.vector_load %arg9[%swap3A_36] {strides = array<i32>} : memref<1040xf32, #tpu.memory_space<vmem>>, vector<16xf32>,
    tpu.vector_store %arg9[%swap3A_36], %broadcast_in_dim3A_3 {strides = array<i32>} : memref<1040xf32, #tpu.memory_space<vmem>>, vector<16xf32>,
    %swap3A_38 = arith.constant 113 : index
    %swap3A_39 = tpu.vector_load %arg10[%swap3A_38] {strides = array<i32>} : memref<1040xf32, #tpu.memory_space<vmem>>, vector<16xf32>,
    tpu.vector_store %arg10[%swap3A_38], %broadcast_in_dim3A_3 {strides = array<i32>} : memref<1040xf32, #tpu.memory_space<vmem>>, vector<16xf32>,
    %swap3A_40 = arith.constant 130 : index
    %swap3A_41 = tpu.vector_load %arg9[%swap3A_40] {strides = array<i32>} : memref<1040xf32, #tpu.memory_space<vmem>>, vector<16xf32>,
    tpu.vector_store %arg9[%swap3A_40], %broadcast_in_dim3A_3 {strides = array<i32>} : memref<1040xf32, #tpu.memory_space<vmem>>, vector<16xf32>,
    %swap3A_42 = arith.constant 130 : index
    %swap3A_43 = tpu.vector_load %arg10[%swap3A_42] {strides = array<i32>} : memref<1040xf32, #tpu.memory_space<vmem>>, vector<16xf32>,
    tpu.vector_store %arg10[%swap3A_42], %broadcast_in_dim3A_3 {strides = array<i32>} : memref<1040xf32, #tpu.memory_space<vmem>>, vector<16xf32>,
    %swap3A_44 = arith.constant 146 : index
    %swap3A_45 = tpu.vector_load %arg9[%swap3A_44] {strides = array<i32>} : memref<1040xf32, #tpu.memory_space<vmem>>, vector<16xf32>,
    tpu.vector_store %arg9[%swap3A_44], %broadcast_in_dim3A_3 {strides = array<i32>} : memref<1040xf32, #tpu.memory_space<vmem>>, vector<16xf32>,
    %swap3A_46 = arith.constant 146 : index
    %swap3A_47 = tpu.vector_load %arg10[%swap3A_46] {strides = array<i32>} : memref<1040xf32, #tpu.memory_space<vmem>>, vector<16xf32>,
    tpu.vector_store %arg10[%swap3A_46], %broadcast_in_dim3A_3 {strides = array<i32>} : memref<1040xf32, #tpu.memory_space<vmem>>, vector<16xf32>,
    %swap3A_48 = arith.constant 162 : index
    %swap3A_49 = tpu.vector_load %arg9[%swap3A_48] {strides = array<i32>} : memref<1040xf32, #tpu.memory_space<vmem>>, vector<16xf32>,
    tpu.vector_store %arg9[%swap3A_48], %broadcast_in_dim3A_3 {strides = array<i32>} : memref<1040xf32, #tpu.memory_space<vmem>>, vector<16xf32>,
    %swap3A_50 = arith.constant 162 : index
    %swap3A_51 = tpu.vector_load %arg10[%swap3A_50] {strides = array<i32>} : memref<1040xf32, #tpu.memory_space<vmem>>, vector<16xf32>,
    tpu.vector_store %arg10[%swap3A_50], %broadcast_in_dim3A_3 {strides = array<i32>} : memref<1040xf32, #tpu.memory_space<vmem>>, vector<16xf32>,
    %swap3A_52 = arith.constant 178 : index
    %swap3A_53 = tpu.vector_load %arg9[%swap3A_52] {strides = array<i32>} : memref<1040xf32, #tpu.memory_space<vmem>>, vector<16xf32>,
    tpu.vector_store %arg9[%swap3A_52], %broadcast_in_dim3A_3 {strides = array<i32>} : memref<1040xf32, #tpu.memory_space<vmem>>, vector<16xf32>,
    %swap3A_54 = arith.constant 178 : index
    %swap3A_55 = tpu.vector_load %arg10[%swap3A_54] {strides = array<i32>} : memref<1040xf32, #tpu.memory_space<vmem>>, vector<16xf32>,
    tpu.vector_store %arg10[%swap3A_54], %broadcast_in_dim3A_3 {strides = array<i32>} : memref<1040xf32, #tpu.memory_space<vmem>>, vector<16xf32>,
    %swap3A_56 = arith.constant 195 : index
    %swap3A_57 = tpu.vector_load %arg9[%swap3A_56] {strides = array<i32>} : memref<1040xf32, #tpu.memory_space<vmem>>, vector<16xf32>,
    tpu.vector_store %arg9[%swap3A_56], %broadcast_in_dim3A_3 {strides = array<i32>} : memref<1040xf32, #tpu.memory_space<vmem>>, vector<16xf32>,
    %swap3A_58 = arith.constant 195 : index
    %swap3A_59 = tpu.vector_load %arg10[%swap3A_58] {strides = array<i32>} : memref<1040xf32, #tpu.memory_space<vmem>>, vector<16xf32>,
    tpu.vector_store %arg10[%swap3A_58], %broadcast_in_dim3A_3 {strides = array<i32>} : memref<1040xf32, #tpu.memory_space<vmem>>, vector<16xf32>,
    %swap3A_60 = arith.constant 211 : index
    %swap3A_61 = tpu.vector_load %arg9[%swap3A_60] {strides = array<i32>} : memref<1040xf32, #tpu.memory_space<vmem>>, vector<16xf32>,
    tpu.vector_store %arg9[%swap3A_60], %broadcast_in_dim3A_3 {strides = array<i32>} : memref<1040xf32, #tpu.memory_space<vmem>>, vector<16xf32>,
    %swap3A_62 = arith.constant 211 : index
    %swap3A_63 = tpu.vector_load %arg10[%swap3A_62] {strides = array<i32>} : memref<1040xf32, #tpu.memory_space<vmem>>, vector<16xf32>,
    tpu.vector_store %arg10[%swap3A_62], %broadcast_in_dim3A_3 {strides = array<i32>} : memref<1040xf32, #tpu.memory_space<vmem>>, vector<16xf32>,
    %swap3A_64 = arith.constant 227 : index
    %swap3A_65 = tpu.vector_load %arg9[%swap3A_64] {strides = array<i32>} : memref<1040xf32, #tpu.memory_space<vmem>>, vector<16xf32>,
    tpu.vector_store %arg9[%swap3A_64], %broadcast_in_dim3A_3 {strides = array<i32>} : memref<1040xf32, #tpu.memory_space<vmem>>, vector<16xf32>,
    %swap3A_66 = arith.constant 227 : index
    %swap3A_67 = tpu.vector_load %arg10[%swap3A_66] {strides = array<i32>} : memref<1040xf32, #tpu.memory_space<vmem>>, vector<16xf32>,
    tpu.vector_store %arg10[%swap3A_66], %broadcast_in_dim3A_3 {strides = array<i32>} : memref<1040xf32, #tpu.memory_space<vmem>>, vector<16xf32>,
    %swap3A_68 = arith.constant 243 : index
    %swap3A_69 = tpu.vector_load %arg9[%swap3A_68] {strides = array<i32>} : memref<1040xf32, #tpu.memory_space<vmem>>, vector<16xf32>,
    tpu.vector_store %arg9[%swap3A_68], %broadcast_in_dim3A_3 {strides = array<i32>} : memref<1040xf32, #tpu.memory_space<vmem>>, vector<16xf32>,
    %swap3A_70 = arith.constant 243 : index
    %swap3A_71 = tpu.vector_load %arg10[%swap3A_70] {strides = array<i32>} : memref<1040xf32, #tpu.memory_space<vmem>>, vector<16xf32>,
    tpu.vector_store %arg10[%swap3A_70], %broadcast_in_dim3A_3 {strides = array<i32>} : memref<1040xf32, #tpu.memory_space<vmem>>, vector<16xf32>,
    %swap3A_72 = arith.constant 260 : index
    %swap3A_73 = tpu.vector_load %arg9[%swap3A_72] {strides = array<i32>} : memref<1040xf32, #tpu.memory_space<vmem>>, vector<16xf32>,
    tpu.vector_store %arg9[%swap3A_72], %broadcast_in_dim3A_3 {strides = array<i32>} : memref<1040xf32, #tpu.memory_space<vmem>>, vector<16xf32>,
    %swap3A_74 = arith.constant 260 : index
    %swap3A_75 = tpu.vector_load %arg10[%swap3A_74] {strides = array<i32>} : memref<1040xf32, #tpu.memory_space<vmem>>, vector<16xf32>,
    tpu.vector_store %arg10[%swap3A_74], %broadcast_in_dim3A_3 {strides = array<i32>} : memref<1040xf32, #tpu.memory_space<vmem>>, vector<16xf32>,
    %swap3A_76 = arith.constant 276 : index
    %swap3A_77 = tpu.vector_load %arg9[%swap3A_76] {strides = array<i32>} : memref<1040xf32, #tpu.memory_space<vmem>>, vector<16xf32>,
    tpu.vector_store %arg9[%swap3A_76], %broadcast_in_dim3A_3 {strides = array<i32>} : memref<1040xf32, #tpu.memory_space<vmem>>, vector<16xf32>,
    %swap3A_78 = arith.constant 276 : index
    %swap3A_79 = tpu.vector_load %arg10[%swap3A_78] {strides = array<i32>} : memref<1040xf32, #tpu.memory_space<vmem>>, vector<16xf32>,
    tpu.vector_store %arg10[%swap3A_78], %broadcast_in_dim3A_3 {strides = array<i32>} : memref<1040xf32, #tpu.memory_space<vmem>>, vector<16xf32>,
    %swap3A_80 = arith.constant 292 : index
    %swap3A_81 = tpu.vector_load %arg9[%swap3A_80] {strides = array<i32>} : memref<1040xf32, #tpu.memory_space<vmem>>, vector<16xf32>,
    tpu.vector_store %arg9[%swap3A_80], %broadcast_in_dim3A_3 {strides = array<i32>} : memref<1040xf32, #tpu.memory_space<vmem>>, vector<16xf32>,
    %swap3A_82 = arith.constant 292 : index
    %swap3A_83 = tpu.vector_load %arg10[%swap3A_82] {strides = array<i32>} : memref<1040xf32, #tpu.memory_space<vmem>>, vector<16xf32>,
    tpu.vector_store %arg10[%swap3A_82], %broadcast_in_dim3A_3 {strides = array<i32>} : memref<1040xf32, #tpu.memory_space<vmem>>, vector<16xf32>,
    %swap3A_84 = arith.constant 308 : index
    %swap3A_85 = tpu.vector_load %arg9[%swap3A_84] {strides = array<i32>} : memref<1040xf32, #tpu.memory_space<vmem>>, vector<16xf32>,
    tpu.vector_store %arg9[%swap3A_84], %broadcast_in_dim3A_3 {strides = array<i32>} : memref<1040xf32, #tpu.memory_space<vmem>>, vector<16xf32>,
    %swap3A_86 = arith.constant 308 : index
    %swap3A_87 = tpu.vector_load %arg10[%swap3A_86] {strides = array<i32>} : memref<1040xf32, #tpu.memory_space<vmem>>, vector<16xf32>,
    tpu.vector_store %arg10[%swap3A_86], %broadcast_in_dim3A_3 {strides = array<i32>} : memref<1040xf32, #tpu.memory_space<vmem>>, vector<16xf32>,
    %swap3A_88 = arith.constant 325 : index
    %swap3A_89 = tpu.vector_load %arg9[%swap3A_88] {strides = array<i32>} : memref<1040xf32, #tpu.memory_space<vmem>>, vector<16xf32>,
    tpu.vector_store %arg9[%swap3A_88], %broadcast_in_dim3A_3 {strides = array<i32>} : memref<1040xf32, #tpu.memory_space<vmem>>, vector<16xf32>,
    %swap3A_90 = arith.constant 325 : index
    %swap3A_91 = tpu.vector_load %arg10[%swap3A_90] {strides = array<i32>} : memref<1040xf32, #tpu.memory_space<vmem>>, vector<16xf32>,
    tpu.vector_store %arg10[%swap3A_90], %broadcast_in_dim3A_3 {strides = array<i32>} : memref<1040xf32, #tpu.memory_space<vmem>>, vector<16xf32>,
    %swap3A_92 = arith.constant 341 : index
    %swap3A_93 = tpu.vector_load %arg9[%swap3A_92] {strides = array<i32>} : memref<1040xf32, #tpu.memory_space<vmem>>, vector<16xf32>,
    tpu.vector_store %arg9[%swap3A_92], %broadcast_in_dim3A_3 {strides = array<i32>} : memref<1040xf32, #tpu.memory_space<vmem>>, vector<16xf32>,
    %swap3A_94 = arith.constant 341 : index
    %swap3A_95 = tpu.vector_load %arg10[%swap3A_94] {strides = array<i32>} : memref<1040xf32, #tpu.memory_space<vmem>>, vector<16xf32>,
    tpu.vector_store %arg10[%swap3A_94], %broadcast_in_dim3A_3 {strides = array<i32>} : memref<1040xf32, #tpu.memory_space<vmem>>, vector<16xf32>,
    %swap3A_96 = arith.constant 357 : index
    %swap3A_97 = tpu.vector_load %arg9[%swap3A_96] {strides = array<i32>} : memref<1040xf32, #tpu.memory_space<vmem>>, vector<16xf32>,
    tpu.vector_store %arg9[%swap3A_96], %broadcast_in_dim3A_3 {strides = array<i32>} : memref<1040xf32, #tpu.memory_space<vmem>>, vector<16xf32>,
    %swap3A_98 = arith.constant 357 : index
    %swap3A_99 = tpu.vector_load %arg10[%swap3A_98] {strides = array<i32>} : memref<1040xf32, #tpu.memory_space<vmem>>, vector<16xf32>,
    tpu.vector_store %arg10[%swap3A_98], %broadcast_in_dim3A_3 {strides = array<i32>} : memref<1040xf32, #tpu.memory_space<vmem>>, vector<16xf32>,
    %swap3A_100 = arith.constant 373 : index
    %swap3A_101 = tpu.vector_load %arg9[%swap3A_100] {strides = array<i32>} : memref<1040xf32, #tpu.memory_space<vmem>>, vector<16xf32>,
    tpu.vector_store %arg9[%swap3A_100], %broadcast_in_dim3A_3 {strides = array<i32>} : memref<1040xf32, #tpu.memory_space<vmem>>, vector<16xf32>,
    %swap3A_102 = arith.constant 373 : index
    %swap3A_103 = tpu.vector_load %arg10[%swap3A_102] {strides = array<i32>} : memref<1040xf32, #tpu.memory_space<vmem>>, vector<16xf32>,
    tpu.vector_store %arg10[%swap3A_102], %broadcast_in_dim3A_3 {strides = array<i32>} : memref<1040xf32, #tpu.memory_space<vmem>>, vector<16xf32>,
    %swap3A_104 = arith.constant 390 : index
    %swap3A_105 = tpu.vector_load %arg9[%swap3A_104] {strides = array<i32>} : memref<1040xf32, #tpu.memory_space<vmem>>, vector<16xf32>,
    tpu.vector_store %arg9[%swap3A_104], %broadcast_in_dim3A_3 {strides = array<i32>} : memref<1040xf32, #tpu.memory_space<vmem>>, vector<16xf32>,
    %swap3A_106 = arith.constant 390 : index
    %swap3A_107 = tpu.vector_load %arg10[%swap3A_106] {strides = array<i32>} : memref<1040xf32, #tpu.memory_space<vmem>>, vector<16xf32>,
    tpu.vector_store %arg10[%swap3A_106], %broadcast_in_dim3A_3 {strides = array<i32>} : memref<1040xf32, #tpu.memory_space<vmem>>, vector<16xf32>,
    %swap3A_108 = arith.constant 406 : index
    %swap3A_109 = tpu.vector_load %arg9[%swap3A_108] {strides = array<i32>} : memref<1040xf32, #tpu.memory_space<vmem>>, vector<16xf32>,
    tpu.vector_store %arg9[%swap3A_108], %broadcast_in_dim3A_3 {strides = array<i32>} : memref<1040xf32, #tpu.memory_space<vmem>>, vector<16xf32>,
    %swap3A_110 = arith.constant 406 : index
    %swap3A_111 = tpu.vector_load %arg10[%swap3A_110] {strides = array<i32>} : memref<1040xf32, #tpu.memory_space<vmem>>, vector<16xf32>,
    tpu.vector_store %arg10[%swap3A_110], %broadcast_in_dim3A_3 {strides = array<i32>} : memref<1040xf32, #tpu.memory_space<vmem>>, vector<16xf32>,
    %swap3A_112 = arith.constant 422 : index
    %swap3A_113 = tpu.vector_load %arg9[%swap3A_112] {strides = array<i32>} : memref<1040xf32, #tpu.memory_space<vmem>>, vector<16xf32>,
    tpu.vector_store %arg9[%swap3A_112], %broadcast_in_dim3A_3 {strides = array<i32>} : memref<1040xf32, #tpu.memory_space<vmem>>, vector<16xf32>,
    %swap3A_114 = arith.constant 422 : index
    %swap3A_115 = tpu.vector_load %arg10[%swap3A_114] {strides = array<i32>} : memref<1040xf32, #tpu.memory_space<vmem>>, vector<16xf32>,
    tpu.vector_store %arg10[%swap3A_114], %broadcast_in_dim3A_3 {strides = array<i32>} : memref<1040xf32, #tpu.memory_space<vmem>>, vector<16xf32>,
    %swap3A_116 = arith.constant 438 : index
    %swap3A_117 = tpu.vector_load %arg9[%swap3A_116] {strides = array<i32>} : memref<1040xf32, #tpu.memory_space<vmem>>, vector<16xf32>,
    tpu.vector_store %arg9[%swap3A_116], %broadcast_in_dim3A_3 {strides = array<i32>} : memref<1040xf32, #tpu.memory_space<vmem>>, vector<16xf32>,
    %swap3A_118 = arith.constant 438 : index
    %swap3A_119 = tpu.vector_load %arg10[%swap3A_118] {strides = array<i32>} : memref<1040xf32, #tpu.memory_space<vmem>>, vector<16xf32>,
    tpu.vector_store %arg10[%swap3A_118], %broadcast_in_dim3A_3 {strides = array<i32>} : memref<1040xf32, #tpu.memory_space<vmem>>, vector<16xf32>,
    %swap3A_120 = arith.constant 455 : index
    %swap3A_121 = tpu.vector_load %arg9[%swap3A_120] {strides = array<i32>} : memref<1040xf32, #tpu.memory_space<vmem>>, vector<16xf32>,
    tpu.vector_store %arg9[%swap3A_120], %broadcast_in_dim3A_3 {strides = array<i32>} : memref<1040xf32, #tpu.memory_space<vmem>>, vector<16xf32>,
    %swap3A_122 = arith.constant 455 : index
    %swap3A_123 = tpu.vector_load %arg10[%swap3A_122] {strides = array<i32>} : memref<1040xf32, #tpu.memory_space<vmem>>, vector<16xf32>,
    tpu.vector_store %arg10[%swap3A_122], %broadcast_in_dim3A_3 {strides = array<i32>} : memref<1040xf32, #tpu.memory_space<vmem>>, vector<16xf32>,
    %swap3A_124 = arith.constant 471 : index
    %swap3A_125 = tpu.vector_load %arg9[%swap3A_124] {strides = array<i32>} : memref<1040xf32, #tpu.memory_space<vmem>>, vector<16xf32>,
    tpu.vector_store %arg9[%swap3A_124], %broadcast_in_dim3A_3 {strides = array<i32>} : memref<1040xf32, #tpu.memory_space<vmem>>, vector<16xf32>,
    %swap3A_126 = arith.constant 471 : index
    %swap3A_127 = tpu.vector_load %arg10[%swap3A_126] {strides = array<i32>} : memref<1040xf32, #tpu.memory_space<vmem>>, vector<16xf32>,
    tpu.vector_store %arg10[%swap3A_126], %broadcast_in_dim3A_3 {strides = array<i32>} : memref<1040xf32, #tpu.memory_space<vmem>>, vector<16xf32>,
    %swap3A_128 = arith.constant 487 : index
    %swap3A_129 = tpu.vector_load %arg9[%swap3A_128] {strides = array<i32>} : memref<1040xf32, #tpu.memory_space<vmem>>, vector<16xf32>,
    tpu.vector_store %arg9[%swap3A_128], %broadcast_in_dim3A_3 {strides = array<i32>} : memref<1040xf32, #tpu.memory_space<vmem>>, vector<16xf32>,
    %swap3A_130 = arith.constant 487 : index
    %swap3A_131 = tpu.vector_load %arg10[%swap3A_130] {strides = array<i32>} : memref<1040xf32, #tpu.memory_space<vmem>>, vector<16xf32>,
    tpu.vector_store %arg10[%swap3A_130], %broadcast_in_dim3A_3 {strides = array<i32>} : memref<1040xf32, #tpu.memory_space<vmem>>, vector<16xf32>,
    %swap3A_132 = arith.constant 503 : index
    %swap3A_133 = tpu.vector_load %arg9[%swap3A_132] {strides = array<i32>} : memref<1040xf32, #tpu.memory_space<vmem>>, vector<16xf32>,
    tpu.vector_store %arg9[%swap3A_132], %broadcast_in_dim3A_3 {strides = array<i32>} : memref<1040xf32, #tpu.memory_space<vmem>>, vector<16xf32>,
    %swap3A_134 = arith.constant 503 : index
    %swap3A_135 = tpu.vector_load %arg10[%swap3A_134] {strides = array<i32>} : memref<1040xf32, #tpu.memory_space<vmem>>, vector<16xf32>,
    tpu.vector_store %arg10[%swap3A_134], %broadcast_in_dim3A_3 {strides = array<i32>} : memref<1040xf32, #tpu.memory_space<vmem>>, vector<16xf32>,
    %swap3A_136 = arith.constant 520 : index
    %swap3A_137 = tpu.vector_load %arg9[%swap3A_136] {strides = array<i32>} : memref<1040xf32, #tpu.memory_space<vmem>>, vector<16xf32>,
    tpu.vector_store %arg9[%swap3A_136], %broadcast_in_dim3A_3 {strides = array<i32>} : memref<1040xf32, #tpu.memory_space<vmem>>, vector<16xf32>,
    %swap3A_138 = arith.constant 520 : index
    %swap3A_139 = tpu.vector_load %arg10[%swap3A_138] {strides = array<i32>} : memref<1040xf32, #tpu.memory_space<vmem>>, vector<16xf32>,
    tpu.vector_store %arg10[%swap3A_138], %broadcast_in_dim3A_3 {strides = array<i32>} : memref<1040xf32, #tpu.memory_space<vmem>>, vector<16xf32>,
    %swap3A_140 = arith.constant 536 : index
    %swap3A_141 = tpu.vector_load %arg9[%swap3A_140] {strides = array<i32>} : memref<1040xf32, #tpu.memory_space<vmem>>, vector<16xf32>,
    tpu.vector_store %arg9[%swap3A_140], %broadcast_in_dim3A_3 {strides = array<i32>} : memref<1040xf32, #tpu.memory_space<vmem>>, vector<16xf32>,
    %swap3A_142 = arith.constant 536 : index
    %swap3A_143 = tpu.vector_load %arg10[%swap3A_142] {strides = array<i32>} : memref<1040xf32, #tpu.memory_space<vmem>>, vector<16xf32>,
    tpu.vector_store %arg10[%swap3A_142], %broadcast_in_dim3A_3 {strides = array<i32>} : memref<1040xf32, #tpu.memory_space<vmem>>, vector<16xf32>,
    %swap3A_144 = arith.constant 552 : index
    %swap3A_145 = tpu.vector_load %arg9[%swap3A_144] {strides = array<i32>} : memref<1040xf32, #tpu.memory_space<vmem>>, vector<16xf32>,
    tpu.vector_store %arg9[%swap3A_144], %broadcast_in_dim3A_3 {strides = array<i32>} : memref<1040xf32, #tpu.memory_space<vmem>>, vector<16xf32>,
    %swap3A_146 = arith.constant 552 : index
    %swap3A_147 = tpu.vector_load %arg10[%swap3A_146] {strides = array<i32>} : memref<1040xf32, #tpu.memory_space<vmem>>, vector<16xf32>,
    tpu.vector_store %arg10[%swap3A_146], %broadcast_in_dim3A_3 {strides = array<i32>} : memref<1040xf32, #tpu.memory_space<vmem>>, vector<16xf32>,
    %swap3A_148 = arith.constant 568 : index
    %swap3A_149 = tpu.vector_load %arg9[%swap3A_148] {strides = array<i32>} : memref<1040xf32, #tpu.memory_space<vmem>>, vector<16xf32>,
    tpu.vector_store %arg9[%swap3A_148], %broadcast_in_dim3A_3 {strides = array<i32>} : memref<1040xf32, #tpu.memory_space<vmem>>, vector<16xf32>,
    %swap3A_150 = arith.constant 568 : index
    %swap3A_151 = tpu.vector_load %arg10[%swap3A_150] {strides = array<i32>} : memref<1040xf32, #tpu.memory_space<vmem>>, vector<16xf32>,
    tpu.vector_store %arg10[%swap3A_150], %broadcast_in_dim3A_3 {strides = array<i32>} : memref<1040xf32, #tpu.memory_space<vmem>>, vector<16xf32>,
    %swap3A_152 = arith.constant 585 : index
    %swap3A_153 = tpu.vector_load %arg9[%swap3A_152] {strides = array<i32>} : memref<1040xf32, #tpu.memory_space<vmem>>, vector<16xf32>,
    tpu.vector_store %arg9[%swap3A_152], %broadcast_in_dim3A_3 {strides = array<i32>} : memref<1040xf32, #tpu.memory_space<vmem>>, vector<16xf32>,
    %swap3A_154 = arith.constant 585 : index
    %swap3A_155 = tpu.vector_load %arg10[%swap3A_154] {strides = array<i32>} : memref<1040xf32, #tpu.memory_space<vmem>>, vector<16xf32>,
    tpu.vector_store %arg10[%swap3A_154], %broadcast_in_dim3A_3 {strides = array<i32>} : memref<1040xf32, #tpu.memory_space<vmem>>, vector<16xf32>,
    %swap3A_156 = arith.constant 601 : index
    %swap3A_157 = tpu.vector_load %arg9[%swap3A_156] {strides = array<i32>} : memref<1040xf32, #tpu.memory_space<vmem>>, vector<16xf32>,
    tpu.vector_store %arg9[%swap3A_156], %broadcast_in_dim3A_3 {strides = array<i32>} : memref<1040xf32, #tpu.memory_space<vmem>>, vector<16xf32>,
    %swap3A_158 = arith.constant 601 : index
    %swap3A_159 = tpu.vector_load %arg10[%swap3A_158] {strides = array<i32>} : memref<1040xf32, #tpu.memory_space<vmem>>, vector<16xf32>,
    tpu.vector_store %arg10[%swap3A_158], %broadcast_in_dim3A_3 {strides = array<i32>} : memref<1040xf32, #tpu.memory_space<vmem>>, vector<16xf32>,
    %swap3A_160 = arith.constant 617 : index
    %swap3A_161 = tpu.vector_load %arg9[%swap3A_160] {strides = array<i32>} : memref<1040xf32, #tpu.memory_space<vmem>>, vector<16xf32>,
    tpu.vector_store %arg9[%swap3A_160], %broadcast_in_dim3A_3 {strides = array<i32>} : memref<1040xf32, #tpu.memory_space<vmem>>, vector<16xf32>,
    %swap3A_162 = arith.constant 617 : index
    %swap3A_163 = tpu.vector_load %arg10[%swap3A_162] {strides = array<i32>} : memref<1040xf32, #tpu.memory_space<vmem>>, vector<16xf32>,
    tpu.vector_store %arg10[%swap3A_162], %broadcast_in_dim3A_3 {strides = array<i32>} : memref<1040xf32, #tpu.memory_space<vmem>>, vector<16xf32>,
    %swap3A_164 = arith.constant 633 : index
    %swap3A_165 = tpu.vector_load %arg9[%swap3A_164] {strides = array<i32>} : memref<1040xf32, #tpu.memory_space<vmem>>, vector<16xf32>,
    tpu.vector_store %arg9[%swap3A_164], %broadcast_in_dim3A_3 {strides = array<i32>} : memref<1040xf32, #tpu.memory_space<vmem>>, vector<16xf32>,
    %swap3A_166 = arith.constant 633 : index
    %swap3A_167 = tpu.vector_load %arg10[%swap3A_166] {strides = array<i32>} : memref<1040xf32, #tpu.memory_space<vmem>>, vector<16xf32>,
    tpu.vector_store %arg10[%swap3A_166], %broadcast_in_dim3A_3 {strides = array<i32>} : memref<1040xf32, #tpu.memory_space<vmem>>, vector<16xf32>,
    %swap3A_168 = arith.constant 650 : index
    %swap3A_169 = tpu.vector_load %arg9[%swap3A_168] {strides = array<i32>} : memref<1040xf32, #tpu.memory_space<vmem>>, vector<16xf32>,
    tpu.vector_store %arg9[%swap3A_168], %broadcast_in_dim3A_3 {strides = array<i32>} : memref<1040xf32, #tpu.memory_space<vmem>>, vector<16xf32>,
    %swap3A_170 = arith.constant 650 : index
    %swap3A_171 = tpu.vector_load %arg10[%swap3A_170] {strides = array<i32>} : memref<1040xf32, #tpu.memory_space<vmem>>, vector<16xf32>,
    tpu.vector_store %arg10[%swap3A_170], %broadcast_in_dim3A_3 {strides = array<i32>} : memref<1040xf32, #tpu.memory_space<vmem>>, vector<16xf32>,
    %swap3A_172 = arith.constant 666 : index
    %swap3A_173 = tpu.vector_load %arg9[%swap3A_172] {strides = array<i32>} : memref<1040xf32, #tpu.memory_space<vmem>>, vector<16xf32>,
    tpu.vector_store %arg9[%swap3A_172], %broadcast_in_dim3A_3 {strides = array<i32>} : memref<1040xf32, #tpu.memory_space<vmem>>, vector<16xf32>,
    %swap3A_174 = arith.constant 666 : index
    %swap3A_175 = tpu.vector_load %arg10[%swap3A_174] {strides = array<i32>} : memref<1040xf32, #tpu.memory_space<vmem>>, vector<16xf32>,
    tpu.vector_store %arg10[%swap3A_174], %broadcast_in_dim3A_3 {strides = array<i32>} : memref<1040xf32, #tpu.memory_space<vmem>>, vector<16xf32>,
    %swap3A_176 = arith.constant 682 : index
    %swap3A_177 = tpu.vector_load %arg9[%swap3A_176] {strides = array<i32>} : memref<1040xf32, #tpu.memory_space<vmem>>, vector<16xf32>,
    tpu.vector_store %arg9[%swap3A_176], %broadcast_in_dim3A_3 {strides = array<i32>} : memref<1040xf32, #tpu.memory_space<vmem>>, vector<16xf32>,
    %swap3A_178 = arith.constant 682 : index
    %swap3A_179 = tpu.vector_load %arg10[%swap3A_178] {strides = array<i32>} : memref<1040xf32, #tpu.memory_space<vmem>>, vector<16xf32>,
    tpu.vector_store %arg10[%swap3A_178], %broadcast_in_dim3A_3 {strides = array<i32>} : memref<1040xf32, #tpu.memory_space<vmem>>, vector<16xf32>,
    %swap3A_180 = arith.constant 698 : index
    %swap3A_181 = tpu.vector_load %arg9[%swap3A_180] {strides = array<i32>} : memref<1040xf32, #tpu.memory_space<vmem>>, vector<16xf32>,
    tpu.vector_store %arg9[%swap3A_180], %broadcast_in_dim3A_3 {strides = array<i32>} : memref<1040xf32, #tpu.memory_space<vmem>>, vector<16xf32>,
    %swap3A_182 = arith.constant 698 : index
    %swap3A_183 = tpu.vector_load %arg10[%swap3A_182] {strides = array<i32>} : memref<1040xf32, #tpu.memory_space<vmem>>, vector<16xf32>,
    tpu.vector_store %arg10[%swap3A_182], %broadcast_in_dim3A_3 {strides = array<i32>} : memref<1040xf32, #tpu.memory_space<vmem>>, vector<16xf32>,
    %swap3A_184 = arith.constant 715 : index
    %swap3A_185 = tpu.vector_load %arg9[%swap3A_184] {strides = array<i32>} : memref<1040xf32, #tpu.memory_space<vmem>>, vector<16xf32>,
    tpu.vector_store %arg9[%swap3A_184], %broadcast_in_dim3A_3 {strides = array<i32>} : memref<1040xf32, #tpu.memory_space<vmem>>, vector<16xf32>,
    %swap3A_186 = arith.constant 715 : index
    %swap3A_187 = tpu.vector_load %arg10[%swap3A_186] {strides = array<i32>} : memref<1040xf32, #tpu.memory_space<vmem>>, vector<16xf32>,
    tpu.vector_store %arg10[%swap3A_186], %broadcast_in_dim3A_3 {strides = array<i32>} : memref<1040xf32, #tpu.memory_space<vmem>>, vector<16xf32>,
    %swap3A_188 = arith.constant 731 : index
    %swap3A_189 = tpu.vector_load %arg9[%swap3A_188] {strides = array<i32>} : memref<1040xf32, #tpu.memory_space<vmem>>, vector<16xf32>,
    tpu.vector_store %arg9[%swap3A_188], %broadcast_in_dim3A_3 {strides = array<i32>} : memref<1040xf32, #tpu.memory_space<vmem>>, vector<16xf32>,
    %swap3A_190 = arith.constant 731 : index
    %swap3A_191 = tpu.vector_load %arg10[%swap3A_190] {strides = array<i32>} : memref<1040xf32, #tpu.memory_space<vmem>>, vector<16xf32>,
    tpu.vector_store %arg10[%swap3A_190], %broadcast_in_dim3A_3 {strides = array<i32>} : memref<1040xf32, #tpu.memory_space<vmem>>, vector<16xf32>,
    %swap3A_192 = arith.constant 747 : index
    %swap3A_193 = tpu.vector_load %arg9[%swap3A_192] {strides = array<i32>} : memref<1040xf32, #tpu.memory_space<vmem>>, vector<16xf32>,
    tpu.vector_store %arg9[%swap3A_192], %broadcast_in_dim3A_3 {strides = array<i32>} : memref<1040xf32, #tpu.memory_space<vmem>>, vector<16xf32>,
    %swap3A_194 = arith.constant 747 : index
    %swap3A_195 = tpu.vector_load %arg10[%swap3A_194] {strides = array<i32>} : memref<1040xf32, #tpu.memory_space<vmem>>, vector<16xf32>,
    tpu.vector_store %arg10[%swap3A_194], %broadcast_in_dim3A_3 {strides = array<i32>} : memref<1040xf32, #tpu.memory_space<vmem>>, vector<16xf32>,
    %swap3A_196 = arith.constant 763 : index
    %swap3A_197 = tpu.vector_load %arg9[%swap3A_196] {strides = array<i32>} : memref<1040xf32, #tpu.memory_space<vmem>>, vector<16xf32>,
    tpu.vector_store %arg9[%swap3A_196], %broadcast_in_dim3A_3 {strides = array<i32>} : memref<1040xf32, #tpu.memory_space<vmem>>, vector<16xf32>,
    %swap3A_198 = arith.constant 763 : index
    %swap3A_199 = tpu.vector_load %arg10[%swap3A_198] {strides = array<i32>} : memref<1040xf32, #tpu.memory_space<vmem>>, vector<16xf32>,
    tpu.vector_store %arg10[%swap3A_198], %broadcast_in_dim3A_3 {strides = array<i32>} : memref<1040xf32, #tpu.memory_space<vmem>>, vector<16xf32>,
    %swap3A_200 = arith.constant 780 : index
    %swap3A_201 = tpu.vector_load %arg9[%swap3A_200] {strides = array<i32>} : memref<1040xf32, #tpu.memory_space<vmem>>, vector<16xf32>,
    tpu.vector_store %arg9[%swap3A_200], %broadcast_in_dim3A_3 {strides = array<i32>} : memref<1040xf32, #tpu.memory_space<vmem>>, vector<16xf32>,
    %swap3A_202 = arith.constant 780 : index
    %swap3A_203 = tpu.vector_load %arg10[%swap3A_202] {strides = array<i32>} : memref<1040xf32, #tpu.memory_space<vmem>>, vector<16xf32>,
    tpu.vector_store %arg10[%swap3A_202], %broadcast_in_dim3A_3 {strides = array<i32>} : memref<1040xf32, #tpu.memory_space<vmem>>, vector<16xf32>,
    %swap3A_204 = arith.constant 796 : index
    %swap3A_205 = tpu.vector_load %arg9[%swap3A_204] {strides = array<i32>} : memref<1040xf32, #tpu.memory_space<vmem>>, vector<16xf32>,
    tpu.vector_store %arg9[%swap3A_204], %broadcast_in_dim3A_3 {strides = array<i32>} : memref<1040xf32, #tpu.memory_space<vmem>>, vector<16xf32>,
    %swap3A_206 = arith.constant 796 : index
    %swap3A_207 = tpu.vector_load %arg10[%swap3A_206] {strides = array<i32>} : memref<1040xf32, #tpu.memory_space<vmem>>, vector<16xf32>,
    tpu.vector_store %arg10[%swap3A_206], %broadcast_in_dim3A_3 {strides = array<i32>} : memref<1040xf32, #tpu.memory_space<vmem>>, vector<16xf32>,
    %swap3A_208 = arith.constant 812 : index
    %swap3A_209 = tpu.vector_load %arg9[%swap3A_208] {strides = array<i32>} : memref<1040xf32, #tpu.memory_space<vmem>>, vector<16xf32>,
    tpu.vector_store %arg9[%swap3A_208], %broadcast_in_dim3A_3 {strides = array<i32>} : memref<1040xf32, #tpu.memory_space<vmem>>, vector<16xf32>,
    %swap3A_210 = arith.constant 812 : index
    %swap3A_211 = tpu.vector_load %arg10[%swap3A_210] {strides = array<i32>} : memref<1040xf32, #tpu.memory_space<vmem>>, vector<16xf32>,
    tpu.vector_store %arg10[%swap3A_210], %broadcast_in_dim3A_3 {strides = array<i32>} : memref<1040xf32, #tpu.memory_space<vmem>>, vector<16xf32>,
    %swap3A_212 = arith.constant 828 : index
    %swap3A_213 = tpu.vector_load %arg9[%swap3A_212] {strides = array<i32>} : memref<1040xf32, #tpu.memory_space<vmem>>, vector<16xf32>,
    tpu.vector_store %arg9[%swap3A_212], %broadcast_in_dim3A_3 {strides = array<i32>} : memref<1040xf32, #tpu.memory_space<vmem>>, vector<16xf32>,
    %swap3A_214 = arith.constant 828 : index
    %swap3A_215 = tpu.vector_load %arg10[%swap3A_214] {strides = array<i32>} : memref<1040xf32, #tpu.memory_space<vmem>>, vector<16xf32>,
    tpu.vector_store %arg10[%swap3A_214], %broadcast_in_dim3A_3 {strides = array<i32>} : memref<1040xf32, #tpu.memory_space<vmem>>, vector<16xf32>,
    %swap3A_216 = arith.constant 845 : index
    %swap3A_217 = tpu.vector_load %arg9[%swap3A_216] {strides = array<i32>} : memref<1040xf32, #tpu.memory_space<vmem>>, vector<16xf32>,
    tpu.vector_store %arg9[%swap3A_216], %broadcast_in_dim3A_3 {strides = array<i32>} : memref<1040xf32, #tpu.memory_space<vmem>>, vector<16xf32>,
    %swap3A_218 = arith.constant 845 : index
    %swap3A_219 = tpu.vector_load %arg10[%swap3A_218] {strides = array<i32>} : memref<1040xf32, #tpu.memory_space<vmem>>, vector<16xf32>,
    tpu.vector_store %arg10[%swap3A_218], %broadcast_in_dim3A_3 {strides = array<i32>} : memref<1040xf32, #tpu.memory_space<vmem>>, vector<16xf32>,
    %swap3A_220 = arith.constant 861 : index
    %swap3A_221 = tpu.vector_load %arg9[%swap3A_220] {strides = array<i32>} : memref<1040xf32, #tpu.memory_space<vmem>>, vector<16xf32>,
    tpu.vector_store %arg9[%swap3A_220], %broadcast_in_dim3A_3 {strides = array<i32>} : memref<1040xf32, #tpu.memory_space<vmem>>, vector<16xf32>,
    %swap3A_222 = arith.constant 861 : index
    %swap3A_223 = tpu.vector_load %arg10[%swap3A_222] {strides = array<i32>} : memref<1040xf32, #tpu.memory_space<vmem>>, vector<16xf32>,
    tpu.vector_store %arg10[%swap3A_222], %broadcast_in_dim3A_3 {strides = array<i32>} : memref<1040xf32, #tpu.memory_space<vmem>>, vector<16xf32>,
    %swap3A_224 = arith.constant 877 : index
    %swap3A_225 = tpu.vector_load %arg9[%swap3A_224] {strides = array<i32>} : memref<1040xf32, #tpu.memory_space<vmem>>, vector<16xf32>,
    tpu.vector_store %arg9[%swap3A_224], %broadcast_in_dim3A_3 {strides = array<i32>} : memref<1040xf32, #tpu.memory_space<vmem>>, vector<16xf32>,
    %swap3A_226 = arith.constant 877 : index
    %swap3A_227 = tpu.vector_load %arg10[%swap3A_226] {strides = array<i32>} : memref<1040xf32, #tpu.memory_space<vmem>>, vector<16xf32>,
    tpu.vector_store %arg10[%swap3A_226], %broadcast_in_dim3A_3 {strides = array<i32>} : memref<1040xf32, #tpu.memory_space<vmem>>, vector<16xf32>,
    %swap3A_228 = arith.constant 893 : index
    %swap3A_229 = tpu.vector_load %arg9[%swap3A_228] {strides = array<i32>} : memref<1040xf32, #tpu.memory_space<vmem>>, vector<16xf32>,
    tpu.vector_store %arg9[%swap3A_228], %broadcast_in_dim3A_3 {strides = array<i32>} : memref<1040xf32, #tpu.memory_space<vmem>>, vector<16xf32>,
    %swap3A_230 = arith.constant 893 : index
    %swap3A_231 = tpu.vector_load %arg10[%swap3A_230] {strides = array<i32>} : memref<1040xf32, #tpu.memory_space<vmem>>, vector<16xf32>,
    tpu.vector_store %arg10[%swap3A_230], %broadcast_in_dim3A_3 {strides = array<i32>} : memref<1040xf32, #tpu.memory_space<vmem>>, vector<16xf32>,
    %swap3A_232 = arith.constant 910 : index
    %swap3A_233 = tpu.vector_load %arg9[%swap3A_232] {strides = array<i32>} : memref<1040xf32, #tpu.memory_space<vmem>>, vector<16xf32>,
    tpu.vector_store %arg9[%swap3A_232], %broadcast_in_dim3A_3 {strides = array<i32>} : memref<1040xf32, #tpu.memory_space<vmem>>, vector<16xf32>,
    %swap3A_234 = arith.constant 910 : index
    %swap3A_235 = tpu.vector_load %arg10[%swap3A_234] {strides = array<i32>} : memref<1040xf32, #tpu.memory_space<vmem>>, vector<16xf32>,
    tpu.vector_store %arg10[%swap3A_234], %broadcast_in_dim3A_3 {strides = array<i32>} : memref<1040xf32, #tpu.memory_space<vmem>>, vector<16xf32>,
    %swap3A_236 = arith.constant 926 : index
    %swap3A_237 = tpu.vector_load %arg9[%swap3A_236] {strides = array<i32>} : memref<1040xf32, #tpu.memory_space<vmem>>, vector<16xf32>,
    tpu.vector_store %arg9[%swap3A_236], %broadcast_in_dim3A_3 {strides = array<i32>} : memref<1040xf32, #tpu.memory_space<vmem>>, vector<16xf32>,
    %swap3A_238 = arith.constant 926 : index
    %swap3A_239 = tpu.vector_load %arg10[%swap3A_238] {strides = array<i32>} : memref<1040xf32, #tpu.memory_space<vmem>>, vector<16xf32>,
    tpu.vector_store %arg10[%swap3A_238], %broadcast_in_dim3A_3 {strides = array<i32>} : memref<1040xf32, #tpu.memory_space<vmem>>, vector<16xf32>,
    %swap3A_240 = arith.constant 942 : index
    %swap3A_241 = tpu.vector_load %arg9[%swap3A_240] {strides = array<i32>} : memref<1040xf32, #tpu.memory_space<vmem>>, vector<16xf32>,
    tpu.vector_store %arg9[%swap3A_240], %broadcast_in_dim3A_3 {strides = array<i32>} : memref<1040xf32, #tpu.memory_space<vmem>>, vector<16xf32>,
    %swap3A_242 = arith.constant 942 : index
    %swap3A_243 = tpu.vector_load %arg10[%swap3A_242] {strides = array<i32>} : memref<1040xf32, #tpu.memory_space<vmem>>, vector<16xf32>,
    tpu.vector_store %arg10[%swap3A_242], %broadcast_in_dim3A_3 {strides = array<i32>} : memref<1040xf32, #tpu.memory_space<vmem>>, vector<16xf32>,
    %swap3A_244 = arith.constant 958 : index
    %swap3A_245 = tpu.vector_load %arg9[%swap3A_244] {strides = array<i32>} : memref<1040xf32, #tpu.memory_space<vmem>>, vector<16xf32>,
    tpu.vector_store %arg9[%swap3A_244], %broadcast_in_dim3A_3 {strides = array<i32>} : memref<1040xf32, #tpu.memory_space<vmem>>, vector<16xf32>,
    %swap3A_246 = arith.constant 958 : index
    %swap3A_247 = tpu.vector_load %arg10[%swap3A_246] {strides = array<i32>} : memref<1040xf32, #tpu.memory_space<vmem>>, vector<16xf32>,
    tpu.vector_store %arg10[%swap3A_246], %broadcast_in_dim3A_3 {strides = array<i32>} : memref<1040xf32, #tpu.memory_space<vmem>>, vector<16xf32>,
    %swap3A_248 = arith.constant 975 : index
    %swap3A_249 = tpu.vector_load %arg9[%swap3A_248] {strides = array<i32>} : memref<1040xf32, #tpu.memory_space<vmem>>, vector<16xf32>,
    tpu.vector_store %arg9[%swap3A_248], %broadcast_in_dim3A_3 {strides = array<i32>} : memref<1040xf32, #tpu.memory_space<vmem>>, vector<16xf32>,
    %swap3A_250 = arith.constant 975 : index
    %swap3A_251 = tpu.vector_load %arg10[%swap3A_250] {strides = array<i32>} : memref<1040xf32, #tpu.memory_space<vmem>>, vector<16xf32>,
    tpu.vector_store %arg10[%swap3A_250], %broadcast_in_dim3A_3 {strides = array<i32>} : memref<1040xf32, #tpu.memory_space<vmem>>, vector<16xf32>,
    %swap3A_252 = arith.constant 991 : index
    %swap3A_253 = tpu.vector_load %arg9[%swap3A_252] {strides = array<i32>} : memref<1040xf32, #tpu.memory_space<vmem>>, vector<16xf32>,
    tpu.vector_store %arg9[%swap3A_252], %broadcast_in_dim3A_3 {strides = array<i32>} : memref<1040xf32, #tpu.memory_space<vmem>>, vector<16xf32>,
    %swap3A_254 = arith.constant 991 : index
    %swap3A_255 = tpu.vector_load %arg10[%swap3A_254] {strides = array<i32>} : memref<1040xf32, #tpu.memory_space<vmem>>, vector<16xf32>,
    tpu.vector_store %arg10[%swap3A_254], %broadcast_in_dim3A_3 {strides = array<i32>} : memref<1040xf32, #tpu.memory_space<vmem>>, vector<16xf32>,
    %swap3A_256 = arith.constant 1007 : index
    %swap3A_257 = tpu.vector_load %arg9[%swap3A_256] {strides = array<i32>} : memref<1040xf32, #tpu.memory_space<vmem>>, vector<16xf32>,
    tpu.vector_store %arg9[%swap3A_256], %broadcast_in_dim3A_3 {strides = array<i32>} : memref<1040xf32, #tpu.memory_space<vmem>>, vector<16xf32>,
    %swap3A_258 = arith.constant 1007 : index
    %swap3A_259 = tpu.vector_load %arg10[%swap3A_258] {strides = array<i32>} : memref<1040xf32, #tpu.memory_space<vmem>>, vector<16xf32>,
    tpu.vector_store %arg10[%swap3A_258], %broadcast_in_dim3A_3 {strides = array<i32>} : memref<1040xf32, #tpu.memory_space<vmem>>, vector<16xf32>,
    %swap3A_260 = arith.constant 1023 : index
    %swap3A_261 = tpu.vector_load %arg9[%swap3A_260] {strides = array<i32>} : memref<1040xf32, #tpu.memory_space<vmem>>, vector<16xf32>,
    tpu.vector_store %arg9[%swap3A_260], %broadcast_in_dim3A_3 {strides = array<i32>} : memref<1040xf32, #tpu.memory_space<vmem>>, vector<16xf32>,
    %swap3A_262 = arith.constant 1023 : index
    %swap3A_263 = tpu.vector_load %arg10[%swap3A_262] {strides = array<i32>} : memref<1040xf32, #tpu.memory_space<vmem>>, vector<16xf32>,
    tpu.vector_store %arg10[%swap3A_262], %broadcast_in_dim3A_3 {strides = array<i32>} : memref<1040xf32, #tpu.memory_space<vmem>>, vector<16xf32>,
    %add3A_264 = arith.constant 62 : i32
    %add3A_265 = vector.broadcast %add3A_264 : i32 to vector<16xi32>
    %add3A_266 = arith.addi %mul3A_8, %add3A_265 : vector<16xi32>
    %add3A_267 = arith.constant 0 : i32
    %add3A_268 = arith.addi %mul3A_2, %add3A_267 : i32
    %dma_start3A = tpu.memref_slice %arg2[%add3A_268] : memref<16777216xf32, #tpu.memory_space<hbm>> -> memref<16384xf32, #tpu.memory_space<hbm>>
    %dma_start3A_269 = tpu.memref_slice %arg2[%add3A_268] : memref<16777216xf32, #tpu.memory_space<hbm>> -> memref<16384xf32, #tpu.memory_space<hbm>>
    tpu.enqueue_dma source(%dma_start3A_269 : memref<16384xf32, #tpu.memory_space<hbm>>) target(%arg5 : memref<16384xf32, #tpu.memory_space<vmem>>) target_semaphore(%arg12 : memref<!tpu.dma_semaphore, #tpu.memory_space<semaphore_mem>>)
    %dma_start3A_270 = tpu.memref_slice %arg3[%add3A_268] : memref<16777216xi32, #tpu.memory_space<hbm>> -> memref<16384xi32, #tpu.memory_space<hbm>>
    %dma_start3A_271 = tpu.memref_slice %arg3[%add3A_268] : memref<16777216xi32, #tpu.memory_space<hbm>> -> memref<16384xi32, #tpu.memory_space<hbm>>
    tpu.enqueue_dma source(%dma_start3A_271 : memref<16384xi32, #tpu.memory_space<hbm>>) target(%arg7 : memref<16384xi32, #tpu.memory_space<vmem>>) target_semaphore(%arg12 : memref<!tpu.dma_semaphore, #tpu.memory_space<semaphore_mem>>)
    %scan3A = arith.constant 0 : i32
    %scan3A_272 = arith.constant 16 : i32
    %scan3A_273 = arith.addi %scan3A, %scan3A_272 : i32
    %scan3A_274 = arith.constant 1 : i32
    scf.for %scan3A_675 = %scan3A to %scan3A_273 step %scan3A_274  : i32 {
      %mul3A_676 = arith.constant 2 : i32
      %mul3A_677 = arith.muli %scan3A_675, %mul3A_676 : i32
      %add3A_678 = arith.constant 0 : i32
      %add3A_679 = arith.addi %add3A_678, %mul3A_677 : i32
      %add3A_680 = arith.constant 0 : i32
      %add3A_681 = arith.addi %add3A_679, %add3A_680 : i32
      %add3A_682 = arith.constant 1 : i32
      %add3A_683 = arith.addi %add3A_681, %add3A_682 : i32
      %lt3A = arith.constant 32 : i32
      %lt3A_684 = arith.cmpi slt, %add3A_683, %lt3A : i32
      %convert_element_type3A = arith.extui %lt3A_684 : i1 to i32
      %cond3A = arith.constant 0 : i32
      %cond3A_685 = arith.cmpi ne, %convert_element_type3A, %cond3A : i32
      scf.if %cond3A_685 {
        %mul3A_715 = arith.constant 16384 : i32
        %mul3A_716 = arith.muli %add3A_683, %mul3A_715 : i32
        %add3A_717 = arith.addi %mul3A_2, %mul3A_716 : i32
        %dma_start3A_718 = tpu.memref_slice %arg2[%add3A_717] : memref<16777216xf32, #tpu.memory_space<hbm>> -> memref<16384xf32, #tpu.memory_space<hbm>>
        %dma_start3A_719 = tpu.memref_slice %arg2[%add3A_717] : memref<16777216xf32, #tpu.memory_space<hbm>> -> memref<16384xf32, #tpu.memory_space<hbm>>
        tpu.enqueue_dma source(%dma_start3A_719 : memref<16384xf32, #tpu.memory_space<hbm>>) target(%arg6 : memref<16384xf32, #tpu.memory_space<vmem>>) target_semaphore(%arg13 : memref<!tpu.dma_semaphore, #tpu.memory_space<semaphore_mem>>)
        %dma_start3A_720 = tpu.memref_slice %arg3[%add3A_717] : memref<16777216xi32, #tpu.memory_space<hbm>> -> memref<16384xi32, #tpu.memory_space<hbm>>
        %dma_start3A_721 = tpu.memref_slice %arg3[%add3A_717] : memref<16777216xi32, #tpu.memory_space<hbm>> -> memref<16384xi32, #tpu.memory_space<hbm>>
        tpu.enqueue_dma source(%dma_start3A_721 : memref<16384xi32, #tpu.memory_space<hbm>>) target(%arg8 : memref<16384xi32, #tpu.memory_space<vmem>>) target_semaphore(%arg13 : memref<!tpu.dma_semaphore, #tpu.memory_space<semaphore_mem>>)
      } else {
      }
      %mul3A_686 = arith.constant 16384 : i32
      %mul3A_687 = arith.muli %add3A_681, %mul3A_686 : i32
      %add3A_688 = arith.addi %mul3A_2, %mul3A_687 : i32
      %dma_wait3A = tpu.memref_slice %arg2[%add3A_688] : memref<16777216xf32, #tpu.memory_space<hbm>> -> memref<16384xf32, #tpu.memory_space<hbm>>
      %dma_wait3A_689 = tpu.memref_slice %arg2[%add3A_688] : memref<16777216xf32, #tpu.memory_space<hbm>> -> memref<16384xf32, #tpu.memory_space<hbm>>
      tpu.wait_dma2 semaphore(%arg12 : memref<!tpu.dma_semaphore, #tpu.memory_space<semaphore_mem>>) src(%dma_wait3A_689 : memref<16384xf32, #tpu.memory_space<hbm>>) dst(%arg5 : memref<16384xf32, #tpu.memory_space<vmem>>)
      %dma_wait3A_690 = tpu.memref_slice %arg3[%add3A_688] : memref<16777216xi32, #tpu.memory_space<hbm>> -> memref<16384xi32, #tpu.memory_space<hbm>>
      %dma_wait3A_691 = tpu.memref_slice %arg3[%add3A_688] : memref<16777216xi32, #tpu.memory_space<hbm>> -> memref<16384xi32, #tpu.memory_space<hbm>>
      tpu.wait_dma2 semaphore(%arg12 : memref<!tpu.dma_semaphore, #tpu.memory_space<semaphore_mem>>) src(%dma_wait3A_691 : memref<16384xi32, #tpu.memory_space<hbm>>) dst(%arg7 : memref<16384xi32, #tpu.memory_space<vmem>>)
      %parallel_loop3A = arith.constant 0 : i32
      %parallel_loop3A_692 = arith.constant 1024 : i32
      %parallel_loop3A_693 = arith.constant 16 : i32
      %parallel_loop3A_694:32 = scf.for %parallel_loop3A_715 = %parallel_loop3A to %parallel_loop3A_692 step %parallel_loop3A_693 iter_args(%parallel_loop3A_716 = %add3A_266, %parallel_loop3A_717 = %add3A_266, %parallel_loop3A_718 = %add3A_266, %parallel_loop3A_719 = %add3A_266, %parallel_loop3A_720 = %add3A_266, %parallel_loop3A_721 = %add3A_266, %parallel_loop3A_722 = %add3A_266, %parallel_loop3A_723 = %add3A_266, %parallel_loop3A_724 = %add3A_266, %parallel_loop3A_725 = %add3A_266, %parallel_loop3A_726 = %add3A_266, %parallel_loop3A_727 = %add3A_266, %parallel_loop3A_728 = %add3A_266, %parallel_loop3A_729 = %add3A_266, %parallel_loop3A_730 = %add3A_266, %parallel_loop3A_731 = %add3A_266, %parallel_loop3A_732 = %broadcast_in_dim3A_3, %parallel_loop3A_733 = %broadcast_in_dim3A_3, %parallel_loop3A_734 = %broadcast_in_dim3A_3, %parallel_loop3A_735 = %broadcast_in_dim3A_3, %parallel_loop3A_736 = %broadcast_in_dim3A_3, %parallel_loop3A_737 = %broadcast_in_dim3A_3, %parallel_loop3A_738 = %broadcast_in_dim3A_3, %parallel_loop3A_739 = %broadcast_in_dim3A_3, %parallel_loop3A_740 = %broadcast_in_dim3A_3, %parallel_loop3A_741 = %broadcast_in_dim3A_3, %parallel_loop3A_742 = %broadcast_in_dim3A_3, %parallel_loop3A_743 = %broadcast_in_dim3A_3, %parallel_loop3A_744 = %broadcast_in_dim3A_3, %parallel_loop3A_745 = %broadcast_in_dim3A_3, %parallel_loop3A_746 = %broadcast_in_dim3A_3, %parallel_loop3A_747 = %broadcast_in_dim3A_3) -> (vector<16xi32>, vector<16xi32>, vector<16xi32>, vector<16xi32>, vector<16xi32>, vector<16xi32>, vector<16xi32>, vector<16xi32>, vector<16xi32>, vector<16xi32>, vector<16xi32>, vector<16xi32>, vector<16xi32>, vector<16xi32>, vector<16xi32>, vector<16xi32>, vector<16xf32>, vector<16xf32>, vector<16xf32>, vector<16xf32>, vector<16xf32>, vector<16xf32>, vector<16xf32>, vector<16xf32>, vector<16xf32>, vector<16xf32>, vector<16xf32>, vector<16xf32>, vector<16xf32>, vector<16xf32>, vector<16xf32>, vector<16xf32>)  : i32 {
        %parallel_loop3A_748 = arith.constant 16 : i32
        %parallel_loop3A_749 = arith.muli %parallel_loop3A_715, %parallel_loop3A_748 : i32
        %parallel_loop3A_750 = arith.constant 0 : i32
        %parallel_loop3A_751 = arith.addi %parallel_loop3A_749, %parallel_loop3A_750 : i32
        %parallel_loop3A_752 = arith.index_cast %parallel_loop3A_751 : i32 to index
        %parallel_loop3A_753 = tpu.vector_load %arg5[%parallel_loop3A_752] {strides = array<i32>} : memref<16384xf32, #tpu.memory_space<vmem>>, vector<16xf32>,
        %parallel_loop3A_754 = arith.constant 0 : i32
        %parallel_loop3A_755 = arith.addi %parallel_loop3A_749, %parallel_loop3A_754 : i32
        %parallel_loop3A_756 = arith.index_cast %parallel_loop3A_755 : i32 to index
        %parallel_loop3A_757 = tpu.vector_load %arg7[%parallel_loop3A_756] {strides = array<i32>} : memref<16384xi32, #tpu.memory_space<vmem>>, vector<16xi32>,
        %parallel_loop3A_758 = arith.constant -1.000000e+00 : f32
        %parallel_loop3A_759 = vector.broadcast %parallel_loop3A_758 : f32 to vector<16xf32>
        %parallel_loop3A_760 = arith.mulf %parallel_loop3A_753, %parallel_loop3A_759 : vector<16xf32>
        %parallel_loop3A_761 = math.exp %parallel_loop3A_760 : vector<16xf32>
        %parallel_loop3A_762 = arith.constant 1.000000e+00 : f32
        %parallel_loop3A_763 = vector.broadcast %parallel_loop3A_762 : f32 to vector<16xf32>
        %parallel_loop3A_764 = arith.addf %parallel_loop3A_763, %parallel_loop3A_761 : vector<16xf32>
        %parallel_loop3A_765 = arith.constant 1.000000e+00 : f32
        %parallel_loop3A_766 = vector.broadcast %parallel_loop3A_765 : f32 to vector<16xf32>
        %parallel_loop3A_767 = arith.divf %parallel_loop3A_766, %parallel_loop3A_764 : vector<16xf32>
        %parallel_loop3A_768 = arith.constant 3.000000e+01 : f32
        %parallel_loop3A_769 = vector.broadcast %parallel_loop3A_768 : f32 to vector<16xf32>
        %parallel_loop3A_770 = arith.mulf %parallel_loop3A_767, %parallel_loop3A_769 : vector<16xf32>
        %parallel_loop3A_771 = arith.fptosi %parallel_loop3A_770 : vector<16xf32> to vector<16xi32>
        %parallel_loop3A_772 = arith.addi %parallel_loop3A_771, %parallel_loop3A_771 : vector<16xi32>
        %parallel_loop3A_773 = arith.addi %parallel_loop3A_772, %parallel_loop3A_757 : vector<16xi32>
        %parallel_loop3A_774 = arith.addi %parallel_loop3A_773, %mul3A_8 : vector<16xi32>
        %parallel_loop3A_775 = arith.constant 16 : i32
        %parallel_loop3A_776 = arith.addi %parallel_loop3A_749, %parallel_loop3A_775 : i32
        %parallel_loop3A_777 = arith.index_cast %parallel_loop3A_776 : i32 to index
        %parallel_loop3A_778 = tpu.vector_load %arg5[%parallel_loop3A_777] {strides = array<i32>} : memref<16384xf32, #tpu.memory_space<vmem>>, vector<16xf32>,
        %parallel_loop3A_779 = arith.constant 16 : i32
        %parallel_loop3A_780 = arith.addi %parallel_loop3A_749, %parallel_loop3A_779 : i32
        %parallel_loop3A_781 = arith.index_cast %parallel_loop3A_780 : i32 to index
        %parallel_loop3A_782 = tpu.vector_load %arg7[%parallel_loop3A_781] {strides = array<i32>} : memref<16384xi32, #tpu.memory_space<vmem>>, vector<16xi32>,
        %parallel_loop3A_783 = arith.constant -1.000000e+00 : f32
        %parallel_loop3A_784 = vector.broadcast %parallel_loop3A_783 : f32 to vector<16xf32>
        %parallel_loop3A_785 = arith.mulf %parallel_loop3A_778, %parallel_loop3A_784 : vector<16xf32>
        %parallel_loop3A_786 = math.exp %parallel_loop3A_785 : vector<16xf32>
        %parallel_loop3A_787 = arith.constant 1.000000e+00 : f32
        %parallel_loop3A_788 = vector.broadcast %parallel_loop3A_787 : f32 to vector<16xf32>
        %parallel_loop3A_789 = arith.addf %parallel_loop3A_788, %parallel_loop3A_786 : vector<16xf32>
        %parallel_loop3A_790 = arith.constant 1.000000e+00 : f32
        %parallel_loop3A_791 = vector.broadcast %parallel_loop3A_790 : f32 to vector<16xf32>
        %parallel_loop3A_792 = arith.divf %parallel_loop3A_791, %parallel_loop3A_789 : vector<16xf32>
        %parallel_loop3A_793 = arith.constant 3.000000e+01 : f32
        %parallel_loop3A_794 = vector.broadcast %parallel_loop3A_793 : f32 to vector<16xf32>
        %parallel_loop3A_795 = arith.mulf %parallel_loop3A_792, %parallel_loop3A_794 : vector<16xf32>
        %parallel_loop3A_796 = arith.fptosi %parallel_loop3A_795 : vector<16xf32> to vector<16xi32>
        %parallel_loop3A_797 = arith.addi %parallel_loop3A_796, %parallel_loop3A_796 : vector<16xi32>
        %parallel_loop3A_798 = arith.addi %parallel_loop3A_797, %parallel_loop3A_782 : vector<16xi32>
        %parallel_loop3A_799 = arith.addi %parallel_loop3A_798, %mul3A_8 : vector<16xi32>
        %parallel_loop3A_800 = arith.constant 32 : i32
        %parallel_loop3A_801 = arith.addi %parallel_loop3A_749, %parallel_loop3A_800 : i32
        %parallel_loop3A_802 = arith.index_cast %parallel_loop3A_801 : i32 to index
        %parallel_loop3A_803 = tpu.vector_load %arg5[%parallel_loop3A_802] {strides = array<i32>} : memref<16384xf32, #tpu.memory_space<vmem>>, vector<16xf32>,
        %parallel_loop3A_804 = arith.constant 32 : i32
        %parallel_loop3A_805 = arith.addi %parallel_loop3A_749, %parallel_loop3A_804 : i32
        %parallel_loop3A_806 = arith.index_cast %parallel_loop3A_805 : i32 to index
        %parallel_loop3A_807 = tpu.vector_load %arg7[%parallel_loop3A_806] {strides = array<i32>} : memref<16384xi32, #tpu.memory_space<vmem>>, vector<16xi32>,
        %parallel_loop3A_808 = arith.constant -1.000000e+00 : f32
        %parallel_loop3A_809 = vector.broadcast %parallel_loop3A_808 : f32 to vector<16xf32>
        %parallel_loop3A_810 = arith.mulf %parallel_loop3A_803, %parallel_loop3A_809 : vector<16xf32>
        %parallel_loop3A_811 = math.exp %parallel_loop3A_810 : vector<16xf32>
        %parallel_loop3A_812 = arith.constant 1.000000e+00 : f32
        %parallel_loop3A_813 = vector.broadcast %parallel_loop3A_812 : f32 to vector<16xf32>
        %parallel_loop3A_814 = arith.addf %parallel_loop3A_813, %parallel_loop3A_811 : vector<16xf32>
        %parallel_loop3A_815 = arith.constant 1.000000e+00 : f32
        %parallel_loop3A_816 = vector.broadcast %parallel_loop3A_815 : f32 to vector<16xf32>
        %parallel_loop3A_817 = arith.divf %parallel_loop3A_816, %parallel_loop3A_814 : vector<16xf32>
        %parallel_loop3A_818 = arith.constant 3.000000e+01 : f32
        %parallel_loop3A_819 = vector.broadcast %parallel_loop3A_818 : f32 to vector<16xf32>
        %parallel_loop3A_820 = arith.mulf %parallel_loop3A_817, %parallel_loop3A_819 : vector<16xf32>
        %parallel_loop3A_821 = arith.fptosi %parallel_loop3A_820 : vector<16xf32> to vector<16xi32>
        %parallel_loop3A_822 = arith.addi %parallel_loop3A_821, %parallel_loop3A_821 : vector<16xi32>
        %parallel_loop3A_823 = arith.addi %parallel_loop3A_822, %parallel_loop3A_807 : vector<16xi32>
        %parallel_loop3A_824 = arith.addi %parallel_loop3A_823, %mul3A_8 : vector<16xi32>
        %parallel_loop3A_825 = arith.constant 48 : i32
        %parallel_loop3A_826 = arith.addi %parallel_loop3A_749, %parallel_loop3A_825 : i32
        %parallel_loop3A_827 = arith.index_cast %parallel_loop3A_826 : i32 to index
        %parallel_loop3A_828 = tpu.vector_load %arg5[%parallel_loop3A_827] {strides = array<i32>} : memref<16384xf32, #tpu.memory_space<vmem>>, vector<16xf32>,
        %parallel_loop3A_829 = arith.constant 48 : i32
        %parallel_loop3A_830 = arith.addi %parallel_loop3A_749, %parallel_loop3A_829 : i32
        %parallel_loop3A_831 = arith.index_cast %parallel_loop3A_830 : i32 to index
        %parallel_loop3A_832 = tpu.vector_load %arg7[%parallel_loop3A_831] {strides = array<i32>} : memref<16384xi32, #tpu.memory_space<vmem>>, vector<16xi32>,
        %parallel_loop3A_833 = arith.constant -1.000000e+00 : f32
        %parallel_loop3A_834 = vector.broadcast %parallel_loop3A_833 : f32 to vector<16xf32>
        %parallel_loop3A_835 = arith.mulf %parallel_loop3A_828, %parallel_loop3A_834 : vector<16xf32>
        %parallel_loop3A_836 = math.exp %parallel_loop3A_835 : vector<16xf32>
        %parallel_loop3A_837 = arith.constant 1.000000e+00 : f32
        %parallel_loop3A_838 = vector.broadcast %parallel_loop3A_837 : f32 to vector<16xf32>
        %parallel_loop3A_839 = arith.addf %parallel_loop3A_838, %parallel_loop3A_836 : vector<16xf32>
        %parallel_loop3A_840 = arith.constant 1.000000e+00 : f32
        %parallel_loop3A_841 = vector.broadcast %parallel_loop3A_840 : f32 to vector<16xf32>
        %parallel_loop3A_842 = arith.divf %parallel_loop3A_841, %parallel_loop3A_839 : vector<16xf32>
        %parallel_loop3A_843 = arith.constant 3.000000e+01 : f32
        %parallel_loop3A_844 = vector.broadcast %parallel_loop3A_843 : f32 to vector<16xf32>
        %parallel_loop3A_845 = arith.mulf %parallel_loop3A_842, %parallel_loop3A_844 : vector<16xf32>
        %parallel_loop3A_846 = arith.fptosi %parallel_loop3A_845 : vector<16xf32> to vector<16xi32>
        %parallel_loop3A_847 = arith.addi %parallel_loop3A_846, %parallel_loop3A_846 : vector<16xi32>
        %parallel_loop3A_848 = arith.addi %parallel_loop3A_847, %parallel_loop3A_832 : vector<16xi32>
        %parallel_loop3A_849 = arith.addi %parallel_loop3A_848, %mul3A_8 : vector<16xi32>
        %parallel_loop3A_850 = arith.constant 64 : i32
        %parallel_loop3A_851 = arith.addi %parallel_loop3A_749, %parallel_loop3A_850 : i32
        %parallel_loop3A_852 = arith.index_cast %parallel_loop3A_851 : i32 to index
        %parallel_loop3A_853 = tpu.vector_load %arg5[%parallel_loop3A_852] {strides = array<i32>} : memref<16384xf32, #tpu.memory_space<vmem>>, vector<16xf32>,
        %parallel_loop3A_854 = arith.constant 64 : i32
        %parallel_loop3A_855 = arith.addi %parallel_loop3A_749, %parallel_loop3A_854 : i32
        %parallel_loop3A_856 = arith.index_cast %parallel_loop3A_855 : i32 to index
        %parallel_loop3A_857 = tpu.vector_load %arg7[%parallel_loop3A_856] {strides = array<i32>} : memref<16384xi32, #tpu.memory_space<vmem>>, vector<16xi32>,
        %parallel_loop3A_858 = arith.constant -1.000000e+00 : f32
        %parallel_loop3A_859 = vector.broadcast %parallel_loop3A_858 : f32 to vector<16xf32>
        %parallel_loop3A_860 = arith.mulf %parallel_loop3A_853, %parallel_loop3A_859 : vector<16xf32>
        %parallel_loop3A_861 = math.exp %parallel_loop3A_860 : vector<16xf32>
        %parallel_loop3A_862 = arith.constant 1.000000e+00 : f32
        %parallel_loop3A_863 = vector.broadcast %parallel_loop3A_862 : f32 to vector<16xf32>
        %parallel_loop3A_864 = arith.addf %parallel_loop3A_863, %parallel_loop3A_861 : vector<16xf32>
        %parallel_loop3A_865 = arith.constant 1.000000e+00 : f32
        %parallel_loop3A_866 = vector.broadcast %parallel_loop3A_865 : f32 to vector<16xf32>
        %parallel_loop3A_867 = arith.divf %parallel_loop3A_866, %parallel_loop3A_864 : vector<16xf32>
        %parallel_loop3A_868 = arith.constant 3.000000e+01 : f32
        %parallel_loop3A_869 = vector.broadcast %parallel_loop3A_868 : f32 to vector<16xf32>
        %parallel_loop3A_870 = arith.mulf %parallel_loop3A_867, %parallel_loop3A_869 : vector<16xf32>
        %parallel_loop3A_871 = arith.fptosi %parallel_loop3A_870 : vector<16xf32> to vector<16xi32>
        %parallel_loop3A_872 = arith.addi %parallel_loop3A_871, %parallel_loop3A_871 : vector<16xi32>
        %parallel_loop3A_873 = arith.addi %parallel_loop3A_872, %parallel_loop3A_857 : vector<16xi32>
        %parallel_loop3A_874 = arith.addi %parallel_loop3A_873, %mul3A_8 : vector<16xi32>
        %parallel_loop3A_875 = arith.constant 80 : i32
        %parallel_loop3A_876 = arith.addi %parallel_loop3A_749, %parallel_loop3A_875 : i32
        %parallel_loop3A_877 = arith.index_cast %parallel_loop3A_876 : i32 to index
        %parallel_loop3A_878 = tpu.vector_load %arg5[%parallel_loop3A_877] {strides = array<i32>} : memref<16384xf32, #tpu.memory_space<vmem>>, vector<16xf32>,
        %parallel_loop3A_879 = arith.constant 80 : i32
        %parallel_loop3A_880 = arith.addi %parallel_loop3A_749, %parallel_loop3A_879 : i32
        %parallel_loop3A_881 = arith.index_cast %parallel_loop3A_880 : i32 to index
        %parallel_loop3A_882 = tpu.vector_load %arg7[%parallel_loop3A_881] {strides = array<i32>} : memref<16384xi32, #tpu.memory_space<vmem>>, vector<16xi32>,
        %parallel_loop3A_883 = arith.constant -1.000000e+00 : f32
        %parallel_loop3A_884 = vector.broadcast %parallel_loop3A_883 : f32 to vector<16xf32>
        %parallel_loop3A_885 = arith.mulf %parallel_loop3A_878, %parallel_loop3A_884 : vector<16xf32>
        %parallel_loop3A_886 = math.exp %parallel_loop3A_885 : vector<16xf32>
        %parallel_loop3A_887 = arith.constant 1.000000e+00 : f32
        %parallel_loop3A_888 = vector.broadcast %parallel_loop3A_887 : f32 to vector<16xf32>
        %parallel_loop3A_889 = arith.addf %parallel_loop3A_888, %parallel_loop3A_886 : vector<16xf32>
        %parallel_loop3A_890 = arith.constant 1.000000e+00 : f32
        %parallel_loop3A_891 = vector.broadcast %parallel_loop3A_890 : f32 to vector<16xf32>
        %parallel_loop3A_892 = arith.divf %parallel_loop3A_891, %parallel_loop3A_889 : vector<16xf32>
        %parallel_loop3A_893 = arith.constant 3.000000e+01 : f32
        %parallel_loop3A_894 = vector.broadcast %parallel_loop3A_893 : f32 to vector<16xf32>
        %parallel_loop3A_895 = arith.mulf %parallel_loop3A_892, %parallel_loop3A_894 : vector<16xf32>
        %parallel_loop3A_896 = arith.fptosi %parallel_loop3A_895 : vector<16xf32> to vector<16xi32>
        %parallel_loop3A_897 = arith.addi %parallel_loop3A_896, %parallel_loop3A_896 : vector<16xi32>
        %parallel_loop3A_898 = arith.addi %parallel_loop3A_897, %parallel_loop3A_882 : vector<16xi32>
        %parallel_loop3A_899 = arith.addi %parallel_loop3A_898, %mul3A_8 : vector<16xi32>
        %parallel_loop3A_900 = arith.constant 96 : i32
        %parallel_loop3A_901 = arith.addi %parallel_loop3A_749, %parallel_loop3A_900 : i32
        %parallel_loop3A_902 = arith.index_cast %parallel_loop3A_901 : i32 to index
        %parallel_loop3A_903 = tpu.vector_load %arg5[%parallel_loop3A_902] {strides = array<i32>} : memref<16384xf32, #tpu.memory_space<vmem>>, vector<16xf32>,
        %parallel_loop3A_904 = arith.constant 96 : i32
        %parallel_loop3A_905 = arith.addi %parallel_loop3A_749, %parallel_loop3A_904 : i32
        %parallel_loop3A_906 = arith.index_cast %parallel_loop3A_905 : i32 to index
        %parallel_loop3A_907 = tpu.vector_load %arg7[%parallel_loop3A_906] {strides = array<i32>} : memref<16384xi32, #tpu.memory_space<vmem>>, vector<16xi32>,
        %parallel_loop3A_908 = arith.constant -1.000000e+00 : f32
        %parallel_loop3A_909 = vector.broadcast %parallel_loop3A_908 : f32 to vector<16xf32>
        %parallel_loop3A_910 = arith.mulf %parallel_loop3A_903, %parallel_loop3A_909 : vector<16xf32>
        %parallel_loop3A_911 = math.exp %parallel_loop3A_910 : vector<16xf32>
        %parallel_loop3A_912 = arith.constant 1.000000e+00 : f32
        %parallel_loop3A_913 = vector.broadcast %parallel_loop3A_912 : f32 to vector<16xf32>
        %parallel_loop3A_914 = arith.addf %parallel_loop3A_913, %parallel_loop3A_911 : vector<16xf32>
        %parallel_loop3A_915 = arith.constant 1.000000e+00 : f32
        %parallel_loop3A_916 = vector.broadcast %parallel_loop3A_915 : f32 to vector<16xf32>
        %parallel_loop3A_917 = arith.divf %parallel_loop3A_916, %parallel_loop3A_914 : vector<16xf32>
        %parallel_loop3A_918 = arith.constant 3.000000e+01 : f32
        %parallel_loop3A_919 = vector.broadcast %parallel_loop3A_918 : f32 to vector<16xf32>
        %parallel_loop3A_920 = arith.mulf %parallel_loop3A_917, %parallel_loop3A_919 : vector<16xf32>
        %parallel_loop3A_921 = arith.fptosi %parallel_loop3A_920 : vector<16xf32> to vector<16xi32>
        %parallel_loop3A_922 = arith.addi %parallel_loop3A_921, %parallel_loop3A_921 : vector<16xi32>
        %parallel_loop3A_923 = arith.addi %parallel_loop3A_922, %parallel_loop3A_907 : vector<16xi32>
        %parallel_loop3A_924 = arith.addi %parallel_loop3A_923, %mul3A_8 : vector<16xi32>
        %parallel_loop3A_925 = arith.constant 112 : i32
        %parallel_loop3A_926 = arith.addi %parallel_loop3A_749, %parallel_loop3A_925 : i32
        %parallel_loop3A_927 = arith.index_cast %parallel_loop3A_926 : i32 to index
        %parallel_loop3A_928 = tpu.vector_load %arg5[%parallel_loop3A_927] {strides = array<i32>} : memref<16384xf32, #tpu.memory_space<vmem>>, vector<16xf32>,
        %parallel_loop3A_929 = arith.constant 112 : i32
        %parallel_loop3A_930 = arith.addi %parallel_loop3A_749, %parallel_loop3A_929 : i32
        %parallel_loop3A_931 = arith.index_cast %parallel_loop3A_930 : i32 to index
        %parallel_loop3A_932 = tpu.vector_load %arg7[%parallel_loop3A_931] {strides = array<i32>} : memref<16384xi32, #tpu.memory_space<vmem>>, vector<16xi32>,
        %parallel_loop3A_933 = arith.constant -1.000000e+00 : f32
        %parallel_loop3A_934 = vector.broadcast %parallel_loop3A_933 : f32 to vector<16xf32>
        %parallel_loop3A_935 = arith.mulf %parallel_loop3A_928, %parallel_loop3A_934 : vector<16xf32>
        %parallel_loop3A_936 = math.exp %parallel_loop3A_935 : vector<16xf32>
        %parallel_loop3A_937 = arith.constant 1.000000e+00 : f32
        %parallel_loop3A_938 = vector.broadcast %parallel_loop3A_937 : f32 to vector<16xf32>
        %parallel_loop3A_939 = arith.addf %parallel_loop3A_938, %parallel_loop3A_936 : vector<16xf32>
        %parallel_loop3A_940 = arith.constant 1.000000e+00 : f32
        %parallel_loop3A_941 = vector.broadcast %parallel_loop3A_940 : f32 to vector<16xf32>
        %parallel_loop3A_942 = arith.divf %parallel_loop3A_941, %parallel_loop3A_939 : vector<16xf32>
        %parallel_loop3A_943 = arith.constant 3.000000e+01 : f32
        %parallel_loop3A_944 = vector.broadcast %parallel_loop3A_943 : f32 to vector<16xf32>
        %parallel_loop3A_945 = arith.mulf %parallel_loop3A_942, %parallel_loop3A_944 : vector<16xf32>
        %parallel_loop3A_946 = arith.fptosi %parallel_loop3A_945 : vector<16xf32> to vector<16xi32>
        %parallel_loop3A_947 = arith.addi %parallel_loop3A_946, %parallel_loop3A_946 : vector<16xi32>
        %parallel_loop3A_948 = arith.addi %parallel_loop3A_947, %parallel_loop3A_932 : vector<16xi32>
        %parallel_loop3A_949 = arith.addi %parallel_loop3A_948, %mul3A_8 : vector<16xi32>
        %parallel_loop3A_950 = arith.constant 128 : i32
        %parallel_loop3A_951 = arith.addi %parallel_loop3A_749, %parallel_loop3A_950 : i32
        %parallel_loop3A_952 = arith.index_cast %parallel_loop3A_951 : i32 to index
        %parallel_loop3A_953 = tpu.vector_load %arg5[%parallel_loop3A_952] {strides = array<i32>} : memref<16384xf32, #tpu.memory_space<vmem>>, vector<16xf32>,
        %parallel_loop3A_954 = arith.constant 128 : i32
        %parallel_loop3A_955 = arith.addi %parallel_loop3A_749, %parallel_loop3A_954 : i32
        %parallel_loop3A_956 = arith.index_cast %parallel_loop3A_955 : i32 to index
        %parallel_loop3A_957 = tpu.vector_load %arg7[%parallel_loop3A_956] {strides = array<i32>} : memref<16384xi32, #tpu.memory_space<vmem>>, vector<16xi32>,
        %parallel_loop3A_958 = arith.constant -1.000000e+00 : f32
        %parallel_loop3A_959 = vector.broadcast %parallel_loop3A_958 : f32 to vector<16xf32>
        %parallel_loop3A_960 = arith.mulf %parallel_loop3A_953, %parallel_loop3A_959 : vector<16xf32>
        %parallel_loop3A_961 = math.exp %parallel_loop3A_960 : vector<16xf32>
        %parallel_loop3A_962 = arith.constant 1.000000e+00 : f32
        %parallel_loop3A_963 = vector.broadcast %parallel_loop3A_962 : f32 to vector<16xf32>
        %parallel_loop3A_964 = arith.addf %parallel_loop3A_963, %parallel_loop3A_961 : vector<16xf32>
        %parallel_loop3A_965 = arith.constant 1.000000e+00 : f32
        %parallel_loop3A_966 = vector.broadcast %parallel_loop3A_965 : f32 to vector<16xf32>
        %parallel_loop3A_967 = arith.divf %parallel_loop3A_966, %parallel_loop3A_964 : vector<16xf32>
        %parallel_loop3A_968 = arith.constant 3.000000e+01 : f32
        %parallel_loop3A_969 = vector.broadcast %parallel_loop3A_968 : f32 to vector<16xf32>
        %parallel_loop3A_970 = arith.mulf %parallel_loop3A_967, %parallel_loop3A_969 : vector<16xf32>
        %parallel_loop3A_971 = arith.fptosi %parallel_loop3A_970 : vector<16xf32> to vector<16xi32>
        %parallel_loop3A_972 = arith.addi %parallel_loop3A_971, %parallel_loop3A_971 : vector<16xi32>
        %parallel_loop3A_973 = arith.addi %parallel_loop3A_972, %parallel_loop3A_957 : vector<16xi32>
        %parallel_loop3A_974 = arith.addi %parallel_loop3A_973, %mul3A_8 : vector<16xi32>
        %parallel_loop3A_975 = arith.constant 144 : i32
        %parallel_loop3A_976 = arith.addi %parallel_loop3A_749, %parallel_loop3A_975 : i32
        %parallel_loop3A_977 = arith.index_cast %parallel_loop3A_976 : i32 to index
        %parallel_loop3A_978 = tpu.vector_load %arg5[%parallel_loop3A_977] {strides = array<i32>} : memref<16384xf32, #tpu.memory_space<vmem>>, vector<16xf32>,
        %parallel_loop3A_979 = arith.constant 144 : i32
        %parallel_loop3A_980 = arith.addi %parallel_loop3A_749, %parallel_loop3A_979 : i32
        %parallel_loop3A_981 = arith.index_cast %parallel_loop3A_980 : i32 to index
        %parallel_loop3A_982 = tpu.vector_load %arg7[%parallel_loop3A_981] {strides = array<i32>} : memref<16384xi32, #tpu.memory_space<vmem>>, vector<16xi32>,
        %parallel_loop3A_983 = arith.constant -1.000000e+00 : f32
        %parallel_loop3A_984 = vector.broadcast %parallel_loop3A_983 : f32 to vector<16xf32>
        %parallel_loop3A_985 = arith.mulf %parallel_loop3A_978, %parallel_loop3A_984 : vector<16xf32>
        %parallel_loop3A_986 = math.exp %parallel_loop3A_985 : vector<16xf32>
        %parallel_loop3A_987 = arith.constant 1.000000e+00 : f32
        %parallel_loop3A_988 = vector.broadcast %parallel_loop3A_987 : f32 to vector<16xf32>
        %parallel_loop3A_989 = arith.addf %parallel_loop3A_988, %parallel_loop3A_986 : vector<16xf32>
        %parallel_loop3A_990 = arith.constant 1.000000e+00 : f32
        %parallel_loop3A_991 = vector.broadcast %parallel_loop3A_990 : f32 to vector<16xf32>
        %parallel_loop3A_992 = arith.divf %parallel_loop3A_991, %parallel_loop3A_989 : vector<16xf32>
        %parallel_loop3A_993 = arith.constant 3.000000e+01 : f32
        %parallel_loop3A_994 = vector.broadcast %parallel_loop3A_993 : f32 to vector<16xf32>
        %parallel_loop3A_995 = arith.mulf %parallel_loop3A_992, %parallel_loop3A_994 : vector<16xf32>
        %parallel_loop3A_996 = arith.fptosi %parallel_loop3A_995 : vector<16xf32> to vector<16xi32>
        %parallel_loop3A_997 = arith.addi %parallel_loop3A_996, %parallel_loop3A_996 : vector<16xi32>
        %parallel_loop3A_998 = arith.addi %parallel_loop3A_997, %parallel_loop3A_982 : vector<16xi32>
        %parallel_loop3A_999 = arith.addi %parallel_loop3A_998, %mul3A_8 : vector<16xi32>
        %parallel_loop3A_1000 = arith.constant 160 : i32
        %parallel_loop3A_1001 = arith.addi %parallel_loop3A_749, %parallel_loop3A_1000 : i32
        %parallel_loop3A_1002 = arith.index_cast %parallel_loop3A_1001 : i32 to index
        %parallel_loop3A_1003 = tpu.vector_load %arg5[%parallel_loop3A_1002] {strides = array<i32>} : memref<16384xf32, #tpu.memory_space<vmem>>, vector<16xf32>,
        %parallel_loop3A_1004 = arith.constant 160 : i32
        %parallel_loop3A_1005 = arith.addi %parallel_loop3A_749, %parallel_loop3A_1004 : i32
        %parallel_loop3A_1006 = arith.index_cast %parallel_loop3A_1005 : i32 to index
        %parallel_loop3A_1007 = tpu.vector_load %arg7[%parallel_loop3A_1006] {strides = array<i32>} : memref<16384xi32, #tpu.memory_space<vmem>>, vector<16xi32>,
        %parallel_loop3A_1008 = arith.constant -1.000000e+00 : f32
        %parallel_loop3A_1009 = vector.broadcast %parallel_loop3A_1008 : f32 to vector<16xf32>
        %parallel_loop3A_1010 = arith.mulf %parallel_loop3A_1003, %parallel_loop3A_1009 : vector<16xf32>
        %parallel_loop3A_1011 = math.exp %parallel_loop3A_1010 : vector<16xf32>
        %parallel_loop3A_1012 = arith.constant 1.000000e+00 : f32
        %parallel_loop3A_1013 = vector.broadcast %parallel_loop3A_1012 : f32 to vector<16xf32>
        %parallel_loop3A_1014 = arith.addf %parallel_loop3A_1013, %parallel_loop3A_1011 : vector<16xf32>
        %parallel_loop3A_1015 = arith.constant 1.000000e+00 : f32
        %parallel_loop3A_1016 = vector.broadcast %parallel_loop3A_1015 : f32 to vector<16xf32>
        %parallel_loop3A_1017 = arith.divf %parallel_loop3A_1016, %parallel_loop3A_1014 : vector<16xf32>
        %parallel_loop3A_1018 = arith.constant 3.000000e+01 : f32
        %parallel_loop3A_1019 = vector.broadcast %parallel_loop3A_1018 : f32 to vector<16xf32>
        %parallel_loop3A_1020 = arith.mulf %parallel_loop3A_1017, %parallel_loop3A_1019 : vector<16xf32>
        %parallel_loop3A_1021 = arith.fptosi %parallel_loop3A_1020 : vector<16xf32> to vector<16xi32>
        %parallel_loop3A_1022 = arith.addi %parallel_loop3A_1021, %parallel_loop3A_1021 : vector<16xi32>
        %parallel_loop3A_1023 = arith.addi %parallel_loop3A_1022, %parallel_loop3A_1007 : vector<16xi32>
        %parallel_loop3A_1024 = arith.addi %parallel_loop3A_1023, %mul3A_8 : vector<16xi32>
        %parallel_loop3A_1025 = arith.constant 176 : i32
        %parallel_loop3A_1026 = arith.addi %parallel_loop3A_749, %parallel_loop3A_1025 : i32
        %parallel_loop3A_1027 = arith.index_cast %parallel_loop3A_1026 : i32 to index
        %parallel_loop3A_1028 = tpu.vector_load %arg5[%parallel_loop3A_1027] {strides = array<i32>} : memref<16384xf32, #tpu.memory_space<vmem>>, vector<16xf32>,
        %parallel_loop3A_1029 = arith.constant 176 : i32
        %parallel_loop3A_1030 = arith.addi %parallel_loop3A_749, %parallel_loop3A_1029 : i32
        %parallel_loop3A_1031 = arith.index_cast %parallel_loop3A_1030 : i32 to index
        %parallel_loop3A_1032 = tpu.vector_load %arg7[%parallel_loop3A_1031] {strides = array<i32>} : memref<16384xi32, #tpu.memory_space<vmem>>, vector<16xi32>,
        %parallel_loop3A_1033 = arith.constant -1.000000e+00 : f32
        %parallel_loop3A_1034 = vector.broadcast %parallel_loop3A_1033 : f32 to vector<16xf32>
        %parallel_loop3A_1035 = arith.mulf %parallel_loop3A_1028, %parallel_loop3A_1034 : vector<16xf32>
        %parallel_loop3A_1036 = math.exp %parallel_loop3A_1035 : vector<16xf32>
        %parallel_loop3A_1037 = arith.constant 1.000000e+00 : f32
        %parallel_loop3A_1038 = vector.broadcast %parallel_loop3A_1037 : f32 to vector<16xf32>
        %parallel_loop3A_1039 = arith.addf %parallel_loop3A_1038, %parallel_loop3A_1036 : vector<16xf32>
        %parallel_loop3A_1040 = arith.constant 1.000000e+00 : f32
        %parallel_loop3A_1041 = vector.broadcast %parallel_loop3A_1040 : f32 to vector<16xf32>
        %parallel_loop3A_1042 = arith.divf %parallel_loop3A_1041, %parallel_loop3A_1039 : vector<16xf32>
        %parallel_loop3A_1043 = arith.constant 3.000000e+01 : f32
        %parallel_loop3A_1044 = vector.broadcast %parallel_loop3A_1043 : f32 to vector<16xf32>
        %parallel_loop3A_1045 = arith.mulf %parallel_loop3A_1042, %parallel_loop3A_1044 : vector<16xf32>
        %parallel_loop3A_1046 = arith.fptosi %parallel_loop3A_1045 : vector<16xf32> to vector<16xi32>
        %parallel_loop3A_1047 = arith.addi %parallel_loop3A_1046, %parallel_loop3A_1046 : vector<16xi32>
        %parallel_loop3A_1048 = arith.addi %parallel_loop3A_1047, %parallel_loop3A_1032 : vector<16xi32>
        %parallel_loop3A_1049 = arith.addi %parallel_loop3A_1048, %mul3A_8 : vector<16xi32>
        %parallel_loop3A_1050 = arith.constant 192 : i32
        %parallel_loop3A_1051 = arith.addi %parallel_loop3A_749, %parallel_loop3A_1050 : i32
        %parallel_loop3A_1052 = arith.index_cast %parallel_loop3A_1051 : i32 to index
        %parallel_loop3A_1053 = tpu.vector_load %arg5[%parallel_loop3A_1052] {strides = array<i32>} : memref<16384xf32, #tpu.memory_space<vmem>>, vector<16xf32>,
        %parallel_loop3A_1054 = arith.constant 192 : i32
        %parallel_loop3A_1055 = arith.addi %parallel_loop3A_749, %parallel_loop3A_1054 : i32
        %parallel_loop3A_1056 = arith.index_cast %parallel_loop3A_1055 : i32 to index
        %parallel_loop3A_1057 = tpu.vector_load %arg7[%parallel_loop3A_1056] {strides = array<i32>} : memref<16384xi32, #tpu.memory_space<vmem>>, vector<16xi32>,
        %parallel_loop3A_1058 = arith.constant -1.000000e+00 : f32
        %parallel_loop3A_1059 = vector.broadcast %parallel_loop3A_1058 : f32 to vector<16xf32>
        %parallel_loop3A_1060 = arith.mulf %parallel_loop3A_1053, %parallel_loop3A_1059 : vector<16xf32>
        %parallel_loop3A_1061 = math.exp %parallel_loop3A_1060 : vector<16xf32>
        %parallel_loop3A_1062 = arith.constant 1.000000e+00 : f32
        %parallel_loop3A_1063 = vector.broadcast %parallel_loop3A_1062 : f32 to vector<16xf32>
        %parallel_loop3A_1064 = arith.addf %parallel_loop3A_1063, %parallel_loop3A_1061 : vector<16xf32>
        %parallel_loop3A_1065 = arith.constant 1.000000e+00 : f32
        %parallel_loop3A_1066 = vector.broadcast %parallel_loop3A_1065 : f32 to vector<16xf32>
        %parallel_loop3A_1067 = arith.divf %parallel_loop3A_1066, %parallel_loop3A_1064 : vector<16xf32>
        %parallel_loop3A_1068 = arith.constant 3.000000e+01 : f32
        %parallel_loop3A_1069 = vector.broadcast %parallel_loop3A_1068 : f32 to vector<16xf32>
        %parallel_loop3A_1070 = arith.mulf %parallel_loop3A_1067, %parallel_loop3A_1069 : vector<16xf32>
        %parallel_loop3A_1071 = arith.fptosi %parallel_loop3A_1070 : vector<16xf32> to vector<16xi32>
        %parallel_loop3A_1072 = arith.addi %parallel_loop3A_1071, %parallel_loop3A_1071 : vector<16xi32>
        %parallel_loop3A_1073 = arith.addi %parallel_loop3A_1072, %parallel_loop3A_1057 : vector<16xi32>
        %parallel_loop3A_1074 = arith.addi %parallel_loop3A_1073, %mul3A_8 : vector<16xi32>
        %parallel_loop3A_1075 = arith.constant 208 : i32
        %parallel_loop3A_1076 = arith.addi %parallel_loop3A_749, %parallel_loop3A_1075 : i32
        %parallel_loop3A_1077 = arith.index_cast %parallel_loop3A_1076 : i32 to index
        %parallel_loop3A_1078 = tpu.vector_load %arg5[%parallel_loop3A_1077] {strides = array<i32>} : memref<16384xf32, #tpu.memory_space<vmem>>, vector<16xf32>,
        %parallel_loop3A_1079 = arith.constant 208 : i32
        %parallel_loop3A_1080 = arith.addi %parallel_loop3A_749, %parallel_loop3A_1079 : i32
        %parallel_loop3A_1081 = arith.index_cast %parallel_loop3A_1080 : i32 to index
        %parallel_loop3A_1082 = tpu.vector_load %arg7[%parallel_loop3A_1081] {strides = array<i32>} : memref<16384xi32, #tpu.memory_space<vmem>>, vector<16xi32>,
        %parallel_loop3A_1083 = arith.constant -1.000000e+00 : f32
        %parallel_loop3A_1084 = vector.broadcast %parallel_loop3A_1083 : f32 to vector<16xf32>
        %parallel_loop3A_1085 = arith.mulf %parallel_loop3A_1078, %parallel_loop3A_1084 : vector<16xf32>
        %parallel_loop3A_1086 = math.exp %parallel_loop3A_1085 : vector<16xf32>
        %parallel_loop3A_1087 = arith.constant 1.000000e+00 : f32
        %parallel_loop3A_1088 = vector.broadcast %parallel_loop3A_1087 : f32 to vector<16xf32>
        %parallel_loop3A_1089 = arith.addf %parallel_loop3A_1088, %parallel_loop3A_1086 : vector<16xf32>
        %parallel_loop3A_1090 = arith.constant 1.000000e+00 : f32
        %parallel_loop3A_1091 = vector.broadcast %parallel_loop3A_1090 : f32 to vector<16xf32>
        %parallel_loop3A_1092 = arith.divf %parallel_loop3A_1091, %parallel_loop3A_1089 : vector<16xf32>
        %parallel_loop3A_1093 = arith.constant 3.000000e+01 : f32
        %parallel_loop3A_1094 = vector.broadcast %parallel_loop3A_1093 : f32 to vector<16xf32>
        %parallel_loop3A_1095 = arith.mulf %parallel_loop3A_1092, %parallel_loop3A_1094 : vector<16xf32>
        %parallel_loop3A_1096 = arith.fptosi %parallel_loop3A_1095 : vector<16xf32> to vector<16xi32>
        %parallel_loop3A_1097 = arith.addi %parallel_loop3A_1096, %parallel_loop3A_1096 : vector<16xi32>
        %parallel_loop3A_1098 = arith.addi %parallel_loop3A_1097, %parallel_loop3A_1082 : vector<16xi32>
        %parallel_loop3A_1099 = arith.addi %parallel_loop3A_1098, %mul3A_8 : vector<16xi32>
        %parallel_loop3A_1100 = arith.constant 224 : i32
        %parallel_loop3A_1101 = arith.addi %parallel_loop3A_749, %parallel_loop3A_1100 : i32
        %parallel_loop3A_1102 = arith.index_cast %parallel_loop3A_1101 : i32 to index
        %parallel_loop3A_1103 = tpu.vector_load %arg5[%parallel_loop3A_1102] {strides = array<i32>} : memref<16384xf32, #tpu.memory_space<vmem>>, vector<16xf32>,
        %parallel_loop3A_1104 = arith.constant 224 : i32
        %parallel_loop3A_1105 = arith.addi %parallel_loop3A_749, %parallel_loop3A_1104 : i32
        %parallel_loop3A_1106 = arith.index_cast %parallel_loop3A_1105 : i32 to index
        %parallel_loop3A_1107 = tpu.vector_load %arg7[%parallel_loop3A_1106] {strides = array<i32>} : memref<16384xi32, #tpu.memory_space<vmem>>, vector<16xi32>,
        %parallel_loop3A_1108 = arith.constant -1.000000e+00 : f32
        %parallel_loop3A_1109 = vector.broadcast %parallel_loop3A_1108 : f32 to vector<16xf32>
        %parallel_loop3A_1110 = arith.mulf %parallel_loop3A_1103, %parallel_loop3A_1109 : vector<16xf32>
        %parallel_loop3A_1111 = math.exp %parallel_loop3A_1110 : vector<16xf32>
        %parallel_loop3A_1112 = arith.constant 1.000000e+00 : f32
        %parallel_loop3A_1113 = vector.broadcast %parallel_loop3A_1112 : f32 to vector<16xf32>
        %parallel_loop3A_1114 = arith.addf %parallel_loop3A_1113, %parallel_loop3A_1111 : vector<16xf32>
        %parallel_loop3A_1115 = arith.constant 1.000000e+00 : f32
        %parallel_loop3A_1116 = vector.broadcast %parallel_loop3A_1115 : f32 to vector<16xf32>
        %parallel_loop3A_1117 = arith.divf %parallel_loop3A_1116, %parallel_loop3A_1114 : vector<16xf32>
        %parallel_loop3A_1118 = arith.constant 3.000000e+01 : f32
        %parallel_loop3A_1119 = vector.broadcast %parallel_loop3A_1118 : f32 to vector<16xf32>
        %parallel_loop3A_1120 = arith.mulf %parallel_loop3A_1117, %parallel_loop3A_1119 : vector<16xf32>
        %parallel_loop3A_1121 = arith.fptosi %parallel_loop3A_1120 : vector<16xf32> to vector<16xi32>
        %parallel_loop3A_1122 = arith.addi %parallel_loop3A_1121, %parallel_loop3A_1121 : vector<16xi32>
        %parallel_loop3A_1123 = arith.addi %parallel_loop3A_1122, %parallel_loop3A_1107 : vector<16xi32>
        %parallel_loop3A_1124 = arith.addi %parallel_loop3A_1123, %mul3A_8 : vector<16xi32>
        %parallel_loop3A_1125 = arith.constant 240 : i32
        %parallel_loop3A_1126 = arith.addi %parallel_loop3A_749, %parallel_loop3A_1125 : i32
        %parallel_loop3A_1127 = arith.index_cast %parallel_loop3A_1126 : i32 to index
        %parallel_loop3A_1128 = tpu.vector_load %arg5[%parallel_loop3A_1127] {strides = array<i32>} : memref<16384xf32, #tpu.memory_space<vmem>>, vector<16xf32>,
        %parallel_loop3A_1129 = arith.constant 240 : i32
        %parallel_loop3A_1130 = arith.addi %parallel_loop3A_749, %parallel_loop3A_1129 : i32
        %parallel_loop3A_1131 = arith.index_cast %parallel_loop3A_1130 : i32 to index
        %parallel_loop3A_1132 = tpu.vector_load %arg7[%parallel_loop3A_1131] {strides = array<i32>} : memref<16384xi32, #tpu.memory_space<vmem>>, vector<16xi32>,
        %parallel_loop3A_1133 = arith.constant -1.000000e+00 : f32
        %parallel_loop3A_1134 = vector.broadcast %parallel_loop3A_1133 : f32 to vector<16xf32>
        %parallel_loop3A_1135 = arith.mulf %parallel_loop3A_1128, %parallel_loop3A_1134 : vector<16xf32>
        %parallel_loop3A_1136 = math.exp %parallel_loop3A_1135 : vector<16xf32>
        %parallel_loop3A_1137 = arith.constant 1.000000e+00 : f32
        %parallel_loop3A_1138 = vector.broadcast %parallel_loop3A_1137 : f32 to vector<16xf32>
        %parallel_loop3A_1139 = arith.addf %parallel_loop3A_1138, %parallel_loop3A_1136 : vector<16xf32>
        %parallel_loop3A_1140 = arith.constant 1.000000e+00 : f32
        %parallel_loop3A_1141 = vector.broadcast %parallel_loop3A_1140 : f32 to vector<16xf32>
        %parallel_loop3A_1142 = arith.divf %parallel_loop3A_1141, %parallel_loop3A_1139 : vector<16xf32>
        %parallel_loop3A_1143 = arith.constant 3.000000e+01 : f32
        %parallel_loop3A_1144 = vector.broadcast %parallel_loop3A_1143 : f32 to vector<16xf32>
        %parallel_loop3A_1145 = arith.mulf %parallel_loop3A_1142, %parallel_loop3A_1144 : vector<16xf32>
        %parallel_loop3A_1146 = arith.fptosi %parallel_loop3A_1145 : vector<16xf32> to vector<16xi32>
        %parallel_loop3A_1147 = arith.addi %parallel_loop3A_1146, %parallel_loop3A_1146 : vector<16xi32>
        %parallel_loop3A_1148 = arith.addi %parallel_loop3A_1147, %parallel_loop3A_1132 : vector<16xi32>
        %parallel_loop3A_1149 = arith.addi %parallel_loop3A_1148, %mul3A_8 : vector<16xi32>
        tpu.vector_store_idx %arg9[%parallel_loop3A_716], %broadcast_in_dim3A_5 {add = true} : memref<1040xf32, #tpu.memory_space<vmem>>[vector<16xi32>], vector<16xf32>,
        tpu.vector_store_idx %arg10[%parallel_loop3A_716], %parallel_loop3A_732 {add = true} : memref<1040xf32, #tpu.memory_space<vmem>>[vector<16xi32>], vector<16xf32>,
        tpu.vector_store_idx %arg9[%parallel_loop3A_717], %broadcast_in_dim3A_5 {add = true} : memref<1040xf32, #tpu.memory_space<vmem>>[vector<16xi32>], vector<16xf32>,
        tpu.vector_store_idx %arg10[%parallel_loop3A_717], %parallel_loop3A_733 {add = true} : memref<1040xf32, #tpu.memory_space<vmem>>[vector<16xi32>], vector<16xf32>,
        tpu.vector_store_idx %arg9[%parallel_loop3A_718], %broadcast_in_dim3A_5 {add = true} : memref<1040xf32, #tpu.memory_space<vmem>>[vector<16xi32>], vector<16xf32>,
        tpu.vector_store_idx %arg10[%parallel_loop3A_718], %parallel_loop3A_734 {add = true} : memref<1040xf32, #tpu.memory_space<vmem>>[vector<16xi32>], vector<16xf32>,
        tpu.vector_store_idx %arg9[%parallel_loop3A_719], %broadcast_in_dim3A_5 {add = true} : memref<1040xf32, #tpu.memory_space<vmem>>[vector<16xi32>], vector<16xf32>,
        tpu.vector_store_idx %arg10[%parallel_loop3A_719], %parallel_loop3A_735 {add = true} : memref<1040xf32, #tpu.memory_space<vmem>>[vector<16xi32>], vector<16xf32>,
        tpu.vector_store_idx %arg9[%parallel_loop3A_720], %broadcast_in_dim3A_5 {add = true} : memref<1040xf32, #tpu.memory_space<vmem>>[vector<16xi32>], vector<16xf32>,
        tpu.vector_store_idx %arg10[%parallel_loop3A_720], %parallel_loop3A_736 {add = true} : memref<1040xf32, #tpu.memory_space<vmem>>[vector<16xi32>], vector<16xf32>,
        tpu.vector_store_idx %arg9[%parallel_loop3A_721], %broadcast_in_dim3A_5 {add = true} : memref<1040xf32, #tpu.memory_space<vmem>>[vector<16xi32>], vector<16xf32>,
        tpu.vector_store_idx %arg10[%parallel_loop3A_721], %parallel_loop3A_737 {add = true} : memref<1040xf32, #tpu.memory_space<vmem>>[vector<16xi32>], vector<16xf32>,
        tpu.vector_store_idx %arg9[%parallel_loop3A_722], %broadcast_in_dim3A_5 {add = true} : memref<1040xf32, #tpu.memory_space<vmem>>[vector<16xi32>], vector<16xf32>,
        tpu.vector_store_idx %arg10[%parallel_loop3A_722], %parallel_loop3A_738 {add = true} : memref<1040xf32, #tpu.memory_space<vmem>>[vector<16xi32>], vector<16xf32>,
        tpu.vector_store_idx %arg9[%parallel_loop3A_723], %broadcast_in_dim3A_5 {add = true} : memref<1040xf32, #tpu.memory_space<vmem>>[vector<16xi32>], vector<16xf32>,
        tpu.vector_store_idx %arg10[%parallel_loop3A_723], %parallel_loop3A_739 {add = true} : memref<1040xf32, #tpu.memory_space<vmem>>[vector<16xi32>], vector<16xf32>,
        tpu.vector_store_idx %arg9[%parallel_loop3A_724], %broadcast_in_dim3A_5 {add = true} : memref<1040xf32, #tpu.memory_space<vmem>>[vector<16xi32>], vector<16xf32>,
        tpu.vector_store_idx %arg10[%parallel_loop3A_724], %parallel_loop3A_740 {add = true} : memref<1040xf32, #tpu.memory_space<vmem>>[vector<16xi32>], vector<16xf32>,
        tpu.vector_store_idx %arg9[%parallel_loop3A_725], %broadcast_in_dim3A_5 {add = true} : memref<1040xf32, #tpu.memory_space<vmem>>[vector<16xi32>], vector<16xf32>,
        tpu.vector_store_idx %arg10[%parallel_loop3A_725], %parallel_loop3A_741 {add = true} : memref<1040xf32, #tpu.memory_space<vmem>>[vector<16xi32>], vector<16xf32>,
        tpu.vector_store_idx %arg9[%parallel_loop3A_726], %broadcast_in_dim3A_5 {add = true} : memref<1040xf32, #tpu.memory_space<vmem>>[vector<16xi32>], vector<16xf32>,
        tpu.vector_store_idx %arg10[%parallel_loop3A_726], %parallel_loop3A_742 {add = true} : memref<1040xf32, #tpu.memory_space<vmem>>[vector<16xi32>], vector<16xf32>,
        tpu.vector_store_idx %arg9[%parallel_loop3A_727], %broadcast_in_dim3A_5 {add = true} : memref<1040xf32, #tpu.memory_space<vmem>>[vector<16xi32>], vector<16xf32>,
        tpu.vector_store_idx %arg10[%parallel_loop3A_727], %parallel_loop3A_743 {add = true} : memref<1040xf32, #tpu.memory_space<vmem>>[vector<16xi32>], vector<16xf32>,
        tpu.vector_store_idx %arg9[%parallel_loop3A_728], %broadcast_in_dim3A_5 {add = true} : memref<1040xf32, #tpu.memory_space<vmem>>[vector<16xi32>], vector<16xf32>,
        tpu.vector_store_idx %arg10[%parallel_loop3A_728], %parallel_loop3A_744 {add = true} : memref<1040xf32, #tpu.memory_space<vmem>>[vector<16xi32>], vector<16xf32>,
        tpu.vector_store_idx %arg9[%parallel_loop3A_729], %broadcast_in_dim3A_5 {add = true} : memref<1040xf32, #tpu.memory_space<vmem>>[vector<16xi32>], vector<16xf32>,
        tpu.vector_store_idx %arg10[%parallel_loop3A_729], %parallel_loop3A_745 {add = true} : memref<1040xf32, #tpu.memory_space<vmem>>[vector<16xi32>], vector<16xf32>,
        tpu.vector_store_idx %arg9[%parallel_loop3A_730], %broadcast_in_dim3A_5 {add = true} : memref<1040xf32, #tpu.memory_space<vmem>>[vector<16xi32>], vector<16xf32>,
        tpu.vector_store_idx %arg10[%parallel_loop3A_730], %parallel_loop3A_746 {add = true} : memref<1040xf32, #tpu.memory_space<vmem>>[vector<16xi32>], vector<16xf32>,
        tpu.vector_store_idx %arg9[%parallel_loop3A_731], %broadcast_in_dim3A_5 {add = true} : memref<1040xf32, #tpu.memory_space<vmem>>[vector<16xi32>], vector<16xf32>,
        tpu.vector_store_idx %arg10[%parallel_loop3A_731], %parallel_loop3A_747 {add = true} : memref<1040xf32, #tpu.memory_space<vmem>>[vector<16xi32>], vector<16xf32>,
        scf.yield %parallel_loop3A_774, %parallel_loop3A_799, %parallel_loop3A_824, %parallel_loop3A_849, %parallel_loop3A_874, %parallel_loop3A_899, %parallel_loop3A_924, %parallel_loop3A_949, %parallel_loop3A_974, %parallel_loop3A_999, %parallel_loop3A_1024, %parallel_loop3A_1049, %parallel_loop3A_1074, %parallel_loop3A_1099, %parallel_loop3A_1124, %parallel_loop3A_1149, %parallel_loop3A_767, %parallel_loop3A_792, %parallel_loop3A_817, %parallel_loop3A_842, %parallel_loop3A_867, %parallel_loop3A_892, %parallel_loop3A_917, %parallel_loop3A_942, %parallel_loop3A_967, %parallel_loop3A_992, %parallel_loop3A_1017, %parallel_loop3A_1042, %parallel_loop3A_1067, %parallel_loop3A_1092, %parallel_loop3A_1117, %parallel_loop3A_1142 : vector<16xi32>, vector<16xi32>, vector<16xi32>, vector<16xi32>, vector<16xi32>, vector<16xi32>, vector<16xi32>, vector<16xi32>, vector<16xi32>, vector<16xi32>, vector<16xi32>, vector<16xi32>, vector<16xi32>, vector<16xi32>, vector<16xi32>, vector<16xi32>, vector<16xf32>, vector<16xf32>, vector<16xf32>, vector<16xf32>, vector<16xf32>, vector<16xf32>, vector<16xf32>, vector<16xf32>, vector<16xf32>, vector<16xf32>, vector<16xf32>, vector<16xf32>, vector<16xf32>, vector<16xf32>, vector<16xf32>, vector<16xf32>
      } {sc.loop_unroll_factor = 1 : i64, sc.parallel_access}
      tpu.vector_store_idx %arg9[%parallel_loop3A_694#0], %broadcast_in_dim3A_5 {add = true} : memref<1040xf32, #tpu.memory_space<vmem>>[vector<16xi32>], vector<16xf32>,
      tpu.vector_store_idx %arg10[%parallel_loop3A_694#0], %parallel_loop3A_694#16 {add = true} : memref<1040xf32, #tpu.memory_space<vmem>>[vector<16xi32>], vector<16xf32>,
      tpu.vector_store_idx %arg9[%parallel_loop3A_694#1], %broadcast_in_dim3A_5 {add = true} : memref<1040xf32, #tpu.memory_space<vmem>>[vector<16xi32>], vector<16xf32>,
      tpu.vector_store_idx %arg10[%parallel_loop3A_694#1], %parallel_loop3A_694#17 {add = true} : memref<1040xf32, #tpu.memory_space<vmem>>[vector<16xi32>], vector<16xf32>,
      tpu.vector_store_idx %arg9[%parallel_loop3A_694#2], %broadcast_in_dim3A_5 {add = true} : memref<1040xf32, #tpu.memory_space<vmem>>[vector<16xi32>], vector<16xf32>,
      tpu.vector_store_idx %arg10[%parallel_loop3A_694#2], %parallel_loop3A_694#18 {add = true} : memref<1040xf32, #tpu.memory_space<vmem>>[vector<16xi32>], vector<16xf32>,
      tpu.vector_store_idx %arg9[%parallel_loop3A_694#3], %broadcast_in_dim3A_5 {add = true} : memref<1040xf32, #tpu.memory_space<vmem>>[vector<16xi32>], vector<16xf32>,
      tpu.vector_store_idx %arg10[%parallel_loop3A_694#3], %parallel_loop3A_694#19 {add = true} : memref<1040xf32, #tpu.memory_space<vmem>>[vector<16xi32>], vector<16xf32>,
      tpu.vector_store_idx %arg9[%parallel_loop3A_694#4], %broadcast_in_dim3A_5 {add = true} : memref<1040xf32, #tpu.memory_space<vmem>>[vector<16xi32>], vector<16xf32>,
      tpu.vector_store_idx %arg10[%parallel_loop3A_694#4], %parallel_loop3A_694#20 {add = true} : memref<1040xf32, #tpu.memory_space<vmem>>[vector<16xi32>], vector<16xf32>,
      tpu.vector_store_idx %arg9[%parallel_loop3A_694#5], %broadcast_in_dim3A_5 {add = true} : memref<1040xf32, #tpu.memory_space<vmem>>[vector<16xi32>], vector<16xf32>,
      tpu.vector_store_idx %arg10[%parallel_loop3A_694#5], %parallel_loop3A_694#21 {add = true} : memref<1040xf32, #tpu.memory_space<vmem>>[vector<16xi32>], vector<16xf32>,
      tpu.vector_store_idx %arg9[%parallel_loop3A_694#6], %broadcast_in_dim3A_5 {add = true} : memref<1040xf32, #tpu.memory_space<vmem>>[vector<16xi32>], vector<16xf32>,
      tpu.vector_store_idx %arg10[%parallel_loop3A_694#6], %parallel_loop3A_694#22 {add = true} : memref<1040xf32, #tpu.memory_space<vmem>>[vector<16xi32>], vector<16xf32>,
      tpu.vector_store_idx %arg9[%parallel_loop3A_694#7], %broadcast_in_dim3A_5 {add = true} : memref<1040xf32, #tpu.memory_space<vmem>>[vector<16xi32>], vector<16xf32>,
      tpu.vector_store_idx %arg10[%parallel_loop3A_694#7], %parallel_loop3A_694#23 {add = true} : memref<1040xf32, #tpu.memory_space<vmem>>[vector<16xi32>], vector<16xf32>,
      tpu.vector_store_idx %arg9[%parallel_loop3A_694#8], %broadcast_in_dim3A_5 {add = true} : memref<1040xf32, #tpu.memory_space<vmem>>[vector<16xi32>], vector<16xf32>,
      tpu.vector_store_idx %arg10[%parallel_loop3A_694#8], %parallel_loop3A_694#24 {add = true} : memref<1040xf32, #tpu.memory_space<vmem>>[vector<16xi32>], vector<16xf32>,
      tpu.vector_store_idx %arg9[%parallel_loop3A_694#9], %broadcast_in_dim3A_5 {add = true} : memref<1040xf32, #tpu.memory_space<vmem>>[vector<16xi32>], vector<16xf32>,
      tpu.vector_store_idx %arg10[%parallel_loop3A_694#9], %parallel_loop3A_694#25 {add = true} : memref<1040xf32, #tpu.memory_space<vmem>>[vector<16xi32>], vector<16xf32>,
      tpu.vector_store_idx %arg9[%parallel_loop3A_694#10], %broadcast_in_dim3A_5 {add = true} : memref<1040xf32, #tpu.memory_space<vmem>>[vector<16xi32>], vector<16xf32>,
      tpu.vector_store_idx %arg10[%parallel_loop3A_694#10], %parallel_loop3A_694#26 {add = true} : memref<1040xf32, #tpu.memory_space<vmem>>[vector<16xi32>], vector<16xf32>,
      tpu.vector_store_idx %arg9[%parallel_loop3A_694#11], %broadcast_in_dim3A_5 {add = true} : memref<1040xf32, #tpu.memory_space<vmem>>[vector<16xi32>], vector<16xf32>,
      tpu.vector_store_idx %arg10[%parallel_loop3A_694#11], %parallel_loop3A_694#27 {add = true} : memref<1040xf32, #tpu.memory_space<vmem>>[vector<16xi32>], vector<16xf32>,
      tpu.vector_store_idx %arg9[%parallel_loop3A_694#12], %broadcast_in_dim3A_5 {add = true} : memref<1040xf32, #tpu.memory_space<vmem>>[vector<16xi32>], vector<16xf32>,
      tpu.vector_store_idx %arg10[%parallel_loop3A_694#12], %parallel_loop3A_694#28 {add = true} : memref<1040xf32, #tpu.memory_space<vmem>>[vector<16xi32>], vector<16xf32>,
      tpu.vector_store_idx %arg9[%parallel_loop3A_694#13], %broadcast_in_dim3A_5 {add = true} : memref<1040xf32, #tpu.memory_space<vmem>>[vector<16xi32>], vector<16xf32>,
      tpu.vector_store_idx %arg10[%parallel_loop3A_694#13], %parallel_loop3A_694#29 {add = true} : memref<1040xf32, #tpu.memory_space<vmem>>[vector<16xi32>], vector<16xf32>,
      tpu.vector_store_idx %arg9[%parallel_loop3A_694#14], %broadcast_in_dim3A_5 {add = true} : memref<1040xf32, #tpu.memory_space<vmem>>[vector<16xi32>], vector<16xf32>,
      tpu.vector_store_idx %arg10[%parallel_loop3A_694#14], %parallel_loop3A_694#30 {add = true} : memref<1040xf32, #tpu.memory_space<vmem>>[vector<16xi32>], vector<16xf32>,
      tpu.vector_store_idx %arg9[%parallel_loop3A_694#15], %broadcast_in_dim3A_5 {add = true} : memref<1040xf32, #tpu.memory_space<vmem>>[vector<16xi32>], vector<16xf32>,
      tpu.vector_store_idx %arg10[%parallel_loop3A_694#15], %parallel_loop3A_694#31 {add = true} : memref<1040xf32, #tpu.memory_space<vmem>>[vector<16xi32>], vector<16xf32>,
      %add3A_695 = arith.constant 1 : i32
      %add3A_696 = arith.addi %add3A_679, %add3A_695 : i32
      %add3A_697 = arith.constant 1 : i32
      %add3A_698 = arith.addi %add3A_696, %add3A_697 : i32
      %lt3A_699 = arith.constant 32 : i32
      %lt3A_700 = arith.cmpi slt, %add3A_698, %lt3A_699 : i32
      %convert_element_type3A_701 = arith.extui %lt3A_700 : i1 to i32
      %cond3A_702 = arith.constant 0 : i32
      %cond3A_703 = arith.cmpi ne, %convert_element_type3A_701, %cond3A_702 : i32
      scf.if %cond3A_703 {
        %mul3A_715 = arith.constant 16384 : i32
        %mul3A_716 = arith.muli %add3A_698, %mul3A_715 : i32
        %add3A_717 = arith.addi %mul3A_2, %mul3A_716 : i32
        %dma_start3A_718 = tpu.memref_slice %arg2[%add3A_717] : memref<16777216xf32, #tpu.memory_space<hbm>> -> memref<16384xf32, #tpu.memory_space<hbm>>
        %dma_start3A_719 = tpu.memref_slice %arg2[%add3A_717] : memref<16777216xf32, #tpu.memory_space<hbm>> -> memref<16384xf32, #tpu.memory_space<hbm>>
        tpu.enqueue_dma source(%dma_start3A_719 : memref<16384xf32, #tpu.memory_space<hbm>>) target(%arg5 : memref<16384xf32, #tpu.memory_space<vmem>>) target_semaphore(%arg12 : memref<!tpu.dma_semaphore, #tpu.memory_space<semaphore_mem>>)
        %dma_start3A_720 = tpu.memref_slice %arg3[%add3A_717] : memref<16777216xi32, #tpu.memory_space<hbm>> -> memref<16384xi32, #tpu.memory_space<hbm>>
        %dma_start3A_721 = tpu.memref_slice %arg3[%add3A_717] : memref<16777216xi32, #tpu.memory_space<hbm>> -> memref<16384xi32, #tpu.memory_space<hbm>>
        tpu.enqueue_dma source(%dma_start3A_721 : memref<16384xi32, #tpu.memory_space<hbm>>) target(%arg7 : memref<16384xi32, #tpu.memory_space<vmem>>) target_semaphore(%arg12 : memref<!tpu.dma_semaphore, #tpu.memory_space<semaphore_mem>>)
      } else {
      }
      %mul3A_704 = arith.constant 16384 : i32
      %mul3A_705 = arith.muli %add3A_696, %mul3A_704 : i32
      %add3A_706 = arith.addi %mul3A_2, %mul3A_705 : i32
      %dma_wait3A_707 = tpu.memref_slice %arg2[%add3A_706] : memref<16777216xf32, #tpu.memory_space<hbm>> -> memref<16384xf32, #tpu.memory_space<hbm>>
      %dma_wait3A_708 = tpu.memref_slice %arg2[%add3A_706] : memref<16777216xf32, #tpu.memory_space<hbm>> -> memref<16384xf32, #tpu.memory_space<hbm>>
      tpu.wait_dma2 semaphore(%arg13 : memref<!tpu.dma_semaphore, #tpu.memory_space<semaphore_mem>>) src(%dma_wait3A_708 : memref<16384xf32, #tpu.memory_space<hbm>>) dst(%arg6 : memref<16384xf32, #tpu.memory_space<vmem>>)
      %dma_wait3A_709 = tpu.memref_slice %arg3[%add3A_706] : memref<16777216xi32, #tpu.memory_space<hbm>> -> memref<16384xi32, #tpu.memory_space<hbm>>
      %dma_wait3A_710 = tpu.memref_slice %arg3[%add3A_706] : memref<16777216xi32, #tpu.memory_space<hbm>> -> memref<16384xi32, #tpu.memory_space<hbm>>
      tpu.wait_dma2 semaphore(%arg13 : memref<!tpu.dma_semaphore, #tpu.memory_space<semaphore_mem>>) src(%dma_wait3A_710 : memref<16384xi32, #tpu.memory_space<hbm>>) dst(%arg8 : memref<16384xi32, #tpu.memory_space<vmem>>)
      %parallel_loop3A_711 = arith.constant 0 : i32
      %parallel_loop3A_712 = arith.constant 1024 : i32
      %parallel_loop3A_713 = arith.constant 16 : i32
      %parallel_loop3A_714:32 = scf.for %parallel_loop3A_715 = %parallel_loop3A_711 to %parallel_loop3A_712 step %parallel_loop3A_713 iter_args(%parallel_loop3A_716 = %add3A_266, %parallel_loop3A_717 = %add3A_266, %parallel_loop3A_718 = %add3A_266, %parallel_loop3A_719 = %add3A_266, %parallel_loop3A_720 = %add3A_266, %parallel_loop3A_721 = %add3A_266, %parallel_loop3A_722 = %add3A_266, %parallel_loop3A_723 = %add3A_266, %parallel_loop3A_724 = %add3A_266, %parallel_loop3A_725 = %add3A_266, %parallel_loop3A_726 = %add3A_266, %parallel_loop3A_727 = %add3A_266, %parallel_loop3A_728 = %add3A_266, %parallel_loop3A_729 = %add3A_266, %parallel_loop3A_730 = %add3A_266, %parallel_loop3A_731 = %add3A_266, %parallel_loop3A_732 = %broadcast_in_dim3A_3, %parallel_loop3A_733 = %broadcast_in_dim3A_3, %parallel_loop3A_734 = %broadcast_in_dim3A_3, %parallel_loop3A_735 = %broadcast_in_dim3A_3, %parallel_loop3A_736 = %broadcast_in_dim3A_3, %parallel_loop3A_737 = %broadcast_in_dim3A_3, %parallel_loop3A_738 = %broadcast_in_dim3A_3, %parallel_loop3A_739 = %broadcast_in_dim3A_3, %parallel_loop3A_740 = %broadcast_in_dim3A_3, %parallel_loop3A_741 = %broadcast_in_dim3A_3, %parallel_loop3A_742 = %broadcast_in_dim3A_3, %parallel_loop3A_743 = %broadcast_in_dim3A_3, %parallel_loop3A_744 = %broadcast_in_dim3A_3, %parallel_loop3A_745 = %broadcast_in_dim3A_3, %parallel_loop3A_746 = %broadcast_in_dim3A_3, %parallel_loop3A_747 = %broadcast_in_dim3A_3) -> (vector<16xi32>, vector<16xi32>, vector<16xi32>, vector<16xi32>, vector<16xi32>, vector<16xi32>, vector<16xi32>, vector<16xi32>, vector<16xi32>, vector<16xi32>, vector<16xi32>, vector<16xi32>, vector<16xi32>, vector<16xi32>, vector<16xi32>, vector<16xi32>, vector<16xf32>, vector<16xf32>, vector<16xf32>, vector<16xf32>, vector<16xf32>, vector<16xf32>, vector<16xf32>, vector<16xf32>, vector<16xf32>, vector<16xf32>, vector<16xf32>, vector<16xf32>, vector<16xf32>, vector<16xf32>, vector<16xf32>, vector<16xf32>)  : i32 {
        %parallel_loop3A_748 = arith.constant 16 : i32
        %parallel_loop3A_749 = arith.muli %parallel_loop3A_715, %parallel_loop3A_748 : i32
        %parallel_loop3A_750 = arith.constant 0 : i32
        %parallel_loop3A_751 = arith.addi %parallel_loop3A_749, %parallel_loop3A_750 : i32
        %parallel_loop3A_752 = arith.index_cast %parallel_loop3A_751 : i32 to index
        %parallel_loop3A_753 = tpu.vector_load %arg6[%parallel_loop3A_752] {strides = array<i32>} : memref<16384xf32, #tpu.memory_space<vmem>>, vector<16xf32>,
        %parallel_loop3A_754 = arith.constant 0 : i32
        %parallel_loop3A_755 = arith.addi %parallel_loop3A_749, %parallel_loop3A_754 : i32
        %parallel_loop3A_756 = arith.index_cast %parallel_loop3A_755 : i32 to index
        %parallel_loop3A_757 = tpu.vector_load %arg8[%parallel_loop3A_756] {strides = array<i32>} : memref<16384xi32, #tpu.memory_space<vmem>>, vector<16xi32>,
        %parallel_loop3A_758 = arith.constant -1.000000e+00 : f32
        %parallel_loop3A_759 = vector.broadcast %parallel_loop3A_758 : f32 to vector<16xf32>
        %parallel_loop3A_760 = arith.mulf %parallel_loop3A_753, %parallel_loop3A_759 : vector<16xf32>
        %parallel_loop3A_761 = math.exp %parallel_loop3A_760 : vector<16xf32>
        %parallel_loop3A_762 = arith.constant 1.000000e+00 : f32
        %parallel_loop3A_763 = vector.broadcast %parallel_loop3A_762 : f32 to vector<16xf32>
        %parallel_loop3A_764 = arith.addf %parallel_loop3A_763, %parallel_loop3A_761 : vector<16xf32>
        %parallel_loop3A_765 = arith.constant 1.000000e+00 : f32
        %parallel_loop3A_766 = vector.broadcast %parallel_loop3A_765 : f32 to vector<16xf32>
        %parallel_loop3A_767 = arith.divf %parallel_loop3A_766, %parallel_loop3A_764 : vector<16xf32>
        %parallel_loop3A_768 = arith.constant 3.000000e+01 : f32
        %parallel_loop3A_769 = vector.broadcast %parallel_loop3A_768 : f32 to vector<16xf32>
        %parallel_loop3A_770 = arith.mulf %parallel_loop3A_767, %parallel_loop3A_769 : vector<16xf32>
        %parallel_loop3A_771 = arith.fptosi %parallel_loop3A_770 : vector<16xf32> to vector<16xi32>
        %parallel_loop3A_772 = arith.addi %parallel_loop3A_771, %parallel_loop3A_771 : vector<16xi32>
        %parallel_loop3A_773 = arith.addi %parallel_loop3A_772, %parallel_loop3A_757 : vector<16xi32>
        %parallel_loop3A_774 = arith.addi %parallel_loop3A_773, %mul3A_8 : vector<16xi32>
        %parallel_loop3A_775 = arith.constant 16 : i32
        %parallel_loop3A_776 = arith.addi %parallel_loop3A_749, %parallel_loop3A_775 : i32
        %parallel_loop3A_777 = arith.index_cast %parallel_loop3A_776 : i32 to index
        %parallel_loop3A_778 = tpu.vector_load %arg6[%parallel_loop3A_777] {strides = array<i32>} : memref<16384xf32, #tpu.memory_space<vmem>>, vector<16xf32>,
        %parallel_loop3A_779 = arith.constant 16 : i32
        %parallel_loop3A_780 = arith.addi %parallel_loop3A_749, %parallel_loop3A_779 : i32
        %parallel_loop3A_781 = arith.index_cast %parallel_loop3A_780 : i32 to index
        %parallel_loop3A_782 = tpu.vector_load %arg8[%parallel_loop3A_781] {strides = array<i32>} : memref<16384xi32, #tpu.memory_space<vmem>>, vector<16xi32>,
        %parallel_loop3A_783 = arith.constant -1.000000e+00 : f32
        %parallel_loop3A_784 = vector.broadcast %parallel_loop3A_783 : f32 to vector<16xf32>
        %parallel_loop3A_785 = arith.mulf %parallel_loop3A_778, %parallel_loop3A_784 : vector<16xf32>
        %parallel_loop3A_786 = math.exp %parallel_loop3A_785 : vector<16xf32>
        %parallel_loop3A_787 = arith.constant 1.000000e+00 : f32
        %parallel_loop3A_788 = vector.broadcast %parallel_loop3A_787 : f32 to vector<16xf32>
        %parallel_loop3A_789 = arith.addf %parallel_loop3A_788, %parallel_loop3A_786 : vector<16xf32>
        %parallel_loop3A_790 = arith.constant 1.000000e+00 : f32
        %parallel_loop3A_791 = vector.broadcast %parallel_loop3A_790 : f32 to vector<16xf32>
        %parallel_loop3A_792 = arith.divf %parallel_loop3A_791, %parallel_loop3A_789 : vector<16xf32>
        %parallel_loop3A_793 = arith.constant 3.000000e+01 : f32
        %parallel_loop3A_794 = vector.broadcast %parallel_loop3A_793 : f32 to vector<16xf32>
        %parallel_loop3A_795 = arith.mulf %parallel_loop3A_792, %parallel_loop3A_794 : vector<16xf32>
        %parallel_loop3A_796 = arith.fptosi %parallel_loop3A_795 : vector<16xf32> to vector<16xi32>
        %parallel_loop3A_797 = arith.addi %parallel_loop3A_796, %parallel_loop3A_796 : vector<16xi32>
        %parallel_loop3A_798 = arith.addi %parallel_loop3A_797, %parallel_loop3A_782 : vector<16xi32>
        %parallel_loop3A_799 = arith.addi %parallel_loop3A_798, %mul3A_8 : vector<16xi32>
        %parallel_loop3A_800 = arith.constant 32 : i32
        %parallel_loop3A_801 = arith.addi %parallel_loop3A_749, %parallel_loop3A_800 : i32
        %parallel_loop3A_802 = arith.index_cast %parallel_loop3A_801 : i32 to index
        %parallel_loop3A_803 = tpu.vector_load %arg6[%parallel_loop3A_802] {strides = array<i32>} : memref<16384xf32, #tpu.memory_space<vmem>>, vector<16xf32>,
        %parallel_loop3A_804 = arith.constant 32 : i32
        %parallel_loop3A_805 = arith.addi %parallel_loop3A_749, %parallel_loop3A_804 : i32
        %parallel_loop3A_806 = arith.index_cast %parallel_loop3A_805 : i32 to index
        %parallel_loop3A_807 = tpu.vector_load %arg8[%parallel_loop3A_806] {strides = array<i32>} : memref<16384xi32, #tpu.memory_space<vmem>>, vector<16xi32>,
        %parallel_loop3A_808 = arith.constant -1.000000e+00 : f32
        %parallel_loop3A_809 = vector.broadcast %parallel_loop3A_808 : f32 to vector<16xf32>
        %parallel_loop3A_810 = arith.mulf %parallel_loop3A_803, %parallel_loop3A_809 : vector<16xf32>
        %parallel_loop3A_811 = math.exp %parallel_loop3A_810 : vector<16xf32>
        %parallel_loop3A_812 = arith.constant 1.000000e+00 : f32
        %parallel_loop3A_813 = vector.broadcast %parallel_loop3A_812 : f32 to vector<16xf32>
        %parallel_loop3A_814 = arith.addf %parallel_loop3A_813, %parallel_loop3A_811 : vector<16xf32>
        %parallel_loop3A_815 = arith.constant 1.000000e+00 : f32
        %parallel_loop3A_816 = vector.broadcast %parallel_loop3A_815 : f32 to vector<16xf32>
        %parallel_loop3A_817 = arith.divf %parallel_loop3A_816, %parallel_loop3A_814 : vector<16xf32>
        %parallel_loop3A_818 = arith.constant 3.000000e+01 : f32
        %parallel_loop3A_819 = vector.broadcast %parallel_loop3A_818 : f32 to vector<16xf32>
        %parallel_loop3A_820 = arith.mulf %parallel_loop3A_817, %parallel_loop3A_819 : vector<16xf32>
        %parallel_loop3A_821 = arith.fptosi %parallel_loop3A_820 : vector<16xf32> to vector<16xi32>
        %parallel_loop3A_822 = arith.addi %parallel_loop3A_821, %parallel_loop3A_821 : vector<16xi32>
        %parallel_loop3A_823 = arith.addi %parallel_loop3A_822, %parallel_loop3A_807 : vector<16xi32>
        %parallel_loop3A_824 = arith.addi %parallel_loop3A_823, %mul3A_8 : vector<16xi32>
        %parallel_loop3A_825 = arith.constant 48 : i32
        %parallel_loop3A_826 = arith.addi %parallel_loop3A_749, %parallel_loop3A_825 : i32
        %parallel_loop3A_827 = arith.index_cast %parallel_loop3A_826 : i32 to index
        %parallel_loop3A_828 = tpu.vector_load %arg6[%parallel_loop3A_827] {strides = array<i32>} : memref<16384xf32, #tpu.memory_space<vmem>>, vector<16xf32>,
        %parallel_loop3A_829 = arith.constant 48 : i32
        %parallel_loop3A_830 = arith.addi %parallel_loop3A_749, %parallel_loop3A_829 : i32
        %parallel_loop3A_831 = arith.index_cast %parallel_loop3A_830 : i32 to index
        %parallel_loop3A_832 = tpu.vector_load %arg8[%parallel_loop3A_831] {strides = array<i32>} : memref<16384xi32, #tpu.memory_space<vmem>>, vector<16xi32>,
        %parallel_loop3A_833 = arith.constant -1.000000e+00 : f32
        %parallel_loop3A_834 = vector.broadcast %parallel_loop3A_833 : f32 to vector<16xf32>
        %parallel_loop3A_835 = arith.mulf %parallel_loop3A_828, %parallel_loop3A_834 : vector<16xf32>
        %parallel_loop3A_836 = math.exp %parallel_loop3A_835 : vector<16xf32>
        %parallel_loop3A_837 = arith.constant 1.000000e+00 : f32
        %parallel_loop3A_838 = vector.broadcast %parallel_loop3A_837 : f32 to vector<16xf32>
        %parallel_loop3A_839 = arith.addf %parallel_loop3A_838, %parallel_loop3A_836 : vector<16xf32>
        %parallel_loop3A_840 = arith.constant 1.000000e+00 : f32
        %parallel_loop3A_841 = vector.broadcast %parallel_loop3A_840 : f32 to vector<16xf32>
        %parallel_loop3A_842 = arith.divf %parallel_loop3A_841, %parallel_loop3A_839 : vector<16xf32>
        %parallel_loop3A_843 = arith.constant 3.000000e+01 : f32
        %parallel_loop3A_844 = vector.broadcast %parallel_loop3A_843 : f32 to vector<16xf32>
        %parallel_loop3A_845 = arith.mulf %parallel_loop3A_842, %parallel_loop3A_844 : vector<16xf32>
        %parallel_loop3A_846 = arith.fptosi %parallel_loop3A_845 : vector<16xf32> to vector<16xi32>
        %parallel_loop3A_847 = arith.addi %parallel_loop3A_846, %parallel_loop3A_846 : vector<16xi32>
        %parallel_loop3A_848 = arith.addi %parallel_loop3A_847, %parallel_loop3A_832 : vector<16xi32>
        %parallel_loop3A_849 = arith.addi %parallel_loop3A_848, %mul3A_8 : vector<16xi32>
        %parallel_loop3A_850 = arith.constant 64 : i32
        %parallel_loop3A_851 = arith.addi %parallel_loop3A_749, %parallel_loop3A_850 : i32
        %parallel_loop3A_852 = arith.index_cast %parallel_loop3A_851 : i32 to index
        %parallel_loop3A_853 = tpu.vector_load %arg6[%parallel_loop3A_852] {strides = array<i32>} : memref<16384xf32, #tpu.memory_space<vmem>>, vector<16xf32>,
        %parallel_loop3A_854 = arith.constant 64 : i32
        %parallel_loop3A_855 = arith.addi %parallel_loop3A_749, %parallel_loop3A_854 : i32
        %parallel_loop3A_856 = arith.index_cast %parallel_loop3A_855 : i32 to index
        %parallel_loop3A_857 = tpu.vector_load %arg8[%parallel_loop3A_856] {strides = array<i32>} : memref<16384xi32, #tpu.memory_space<vmem>>, vector<16xi32>,
        %parallel_loop3A_858 = arith.constant -1.000000e+00 : f32
        %parallel_loop3A_859 = vector.broadcast %parallel_loop3A_858 : f32 to vector<16xf32>
        %parallel_loop3A_860 = arith.mulf %parallel_loop3A_853, %parallel_loop3A_859 : vector<16xf32>
        %parallel_loop3A_861 = math.exp %parallel_loop3A_860 : vector<16xf32>
        %parallel_loop3A_862 = arith.constant 1.000000e+00 : f32
        %parallel_loop3A_863 = vector.broadcast %parallel_loop3A_862 : f32 to vector<16xf32>
        %parallel_loop3A_864 = arith.addf %parallel_loop3A_863, %parallel_loop3A_861 : vector<16xf32>
        %parallel_loop3A_865 = arith.constant 1.000000e+00 : f32
        %parallel_loop3A_866 = vector.broadcast %parallel_loop3A_865 : f32 to vector<16xf32>
        %parallel_loop3A_867 = arith.divf %parallel_loop3A_866, %parallel_loop3A_864 : vector<16xf32>
        %parallel_loop3A_868 = arith.constant 3.000000e+01 : f32
        %parallel_loop3A_869 = vector.broadcast %parallel_loop3A_868 : f32 to vector<16xf32>
        %parallel_loop3A_870 = arith.mulf %parallel_loop3A_867, %parallel_loop3A_869 : vector<16xf32>
        %parallel_loop3A_871 = arith.fptosi %parallel_loop3A_870 : vector<16xf32> to vector<16xi32>
        %parallel_loop3A_872 = arith.addi %parallel_loop3A_871, %parallel_loop3A_871 : vector<16xi32>
        %parallel_loop3A_873 = arith.addi %parallel_loop3A_872, %parallel_loop3A_857 : vector<16xi32>
        %parallel_loop3A_874 = arith.addi %parallel_loop3A_873, %mul3A_8 : vector<16xi32>
        %parallel_loop3A_875 = arith.constant 80 : i32
        %parallel_loop3A_876 = arith.addi %parallel_loop3A_749, %parallel_loop3A_875 : i32
        %parallel_loop3A_877 = arith.index_cast %parallel_loop3A_876 : i32 to index
        %parallel_loop3A_878 = tpu.vector_load %arg6[%parallel_loop3A_877] {strides = array<i32>} : memref<16384xf32, #tpu.memory_space<vmem>>, vector<16xf32>,
        %parallel_loop3A_879 = arith.constant 80 : i32
        %parallel_loop3A_880 = arith.addi %parallel_loop3A_749, %parallel_loop3A_879 : i32
        %parallel_loop3A_881 = arith.index_cast %parallel_loop3A_880 : i32 to index
        %parallel_loop3A_882 = tpu.vector_load %arg8[%parallel_loop3A_881] {strides = array<i32>} : memref<16384xi32, #tpu.memory_space<vmem>>, vector<16xi32>,
        %parallel_loop3A_883 = arith.constant -1.000000e+00 : f32
        %parallel_loop3A_884 = vector.broadcast %parallel_loop3A_883 : f32 to vector<16xf32>
        %parallel_loop3A_885 = arith.mulf %parallel_loop3A_878, %parallel_loop3A_884 : vector<16xf32>
        %parallel_loop3A_886 = math.exp %parallel_loop3A_885 : vector<16xf32>
        %parallel_loop3A_887 = arith.constant 1.000000e+00 : f32
        %parallel_loop3A_888 = vector.broadcast %parallel_loop3A_887 : f32 to vector<16xf32>
        %parallel_loop3A_889 = arith.addf %parallel_loop3A_888, %parallel_loop3A_886 : vector<16xf32>
        %parallel_loop3A_890 = arith.constant 1.000000e+00 : f32
        %parallel_loop3A_891 = vector.broadcast %parallel_loop3A_890 : f32 to vector<16xf32>
        %parallel_loop3A_892 = arith.divf %parallel_loop3A_891, %parallel_loop3A_889 : vector<16xf32>
        %parallel_loop3A_893 = arith.constant 3.000000e+01 : f32
        %parallel_loop3A_894 = vector.broadcast %parallel_loop3A_893 : f32 to vector<16xf32>
        %parallel_loop3A_895 = arith.mulf %parallel_loop3A_892, %parallel_loop3A_894 : vector<16xf32>
        %parallel_loop3A_896 = arith.fptosi %parallel_loop3A_895 : vector<16xf32> to vector<16xi32>
        %parallel_loop3A_897 = arith.addi %parallel_loop3A_896, %parallel_loop3A_896 : vector<16xi32>
        %parallel_loop3A_898 = arith.addi %parallel_loop3A_897, %parallel_loop3A_882 : vector<16xi32>
        %parallel_loop3A_899 = arith.addi %parallel_loop3A_898, %mul3A_8 : vector<16xi32>
        %parallel_loop3A_900 = arith.constant 96 : i32
        %parallel_loop3A_901 = arith.addi %parallel_loop3A_749, %parallel_loop3A_900 : i32
        %parallel_loop3A_902 = arith.index_cast %parallel_loop3A_901 : i32 to index
        %parallel_loop3A_903 = tpu.vector_load %arg6[%parallel_loop3A_902] {strides = array<i32>} : memref<16384xf32, #tpu.memory_space<vmem>>, vector<16xf32>,
        %parallel_loop3A_904 = arith.constant 96 : i32
        %parallel_loop3A_905 = arith.addi %parallel_loop3A_749, %parallel_loop3A_904 : i32
        %parallel_loop3A_906 = arith.index_cast %parallel_loop3A_905 : i32 to index
        %parallel_loop3A_907 = tpu.vector_load %arg8[%parallel_loop3A_906] {strides = array<i32>} : memref<16384xi32, #tpu.memory_space<vmem>>, vector<16xi32>,
        %parallel_loop3A_908 = arith.constant -1.000000e+00 : f32
        %parallel_loop3A_909 = vector.broadcast %parallel_loop3A_908 : f32 to vector<16xf32>
        %parallel_loop3A_910 = arith.mulf %parallel_loop3A_903, %parallel_loop3A_909 : vector<16xf32>
        %parallel_loop3A_911 = math.exp %parallel_loop3A_910 : vector<16xf32>
        %parallel_loop3A_912 = arith.constant 1.000000e+00 : f32
        %parallel_loop3A_913 = vector.broadcast %parallel_loop3A_912 : f32 to vector<16xf32>
        %parallel_loop3A_914 = arith.addf %parallel_loop3A_913, %parallel_loop3A_911 : vector<16xf32>
        %parallel_loop3A_915 = arith.constant 1.000000e+00 : f32
        %parallel_loop3A_916 = vector.broadcast %parallel_loop3A_915 : f32 to vector<16xf32>
        %parallel_loop3A_917 = arith.divf %parallel_loop3A_916, %parallel_loop3A_914 : vector<16xf32>
        %parallel_loop3A_918 = arith.constant 3.000000e+01 : f32
        %parallel_loop3A_919 = vector.broadcast %parallel_loop3A_918 : f32 to vector<16xf32>
        %parallel_loop3A_920 = arith.mulf %parallel_loop3A_917, %parallel_loop3A_919 : vector<16xf32>
        %parallel_loop3A_921 = arith.fptosi %parallel_loop3A_920 : vector<16xf32> to vector<16xi32>
        %parallel_loop3A_922 = arith.addi %parallel_loop3A_921, %parallel_loop3A_921 : vector<16xi32>
        %parallel_loop3A_923 = arith.addi %parallel_loop3A_922, %parallel_loop3A_907 : vector<16xi32>
        %parallel_loop3A_924 = arith.addi %parallel_loop3A_923, %mul3A_8 : vector<16xi32>
        %parallel_loop3A_925 = arith.constant 112 : i32
        %parallel_loop3A_926 = arith.addi %parallel_loop3A_749, %parallel_loop3A_925 : i32
        %parallel_loop3A_927 = arith.index_cast %parallel_loop3A_926 : i32 to index
        %parallel_loop3A_928 = tpu.vector_load %arg6[%parallel_loop3A_927] {strides = array<i32>} : memref<16384xf32, #tpu.memory_space<vmem>>, vector<16xf32>,
        %parallel_loop3A_929 = arith.constant 112 : i32
        %parallel_loop3A_930 = arith.addi %parallel_loop3A_749, %parallel_loop3A_929 : i32
        %parallel_loop3A_931 = arith.index_cast %parallel_loop3A_930 : i32 to index
        %parallel_loop3A_932 = tpu.vector_load %arg8[%parallel_loop3A_931] {strides = array<i32>} : memref<16384xi32, #tpu.memory_space<vmem>>, vector<16xi32>,
        %parallel_loop3A_933 = arith.constant -1.000000e+00 : f32
        %parallel_loop3A_934 = vector.broadcast %parallel_loop3A_933 : f32 to vector<16xf32>
        %parallel_loop3A_935 = arith.mulf %parallel_loop3A_928, %parallel_loop3A_934 : vector<16xf32>
        %parallel_loop3A_936 = math.exp %parallel_loop3A_935 : vector<16xf32>
        %parallel_loop3A_937 = arith.constant 1.000000e+00 : f32
        %parallel_loop3A_938 = vector.broadcast %parallel_loop3A_937 : f32 to vector<16xf32>
        %parallel_loop3A_939 = arith.addf %parallel_loop3A_938, %parallel_loop3A_936 : vector<16xf32>
        %parallel_loop3A_940 = arith.constant 1.000000e+00 : f32
        %parallel_loop3A_941 = vector.broadcast %parallel_loop3A_940 : f32 to vector<16xf32>
        %parallel_loop3A_942 = arith.divf %parallel_loop3A_941, %parallel_loop3A_939 : vector<16xf32>
        %parallel_loop3A_943 = arith.constant 3.000000e+01 : f32
        %parallel_loop3A_944 = vector.broadcast %parallel_loop3A_943 : f32 to vector<16xf32>
        %parallel_loop3A_945 = arith.mulf %parallel_loop3A_942, %parallel_loop3A_944 : vector<16xf32>
        %parallel_loop3A_946 = arith.fptosi %parallel_loop3A_945 : vector<16xf32> to vector<16xi32>
        %parallel_loop3A_947 = arith.addi %parallel_loop3A_946, %parallel_loop3A_946 : vector<16xi32>
        %parallel_loop3A_948 = arith.addi %parallel_loop3A_947, %parallel_loop3A_932 : vector<16xi32>
        %parallel_loop3A_949 = arith.addi %parallel_loop3A_948, %mul3A_8 : vector<16xi32>
        %parallel_loop3A_950 = arith.constant 128 : i32
        %parallel_loop3A_951 = arith.addi %parallel_loop3A_749, %parallel_loop3A_950 : i32
        %parallel_loop3A_952 = arith.index_cast %parallel_loop3A_951 : i32 to index
        %parallel_loop3A_953 = tpu.vector_load %arg6[%parallel_loop3A_952] {strides = array<i32>} : memref<16384xf32, #tpu.memory_space<vmem>>, vector<16xf32>,
        %parallel_loop3A_954 = arith.constant 128 : i32
        %parallel_loop3A_955 = arith.addi %parallel_loop3A_749, %parallel_loop3A_954 : i32
        %parallel_loop3A_956 = arith.index_cast %parallel_loop3A_955 : i32 to index
        %parallel_loop3A_957 = tpu.vector_load %arg8[%parallel_loop3A_956] {strides = array<i32>} : memref<16384xi32, #tpu.memory_space<vmem>>, vector<16xi32>,
        %parallel_loop3A_958 = arith.constant -1.000000e+00 : f32
        %parallel_loop3A_959 = vector.broadcast %parallel_loop3A_958 : f32 to vector<16xf32>
        %parallel_loop3A_960 = arith.mulf %parallel_loop3A_953, %parallel_loop3A_959 : vector<16xf32>
        %parallel_loop3A_961 = math.exp %parallel_loop3A_960 : vector<16xf32>
        %parallel_loop3A_962 = arith.constant 1.000000e+00 : f32
        %parallel_loop3A_963 = vector.broadcast %parallel_loop3A_962 : f32 to vector<16xf32>
        %parallel_loop3A_964 = arith.addf %parallel_loop3A_963, %parallel_loop3A_961 : vector<16xf32>
        %parallel_loop3A_965 = arith.constant 1.000000e+00 : f32
        %parallel_loop3A_966 = vector.broadcast %parallel_loop3A_965 : f32 to vector<16xf32>
        %parallel_loop3A_967 = arith.divf %parallel_loop3A_966, %parallel_loop3A_964 : vector<16xf32>
        %parallel_loop3A_968 = arith.constant 3.000000e+01 : f32
        %parallel_loop3A_969 = vector.broadcast %parallel_loop3A_968 : f32 to vector<16xf32>
        %parallel_loop3A_970 = arith.mulf %parallel_loop3A_967, %parallel_loop3A_969 : vector<16xf32>
        %parallel_loop3A_971 = arith.fptosi %parallel_loop3A_970 : vector<16xf32> to vector<16xi32>
        %parallel_loop3A_972 = arith.addi %parallel_loop3A_971, %parallel_loop3A_971 : vector<16xi32>
        %parallel_loop3A_973 = arith.addi %parallel_loop3A_972, %parallel_loop3A_957 : vector<16xi32>
        %parallel_loop3A_974 = arith.addi %parallel_loop3A_973, %mul3A_8 : vector<16xi32>
        %parallel_loop3A_975 = arith.constant 144 : i32
        %parallel_loop3A_976 = arith.addi %parallel_loop3A_749, %parallel_loop3A_975 : i32
        %parallel_loop3A_977 = arith.index_cast %parallel_loop3A_976 : i32 to index
        %parallel_loop3A_978 = tpu.vector_load %arg6[%parallel_loop3A_977] {strides = array<i32>} : memref<16384xf32, #tpu.memory_space<vmem>>, vector<16xf32>,
        %parallel_loop3A_979 = arith.constant 144 : i32
        %parallel_loop3A_980 = arith.addi %parallel_loop3A_749, %parallel_loop3A_979 : i32
        %parallel_loop3A_981 = arith.index_cast %parallel_loop3A_980 : i32 to index
        %parallel_loop3A_982 = tpu.vector_load %arg8[%parallel_loop3A_981] {strides = array<i32>} : memref<16384xi32, #tpu.memory_space<vmem>>, vector<16xi32>,
        %parallel_loop3A_983 = arith.constant -1.000000e+00 : f32
        %parallel_loop3A_984 = vector.broadcast %parallel_loop3A_983 : f32 to vector<16xf32>
        %parallel_loop3A_985 = arith.mulf %parallel_loop3A_978, %parallel_loop3A_984 : vector<16xf32>
        %parallel_loop3A_986 = math.exp %parallel_loop3A_985 : vector<16xf32>
        %parallel_loop3A_987 = arith.constant 1.000000e+00 : f32
        %parallel_loop3A_988 = vector.broadcast %parallel_loop3A_987 : f32 to vector<16xf32>
        %parallel_loop3A_989 = arith.addf %parallel_loop3A_988, %parallel_loop3A_986 : vector<16xf32>
        %parallel_loop3A_990 = arith.constant 1.000000e+00 : f32
        %parallel_loop3A_991 = vector.broadcast %parallel_loop3A_990 : f32 to vector<16xf32>
        %parallel_loop3A_992 = arith.divf %parallel_loop3A_991, %parallel_loop3A_989 : vector<16xf32>
        %parallel_loop3A_993 = arith.constant 3.000000e+01 : f32
        %parallel_loop3A_994 = vector.broadcast %parallel_loop3A_993 : f32 to vector<16xf32>
        %parallel_loop3A_995 = arith.mulf %parallel_loop3A_992, %parallel_loop3A_994 : vector<16xf32>
        %parallel_loop3A_996 = arith.fptosi %parallel_loop3A_995 : vector<16xf32> to vector<16xi32>
        %parallel_loop3A_997 = arith.addi %parallel_loop3A_996, %parallel_loop3A_996 : vector<16xi32>
        %parallel_loop3A_998 = arith.addi %parallel_loop3A_997, %parallel_loop3A_982 : vector<16xi32>
        %parallel_loop3A_999 = arith.addi %parallel_loop3A_998, %mul3A_8 : vector<16xi32>
        %parallel_loop3A_1000 = arith.constant 160 : i32
        %parallel_loop3A_1001 = arith.addi %parallel_loop3A_749, %parallel_loop3A_1000 : i32
        %parallel_loop3A_1002 = arith.index_cast %parallel_loop3A_1001 : i32 to index
        %parallel_loop3A_1003 = tpu.vector_load %arg6[%parallel_loop3A_1002] {strides = array<i32>} : memref<16384xf32, #tpu.memory_space<vmem>>, vector<16xf32>,
        %parallel_loop3A_1004 = arith.constant 160 : i32
        %parallel_loop3A_1005 = arith.addi %parallel_loop3A_749, %parallel_loop3A_1004 : i32
        %parallel_loop3A_1006 = arith.index_cast %parallel_loop3A_1005 : i32 to index
        %parallel_loop3A_1007 = tpu.vector_load %arg8[%parallel_loop3A_1006] {strides = array<i32>} : memref<16384xi32, #tpu.memory_space<vmem>>, vector<16xi32>,
        %parallel_loop3A_1008 = arith.constant -1.000000e+00 : f32
        %parallel_loop3A_1009 = vector.broadcast %parallel_loop3A_1008 : f32 to vector<16xf32>
        %parallel_loop3A_1010 = arith.mulf %parallel_loop3A_1003, %parallel_loop3A_1009 : vector<16xf32>
        %parallel_loop3A_1011 = math.exp %parallel_loop3A_1010 : vector<16xf32>
        %parallel_loop3A_1012 = arith.constant 1.000000e+00 : f32
        %parallel_loop3A_1013 = vector.broadcast %parallel_loop3A_1012 : f32 to vector<16xf32>
        %parallel_loop3A_1014 = arith.addf %parallel_loop3A_1013, %parallel_loop3A_1011 : vector<16xf32>
        %parallel_loop3A_1015 = arith.constant 1.000000e+00 : f32
        %parallel_loop3A_1016 = vector.broadcast %parallel_loop3A_1015 : f32 to vector<16xf32>
        %parallel_loop3A_1017 = arith.divf %parallel_loop3A_1016, %parallel_loop3A_1014 : vector<16xf32>
        %parallel_loop3A_1018 = arith.constant 3.000000e+01 : f32
        %parallel_loop3A_1019 = vector.broadcast %parallel_loop3A_1018 : f32 to vector<16xf32>
        %parallel_loop3A_1020 = arith.mulf %parallel_loop3A_1017, %parallel_loop3A_1019 : vector<16xf32>
        %parallel_loop3A_1021 = arith.fptosi %parallel_loop3A_1020 : vector<16xf32> to vector<16xi32>
        %parallel_loop3A_1022 = arith.addi %parallel_loop3A_1021, %parallel_loop3A_1021 : vector<16xi32>
        %parallel_loop3A_1023 = arith.addi %parallel_loop3A_1022, %parallel_loop3A_1007 : vector<16xi32>
        %parallel_loop3A_1024 = arith.addi %parallel_loop3A_1023, %mul3A_8 : vector<16xi32>
        %parallel_loop3A_1025 = arith.constant 176 : i32
        %parallel_loop3A_1026 = arith.addi %parallel_loop3A_749, %parallel_loop3A_1025 : i32
        %parallel_loop3A_1027 = arith.index_cast %parallel_loop3A_1026 : i32 to index
        %parallel_loop3A_1028 = tpu.vector_load %arg6[%parallel_loop3A_1027] {strides = array<i32>} : memref<16384xf32, #tpu.memory_space<vmem>>, vector<16xf32>,
        %parallel_loop3A_1029 = arith.constant 176 : i32
        %parallel_loop3A_1030 = arith.addi %parallel_loop3A_749, %parallel_loop3A_1029 : i32
        %parallel_loop3A_1031 = arith.index_cast %parallel_loop3A_1030 : i32 to index
        %parallel_loop3A_1032 = tpu.vector_load %arg8[%parallel_loop3A_1031] {strides = array<i32>} : memref<16384xi32, #tpu.memory_space<vmem>>, vector<16xi32>,
        %parallel_loop3A_1033 = arith.constant -1.000000e+00 : f32
        %parallel_loop3A_1034 = vector.broadcast %parallel_loop3A_1033 : f32 to vector<16xf32>
        %parallel_loop3A_1035 = arith.mulf %parallel_loop3A_1028, %parallel_loop3A_1034 : vector<16xf32>
        %parallel_loop3A_1036 = math.exp %parallel_loop3A_1035 : vector<16xf32>
        %parallel_loop3A_1037 = arith.constant 1.000000e+00 : f32
        %parallel_loop3A_1038 = vector.broadcast %parallel_loop3A_1037 : f32 to vector<16xf32>
        %parallel_loop3A_1039 = arith.addf %parallel_loop3A_1038, %parallel_loop3A_1036 : vector<16xf32>
        %parallel_loop3A_1040 = arith.constant 1.000000e+00 : f32
        %parallel_loop3A_1041 = vector.broadcast %parallel_loop3A_1040 : f32 to vector<16xf32>
        %parallel_loop3A_1042 = arith.divf %parallel_loop3A_1041, %parallel_loop3A_1039 : vector<16xf32>
        %parallel_loop3A_1043 = arith.constant 3.000000e+01 : f32
        %parallel_loop3A_1044 = vector.broadcast %parallel_loop3A_1043 : f32 to vector<16xf32>
        %parallel_loop3A_1045 = arith.mulf %parallel_loop3A_1042, %parallel_loop3A_1044 : vector<16xf32>
        %parallel_loop3A_1046 = arith.fptosi %parallel_loop3A_1045 : vector<16xf32> to vector<16xi32>
        %parallel_loop3A_1047 = arith.addi %parallel_loop3A_1046, %parallel_loop3A_1046 : vector<16xi32>
        %parallel_loop3A_1048 = arith.addi %parallel_loop3A_1047, %parallel_loop3A_1032 : vector<16xi32>
        %parallel_loop3A_1049 = arith.addi %parallel_loop3A_1048, %mul3A_8 : vector<16xi32>
        %parallel_loop3A_1050 = arith.constant 192 : i32
        %parallel_loop3A_1051 = arith.addi %parallel_loop3A_749, %parallel_loop3A_1050 : i32
        %parallel_loop3A_1052 = arith.index_cast %parallel_loop3A_1051 : i32 to index
        %parallel_loop3A_1053 = tpu.vector_load %arg6[%parallel_loop3A_1052] {strides = array<i32>} : memref<16384xf32, #tpu.memory_space<vmem>>, vector<16xf32>,
        %parallel_loop3A_1054 = arith.constant 192 : i32
        %parallel_loop3A_1055 = arith.addi %parallel_loop3A_749, %parallel_loop3A_1054 : i32
        %parallel_loop3A_1056 = arith.index_cast %parallel_loop3A_1055 : i32 to index
        %parallel_loop3A_1057 = tpu.vector_load %arg8[%parallel_loop3A_1056] {strides = array<i32>} : memref<16384xi32, #tpu.memory_space<vmem>>, vector<16xi32>,
        %parallel_loop3A_1058 = arith.constant -1.000000e+00 : f32
        %parallel_loop3A_1059 = vector.broadcast %parallel_loop3A_1058 : f32 to vector<16xf32>
        %parallel_loop3A_1060 = arith.mulf %parallel_loop3A_1053, %parallel_loop3A_1059 : vector<16xf32>
        %parallel_loop3A_1061 = math.exp %parallel_loop3A_1060 : vector<16xf32>
        %parallel_loop3A_1062 = arith.constant 1.000000e+00 : f32
        %parallel_loop3A_1063 = vector.broadcast %parallel_loop3A_1062 : f32 to vector<16xf32>
        %parallel_loop3A_1064 = arith.addf %parallel_loop3A_1063, %parallel_loop3A_1061 : vector<16xf32>
        %parallel_loop3A_1065 = arith.constant 1.000000e+00 : f32
        %parallel_loop3A_1066 = vector.broadcast %parallel_loop3A_1065 : f32 to vector<16xf32>
        %parallel_loop3A_1067 = arith.divf %parallel_loop3A_1066, %parallel_loop3A_1064 : vector<16xf32>
        %parallel_loop3A_1068 = arith.constant 3.000000e+01 : f32
        %parallel_loop3A_1069 = vector.broadcast %parallel_loop3A_1068 : f32 to vector<16xf32>
        %parallel_loop3A_1070 = arith.mulf %parallel_loop3A_1067, %parallel_loop3A_1069 : vector<16xf32>
        %parallel_loop3A_1071 = arith.fptosi %parallel_loop3A_1070 : vector<16xf32> to vector<16xi32>
        %parallel_loop3A_1072 = arith.addi %parallel_loop3A_1071, %parallel_loop3A_1071 : vector<16xi32>
        %parallel_loop3A_1073 = arith.addi %parallel_loop3A_1072, %parallel_loop3A_1057 : vector<16xi32>
        %parallel_loop3A_1074 = arith.addi %parallel_loop3A_1073, %mul3A_8 : vector<16xi32>
        %parallel_loop3A_1075 = arith.constant 208 : i32
        %parallel_loop3A_1076 = arith.addi %parallel_loop3A_749, %parallel_loop3A_1075 : i32
        %parallel_loop3A_1077 = arith.index_cast %parallel_loop3A_1076 : i32 to index
        %parallel_loop3A_1078 = tpu.vector_load %arg6[%parallel_loop3A_1077] {strides = array<i32>} : memref<16384xf32, #tpu.memory_space<vmem>>, vector<16xf32>,
        %parallel_loop3A_1079 = arith.constant 208 : i32
        %parallel_loop3A_1080 = arith.addi %parallel_loop3A_749, %parallel_loop3A_1079 : i32
        %parallel_loop3A_1081 = arith.index_cast %parallel_loop3A_1080 : i32 to index
        %parallel_loop3A_1082 = tpu.vector_load %arg8[%parallel_loop3A_1081] {strides = array<i32>} : memref<16384xi32, #tpu.memory_space<vmem>>, vector<16xi32>,
        %parallel_loop3A_1083 = arith.constant -1.000000e+00 : f32
        %parallel_loop3A_1084 = vector.broadcast %parallel_loop3A_1083 : f32 to vector<16xf32>
        %parallel_loop3A_1085 = arith.mulf %parallel_loop3A_1078, %parallel_loop3A_1084 : vector<16xf32>
        %parallel_loop3A_1086 = math.exp %parallel_loop3A_1085 : vector<16xf32>
        %parallel_loop3A_1087 = arith.constant 1.000000e+00 : f32
        %parallel_loop3A_1088 = vector.broadcast %parallel_loop3A_1087 : f32 to vector<16xf32>
        %parallel_loop3A_1089 = arith.addf %parallel_loop3A_1088, %parallel_loop3A_1086 : vector<16xf32>
        %parallel_loop3A_1090 = arith.constant 1.000000e+00 : f32
        %parallel_loop3A_1091 = vector.broadcast %parallel_loop3A_1090 : f32 to vector<16xf32>
        %parallel_loop3A_1092 = arith.divf %parallel_loop3A_1091, %parallel_loop3A_1089 : vector<16xf32>
        %parallel_loop3A_1093 = arith.constant 3.000000e+01 : f32
        %parallel_loop3A_1094 = vector.broadcast %parallel_loop3A_1093 : f32 to vector<16xf32>
        %parallel_loop3A_1095 = arith.mulf %parallel_loop3A_1092, %parallel_loop3A_1094 : vector<16xf32>
        %parallel_loop3A_1096 = arith.fptosi %parallel_loop3A_1095 : vector<16xf32> to vector<16xi32>
        %parallel_loop3A_1097 = arith.addi %parallel_loop3A_1096, %parallel_loop3A_1096 : vector<16xi32>
        %parallel_loop3A_1098 = arith.addi %parallel_loop3A_1097, %parallel_loop3A_1082 : vector<16xi32>
        %parallel_loop3A_1099 = arith.addi %parallel_loop3A_1098, %mul3A_8 : vector<16xi32>
        %parallel_loop3A_1100 = arith.constant 224 : i32
        %parallel_loop3A_1101 = arith.addi %parallel_loop3A_749, %parallel_loop3A_1100 : i32
        %parallel_loop3A_1102 = arith.index_cast %parallel_loop3A_1101 : i32 to index
        %parallel_loop3A_1103 = tpu.vector_load %arg6[%parallel_loop3A_1102] {strides = array<i32>} : memref<16384xf32, #tpu.memory_space<vmem>>, vector<16xf32>,
        %parallel_loop3A_1104 = arith.constant 224 : i32
        %parallel_loop3A_1105 = arith.addi %parallel_loop3A_749, %parallel_loop3A_1104 : i32
        %parallel_loop3A_1106 = arith.index_cast %parallel_loop3A_1105 : i32 to index
        %parallel_loop3A_1107 = tpu.vector_load %arg8[%parallel_loop3A_1106] {strides = array<i32>} : memref<16384xi32, #tpu.memory_space<vmem>>, vector<16xi32>,
        %parallel_loop3A_1108 = arith.constant -1.000000e+00 : f32
        %parallel_loop3A_1109 = vector.broadcast %parallel_loop3A_1108 : f32 to vector<16xf32>
        %parallel_loop3A_1110 = arith.mulf %parallel_loop3A_1103, %parallel_loop3A_1109 : vector<16xf32>
        %parallel_loop3A_1111 = math.exp %parallel_loop3A_1110 : vector<16xf32>
        %parallel_loop3A_1112 = arith.constant 1.000000e+00 : f32
        %parallel_loop3A_1113 = vector.broadcast %parallel_loop3A_1112 : f32 to vector<16xf32>
        %parallel_loop3A_1114 = arith.addf %parallel_loop3A_1113, %parallel_loop3A_1111 : vector<16xf32>
        %parallel_loop3A_1115 = arith.constant 1.000000e+00 : f32
        %parallel_loop3A_1116 = vector.broadcast %parallel_loop3A_1115 : f32 to vector<16xf32>
        %parallel_loop3A_1117 = arith.divf %parallel_loop3A_1116, %parallel_loop3A_1114 : vector<16xf32>
        %parallel_loop3A_1118 = arith.constant 3.000000e+01 : f32
        %parallel_loop3A_1119 = vector.broadcast %parallel_loop3A_1118 : f32 to vector<16xf32>
        %parallel_loop3A_1120 = arith.mulf %parallel_loop3A_1117, %parallel_loop3A_1119 : vector<16xf32>
        %parallel_loop3A_1121 = arith.fptosi %parallel_loop3A_1120 : vector<16xf32> to vector<16xi32>
        %parallel_loop3A_1122 = arith.addi %parallel_loop3A_1121, %parallel_loop3A_1121 : vector<16xi32>
        %parallel_loop3A_1123 = arith.addi %parallel_loop3A_1122, %parallel_loop3A_1107 : vector<16xi32>
        %parallel_loop3A_1124 = arith.addi %parallel_loop3A_1123, %mul3A_8 : vector<16xi32>
        %parallel_loop3A_1125 = arith.constant 240 : i32
        %parallel_loop3A_1126 = arith.addi %parallel_loop3A_749, %parallel_loop3A_1125 : i32
        %parallel_loop3A_1127 = arith.index_cast %parallel_loop3A_1126 : i32 to index
        %parallel_loop3A_1128 = tpu.vector_load %arg6[%parallel_loop3A_1127] {strides = array<i32>} : memref<16384xf32, #tpu.memory_space<vmem>>, vector<16xf32>,
        %parallel_loop3A_1129 = arith.constant 240 : i32
        %parallel_loop3A_1130 = arith.addi %parallel_loop3A_749, %parallel_loop3A_1129 : i32
        %parallel_loop3A_1131 = arith.index_cast %parallel_loop3A_1130 : i32 to index
        %parallel_loop3A_1132 = tpu.vector_load %arg8[%parallel_loop3A_1131] {strides = array<i32>} : memref<16384xi32, #tpu.memory_space<vmem>>, vector<16xi32>,
        %parallel_loop3A_1133 = arith.constant -1.000000e+00 : f32
        %parallel_loop3A_1134 = vector.broadcast %parallel_loop3A_1133 : f32 to vector<16xf32>
        %parallel_loop3A_1135 = arith.mulf %parallel_loop3A_1128, %parallel_loop3A_1134 : vector<16xf32>
        %parallel_loop3A_1136 = math.exp %parallel_loop3A_1135 : vector<16xf32>
        %parallel_loop3A_1137 = arith.constant 1.000000e+00 : f32
        %parallel_loop3A_1138 = vector.broadcast %parallel_loop3A_1137 : f32 to vector<16xf32>
        %parallel_loop3A_1139 = arith.addf %parallel_loop3A_1138, %parallel_loop3A_1136 : vector<16xf32>
        %parallel_loop3A_1140 = arith.constant 1.000000e+00 : f32
        %parallel_loop3A_1141 = vector.broadcast %parallel_loop3A_1140 : f32 to vector<16xf32>
        %parallel_loop3A_1142 = arith.divf %parallel_loop3A_1141, %parallel_loop3A_1139 : vector<16xf32>
        %parallel_loop3A_1143 = arith.constant 3.000000e+01 : f32
        %parallel_loop3A_1144 = vector.broadcast %parallel_loop3A_1143 : f32 to vector<16xf32>
        %parallel_loop3A_1145 = arith.mulf %parallel_loop3A_1142, %parallel_loop3A_1144 : vector<16xf32>
        %parallel_loop3A_1146 = arith.fptosi %parallel_loop3A_1145 : vector<16xf32> to vector<16xi32>
        %parallel_loop3A_1147 = arith.addi %parallel_loop3A_1146, %parallel_loop3A_1146 : vector<16xi32>
        %parallel_loop3A_1148 = arith.addi %parallel_loop3A_1147, %parallel_loop3A_1132 : vector<16xi32>
        %parallel_loop3A_1149 = arith.addi %parallel_loop3A_1148, %mul3A_8 : vector<16xi32>
        tpu.vector_store_idx %arg9[%parallel_loop3A_716], %broadcast_in_dim3A_5 {add = true} : memref<1040xf32, #tpu.memory_space<vmem>>[vector<16xi32>], vector<16xf32>,
        tpu.vector_store_idx %arg10[%parallel_loop3A_716], %parallel_loop3A_732 {add = true} : memref<1040xf32, #tpu.memory_space<vmem>>[vector<16xi32>], vector<16xf32>,
        tpu.vector_store_idx %arg9[%parallel_loop3A_717], %broadcast_in_dim3A_5 {add = true} : memref<1040xf32, #tpu.memory_space<vmem>>[vector<16xi32>], vector<16xf32>,
        tpu.vector_store_idx %arg10[%parallel_loop3A_717], %parallel_loop3A_733 {add = true} : memref<1040xf32, #tpu.memory_space<vmem>>[vector<16xi32>], vector<16xf32>,
        tpu.vector_store_idx %arg9[%parallel_loop3A_718], %broadcast_in_dim3A_5 {add = true} : memref<1040xf32, #tpu.memory_space<vmem>>[vector<16xi32>], vector<16xf32>,
        tpu.vector_store_idx %arg10[%parallel_loop3A_718], %parallel_loop3A_734 {add = true} : memref<1040xf32, #tpu.memory_space<vmem>>[vector<16xi32>], vector<16xf32>,
        tpu.vector_store_idx %arg9[%parallel_loop3A_719], %broadcast_in_dim3A_5 {add = true} : memref<1040xf32, #tpu.memory_space<vmem>>[vector<16xi32>], vector<16xf32>,
        tpu.vector_store_idx %arg10[%parallel_loop3A_719], %parallel_loop3A_735 {add = true} : memref<1040xf32, #tpu.memory_space<vmem>>[vector<16xi32>], vector<16xf32>,
        tpu.vector_store_idx %arg9[%parallel_loop3A_720], %broadcast_in_dim3A_5 {add = true} : memref<1040xf32, #tpu.memory_space<vmem>>[vector<16xi32>], vector<16xf32>,
        tpu.vector_store_idx %arg10[%parallel_loop3A_720], %parallel_loop3A_736 {add = true} : memref<1040xf32, #tpu.memory_space<vmem>>[vector<16xi32>], vector<16xf32>,
        tpu.vector_store_idx %arg9[%parallel_loop3A_721], %broadcast_in_dim3A_5 {add = true} : memref<1040xf32, #tpu.memory_space<vmem>>[vector<16xi32>], vector<16xf32>,
        tpu.vector_store_idx %arg10[%parallel_loop3A_721], %parallel_loop3A_737 {add = true} : memref<1040xf32, #tpu.memory_space<vmem>>[vector<16xi32>], vector<16xf32>,
        tpu.vector_store_idx %arg9[%parallel_loop3A_722], %broadcast_in_dim3A_5 {add = true} : memref<1040xf32, #tpu.memory_space<vmem>>[vector<16xi32>], vector<16xf32>,
        tpu.vector_store_idx %arg10[%parallel_loop3A_722], %parallel_loop3A_738 {add = true} : memref<1040xf32, #tpu.memory_space<vmem>>[vector<16xi32>], vector<16xf32>,
        tpu.vector_store_idx %arg9[%parallel_loop3A_723], %broadcast_in_dim3A_5 {add = true} : memref<1040xf32, #tpu.memory_space<vmem>>[vector<16xi32>], vector<16xf32>,
        tpu.vector_store_idx %arg10[%parallel_loop3A_723], %parallel_loop3A_739 {add = true} : memref<1040xf32, #tpu.memory_space<vmem>>[vector<16xi32>], vector<16xf32>,
        tpu.vector_store_idx %arg9[%parallel_loop3A_724], %broadcast_in_dim3A_5 {add = true} : memref<1040xf32, #tpu.memory_space<vmem>>[vector<16xi32>], vector<16xf32>,
        tpu.vector_store_idx %arg10[%parallel_loop3A_724], %parallel_loop3A_740 {add = true} : memref<1040xf32, #tpu.memory_space<vmem>>[vector<16xi32>], vector<16xf32>,
        tpu.vector_store_idx %arg9[%parallel_loop3A_725], %broadcast_in_dim3A_5 {add = true} : memref<1040xf32, #tpu.memory_space<vmem>>[vector<16xi32>], vector<16xf32>,
        tpu.vector_store_idx %arg10[%parallel_loop3A_725], %parallel_loop3A_741 {add = true} : memref<1040xf32, #tpu.memory_space<vmem>>[vector<16xi32>], vector<16xf32>,
        tpu.vector_store_idx %arg9[%parallel_loop3A_726], %broadcast_in_dim3A_5 {add = true} : memref<1040xf32, #tpu.memory_space<vmem>>[vector<16xi32>], vector<16xf32>,
        tpu.vector_store_idx %arg10[%parallel_loop3A_726], %parallel_loop3A_742 {add = true} : memref<1040xf32, #tpu.memory_space<vmem>>[vector<16xi32>], vector<16xf32>,
        tpu.vector_store_idx %arg9[%parallel_loop3A_727], %broadcast_in_dim3A_5 {add = true} : memref<1040xf32, #tpu.memory_space<vmem>>[vector<16xi32>], vector<16xf32>,
        tpu.vector_store_idx %arg10[%parallel_loop3A_727], %parallel_loop3A_743 {add = true} : memref<1040xf32, #tpu.memory_space<vmem>>[vector<16xi32>], vector<16xf32>,
        tpu.vector_store_idx %arg9[%parallel_loop3A_728], %broadcast_in_dim3A_5 {add = true} : memref<1040xf32, #tpu.memory_space<vmem>>[vector<16xi32>], vector<16xf32>,
        tpu.vector_store_idx %arg10[%parallel_loop3A_728], %parallel_loop3A_744 {add = true} : memref<1040xf32, #tpu.memory_space<vmem>>[vector<16xi32>], vector<16xf32>,
        tpu.vector_store_idx %arg9[%parallel_loop3A_729], %broadcast_in_dim3A_5 {add = true} : memref<1040xf32, #tpu.memory_space<vmem>>[vector<16xi32>], vector<16xf32>,
        tpu.vector_store_idx %arg10[%parallel_loop3A_729], %parallel_loop3A_745 {add = true} : memref<1040xf32, #tpu.memory_space<vmem>>[vector<16xi32>], vector<16xf32>,
        tpu.vector_store_idx %arg9[%parallel_loop3A_730], %broadcast_in_dim3A_5 {add = true} : memref<1040xf32, #tpu.memory_space<vmem>>[vector<16xi32>], vector<16xf32>,
        tpu.vector_store_idx %arg10[%parallel_loop3A_730], %parallel_loop3A_746 {add = true} : memref<1040xf32, #tpu.memory_space<vmem>>[vector<16xi32>], vector<16xf32>,
        tpu.vector_store_idx %arg9[%parallel_loop3A_731], %broadcast_in_dim3A_5 {add = true} : memref<1040xf32, #tpu.memory_space<vmem>>[vector<16xi32>], vector<16xf32>,
        tpu.vector_store_idx %arg10[%parallel_loop3A_731], %parallel_loop3A_747 {add = true} : memref<1040xf32, #tpu.memory_space<vmem>>[vector<16xi32>], vector<16xf32>,
        scf.yield %parallel_loop3A_774, %parallel_loop3A_799, %parallel_loop3A_824, %parallel_loop3A_849, %parallel_loop3A_874, %parallel_loop3A_899, %parallel_loop3A_924, %parallel_loop3A_949, %parallel_loop3A_974, %parallel_loop3A_999, %parallel_loop3A_1024, %parallel_loop3A_1049, %parallel_loop3A_1074, %parallel_loop3A_1099, %parallel_loop3A_1124, %parallel_loop3A_1149, %parallel_loop3A_767, %parallel_loop3A_792, %parallel_loop3A_817, %parallel_loop3A_842, %parallel_loop3A_867, %parallel_loop3A_892, %parallel_loop3A_917, %parallel_loop3A_942, %parallel_loop3A_967, %parallel_loop3A_992, %parallel_loop3A_1017, %parallel_loop3A_1042, %parallel_loop3A_1067, %parallel_loop3A_1092, %parallel_loop3A_1117, %parallel_loop3A_1142 : vector<16xi32>, vector<16xi32>, vector<16xi32>, vector<16xi32>, vector<16xi32>, vector<16xi32>, vector<16xi32>, vector<16xi32>, vector<16xi32>, vector<16xi32>, vector<16xi32>, vector<16xi32>, vector<16xi32>, vector<16xi32>, vector<16xi32>, vector<16xi32>, vector<16xf32>, vector<16xf32>, vector<16xf32>, vector<16xf32>, vector<16xf32>, vector<16xf32>, vector<16xf32>, vector<16xf32>, vector<16xf32>, vector<16xf32>, vector<16xf32>, vector<16xf32>, vector<16xf32>, vector<16xf32>, vector<16xf32>, vector<16xf32>
      } {sc.loop_unroll_factor = 1 : i64, sc.parallel_access}
      tpu.vector_store_idx %arg9[%parallel_loop3A_714#0], %broadcast_in_dim3A_5 {add = true} : memref<1040xf32, #tpu.memory_space<vmem>>[vector<16xi32>], vector<16xf32>,
      tpu.vector_store_idx %arg10[%parallel_loop3A_714#0], %parallel_loop3A_714#16 {add = true} : memref<1040xf32, #tpu.memory_space<vmem>>[vector<16xi32>], vector<16xf32>,
      tpu.vector_store_idx %arg9[%parallel_loop3A_714#1], %broadcast_in_dim3A_5 {add = true} : memref<1040xf32, #tpu.memory_space<vmem>>[vector<16xi32>], vector<16xf32>,
      tpu.vector_store_idx %arg10[%parallel_loop3A_714#1], %parallel_loop3A_714#17 {add = true} : memref<1040xf32, #tpu.memory_space<vmem>>[vector<16xi32>], vector<16xf32>,
      tpu.vector_store_idx %arg9[%parallel_loop3A_714#2], %broadcast_in_dim3A_5 {add = true} : memref<1040xf32, #tpu.memory_space<vmem>>[vector<16xi32>], vector<16xf32>,
      tpu.vector_store_idx %arg10[%parallel_loop3A_714#2], %parallel_loop3A_714#18 {add = true} : memref<1040xf32, #tpu.memory_space<vmem>>[vector<16xi32>], vector<16xf32>,
      tpu.vector_store_idx %arg9[%parallel_loop3A_714#3], %broadcast_in_dim3A_5 {add = true} : memref<1040xf32, #tpu.memory_space<vmem>>[vector<16xi32>], vector<16xf32>,
      tpu.vector_store_idx %arg10[%parallel_loop3A_714#3], %parallel_loop3A_714#19 {add = true} : memref<1040xf32, #tpu.memory_space<vmem>>[vector<16xi32>], vector<16xf32>,
      tpu.vector_store_idx %arg9[%parallel_loop3A_714#4], %broadcast_in_dim3A_5 {add = true} : memref<1040xf32, #tpu.memory_space<vmem>>[vector<16xi32>], vector<16xf32>,
      tpu.vector_store_idx %arg10[%parallel_loop3A_714#4], %parallel_loop3A_714#20 {add = true} : memref<1040xf32, #tpu.memory_space<vmem>>[vector<16xi32>], vector<16xf32>,
      tpu.vector_store_idx %arg9[%parallel_loop3A_714#5], %broadcast_in_dim3A_5 {add = true} : memref<1040xf32, #tpu.memory_space<vmem>>[vector<16xi32>], vector<16xf32>,
      tpu.vector_store_idx %arg10[%parallel_loop3A_714#5], %parallel_loop3A_714#21 {add = true} : memref<1040xf32, #tpu.memory_space<vmem>>[vector<16xi32>], vector<16xf32>,
      tpu.vector_store_idx %arg9[%parallel_loop3A_714#6], %broadcast_in_dim3A_5 {add = true} : memref<1040xf32, #tpu.memory_space<vmem>>[vector<16xi32>], vector<16xf32>,
      tpu.vector_store_idx %arg10[%parallel_loop3A_714#6], %parallel_loop3A_714#22 {add = true} : memref<1040xf32, #tpu.memory_space<vmem>>[vector<16xi32>], vector<16xf32>,
      tpu.vector_store_idx %arg9[%parallel_loop3A_714#7], %broadcast_in_dim3A_5 {add = true} : memref<1040xf32, #tpu.memory_space<vmem>>[vector<16xi32>], vector<16xf32>,
      tpu.vector_store_idx %arg10[%parallel_loop3A_714#7], %parallel_loop3A_714#23 {add = true} : memref<1040xf32, #tpu.memory_space<vmem>>[vector<16xi32>], vector<16xf32>,
      tpu.vector_store_idx %arg9[%parallel_loop3A_714#8], %broadcast_in_dim3A_5 {add = true} : memref<1040xf32, #tpu.memory_space<vmem>>[vector<16xi32>], vector<16xf32>,
      tpu.vector_store_idx %arg10[%parallel_loop3A_714#8], %parallel_loop3A_714#24 {add = true} : memref<1040xf32, #tpu.memory_space<vmem>>[vector<16xi32>], vector<16xf32>,
      tpu.vector_store_idx %arg9[%parallel_loop3A_714#9], %broadcast_in_dim3A_5 {add = true} : memref<1040xf32, #tpu.memory_space<vmem>>[vector<16xi32>], vector<16xf32>,
      tpu.vector_store_idx %arg10[%parallel_loop3A_714#9], %parallel_loop3A_714#25 {add = true} : memref<1040xf32, #tpu.memory_space<vmem>>[vector<16xi32>], vector<16xf32>,
      tpu.vector_store_idx %arg9[%parallel_loop3A_714#10], %broadcast_in_dim3A_5 {add = true} : memref<1040xf32, #tpu.memory_space<vmem>>[vector<16xi32>], vector<16xf32>,
      tpu.vector_store_idx %arg10[%parallel_loop3A_714#10], %parallel_loop3A_714#26 {add = true} : memref<1040xf32, #tpu.memory_space<vmem>>[vector<16xi32>], vector<16xf32>,
      tpu.vector_store_idx %arg9[%parallel_loop3A_714#11], %broadcast_in_dim3A_5 {add = true} : memref<1040xf32, #tpu.memory_space<vmem>>[vector<16xi32>], vector<16xf32>,
      tpu.vector_store_idx %arg10[%parallel_loop3A_714#11], %parallel_loop3A_714#27 {add = true} : memref<1040xf32, #tpu.memory_space<vmem>>[vector<16xi32>], vector<16xf32>,
      tpu.vector_store_idx %arg9[%parallel_loop3A_714#12], %broadcast_in_dim3A_5 {add = true} : memref<1040xf32, #tpu.memory_space<vmem>>[vector<16xi32>], vector<16xf32>,
      tpu.vector_store_idx %arg10[%parallel_loop3A_714#12], %parallel_loop3A_714#28 {add = true} : memref<1040xf32, #tpu.memory_space<vmem>>[vector<16xi32>], vector<16xf32>,
      tpu.vector_store_idx %arg9[%parallel_loop3A_714#13], %broadcast_in_dim3A_5 {add = true} : memref<1040xf32, #tpu.memory_space<vmem>>[vector<16xi32>], vector<16xf32>,
      tpu.vector_store_idx %arg10[%parallel_loop3A_714#13], %parallel_loop3A_714#29 {add = true} : memref<1040xf32, #tpu.memory_space<vmem>>[vector<16xi32>], vector<16xf32>,
      tpu.vector_store_idx %arg9[%parallel_loop3A_714#14], %broadcast_in_dim3A_5 {add = true} : memref<1040xf32, #tpu.memory_space<vmem>>[vector<16xi32>], vector<16xf32>,
      tpu.vector_store_idx %arg10[%parallel_loop3A_714#14], %parallel_loop3A_714#30 {add = true} : memref<1040xf32, #tpu.memory_space<vmem>>[vector<16xi32>], vector<16xf32>,
      tpu.vector_store_idx %arg9[%parallel_loop3A_714#15], %broadcast_in_dim3A_5 {add = true} : memref<1040xf32, #tpu.memory_space<vmem>>[vector<16xi32>], vector<16xf32>,
      tpu.vector_store_idx %arg10[%parallel_loop3A_714#15], %parallel_loop3A_714#31 {add = true} : memref<1040xf32, #tpu.memory_space<vmem>>[vector<16xi32>], vector<16xf32>,
    }
    %scan3A_275 = arith.constant 16 : i32
    %get3A = arith.constant 0 : index
    %get3A_276 = tpu.vector_load %arg9[%get3A] {strides = array<i32>} : memref<1040xf32, #tpu.memory_space<vmem>>, vector<16xf32>,
    %add3A_277 = arith.addf %broadcast_in_dim3A_3, %get3A_276 : vector<16xf32>
    %get3A_278 = arith.constant 0 : index
    %get3A_279 = tpu.vector_load %arg10[%get3A_278] {strides = array<i32>} : memref<1040xf32, #tpu.memory_space<vmem>>, vector<16xf32>,
    %add3A_280 = arith.addf %broadcast_in_dim3A_3, %get3A_279 : vector<16xf32>
    %get3A_281 = arith.constant 16 : index
    %get3A_282 = tpu.vector_load %arg9[%get3A_281] {strides = array<i32>} : memref<1040xf32, #tpu.memory_space<vmem>>, vector<16xf32>,
    %add3A_283 = arith.addf %broadcast_in_dim3A_3, %get3A_282 : vector<16xf32>
    %get3A_284 = arith.constant 16 : index
    %get3A_285 = tpu.vector_load %arg10[%get3A_284] {strides = array<i32>} : memref<1040xf32, #tpu.memory_space<vmem>>, vector<16xf32>,
    %add3A_286 = arith.addf %broadcast_in_dim3A_3, %get3A_285 : vector<16xf32>
    %get3A_287 = arith.constant 32 : index
    %get3A_288 = tpu.vector_load %arg9[%get3A_287] {strides = array<i32>} : memref<1040xf32, #tpu.memory_space<vmem>>, vector<16xf32>,
    %add3A_289 = arith.addf %broadcast_in_dim3A_3, %get3A_288 : vector<16xf32>
    %get3A_290 = arith.constant 32 : index
    %get3A_291 = tpu.vector_load %arg10[%get3A_290] {strides = array<i32>} : memref<1040xf32, #tpu.memory_space<vmem>>, vector<16xf32>,
    %add3A_292 = arith.addf %broadcast_in_dim3A_3, %get3A_291 : vector<16xf32>
    %get3A_293 = arith.constant 48 : index
    %get3A_294 = tpu.vector_load %arg9[%get3A_293] {strides = array<i32>} : memref<1040xf32, #tpu.memory_space<vmem>>, vector<16xf32>,
    %add3A_295 = arith.addf %broadcast_in_dim3A_3, %get3A_294 : vector<16xf32>
    %get3A_296 = arith.constant 48 : index
    %get3A_297 = tpu.vector_load %arg10[%get3A_296] {strides = array<i32>} : memref<1040xf32, #tpu.memory_space<vmem>>, vector<16xf32>,
    %add3A_298 = arith.addf %broadcast_in_dim3A_3, %get3A_297 : vector<16xf32>
    %get3A_299 = arith.constant 65 : index
    %get3A_300 = tpu.vector_load %arg9[%get3A_299] {strides = array<i32>} : memref<1040xf32, #tpu.memory_space<vmem>>, vector<16xf32>,
    %add3A_301 = arith.addf %add3A_277, %get3A_300 : vector<16xf32>
    %get3A_302 = arith.constant 65 : index
    %get3A_303 = tpu.vector_load %arg10[%get3A_302] {strides = array<i32>} : memref<1040xf32, #tpu.memory_space<vmem>>, vector<16xf32>,
    %add3A_304 = arith.addf %add3A_280, %get3A_303 : vector<16xf32>
    %get3A_305 = arith.constant 81 : index
    %get3A_306 = tpu.vector_load %arg9[%get3A_305] {strides = array<i32>} : memref<1040xf32, #tpu.memory_space<vmem>>, vector<16xf32>,
    %add3A_307 = arith.addf %add3A_283, %get3A_306 : vector<16xf32>
    %get3A_308 = arith.constant 81 : index
    %get3A_309 = tpu.vector_load %arg10[%get3A_308] {strides = array<i32>} : memref<1040xf32, #tpu.memory_space<vmem>>, vector<16xf32>,
    %add3A_310 = arith.addf %add3A_286, %get3A_309 : vector<16xf32>
    %get3A_311 = arith.constant 97 : index
    %get3A_312 = tpu.vector_load %arg9[%get3A_311] {strides = array<i32>} : memref<1040xf32, #tpu.memory_space<vmem>>, vector<16xf32>,
    %add3A_313 = arith.addf %add3A_289, %get3A_312 : vector<16xf32>
    %get3A_314 = arith.constant 97 : index
    %get3A_315 = tpu.vector_load %arg10[%get3A_314] {strides = array<i32>} : memref<1040xf32, #tpu.memory_space<vmem>>, vector<16xf32>,
    %add3A_316 = arith.addf %add3A_292, %get3A_315 : vector<16xf32>
    %get3A_317 = arith.constant 113 : index
    %get3A_318 = tpu.vector_load %arg9[%get3A_317] {strides = array<i32>} : memref<1040xf32, #tpu.memory_space<vmem>>, vector<16xf32>,
    %add3A_319 = arith.addf %add3A_295, %get3A_318 : vector<16xf32>
    %get3A_320 = arith.constant 113 : index
    %get3A_321 = tpu.vector_load %arg10[%get3A_320] {strides = array<i32>} : memref<1040xf32, #tpu.memory_space<vmem>>, vector<16xf32>,
    %add3A_322 = arith.addf %add3A_298, %get3A_321 : vector<16xf32>
    %get3A_323 = arith.constant 130 : index
    %get3A_324 = tpu.vector_load %arg9[%get3A_323] {strides = array<i32>} : memref<1040xf32, #tpu.memory_space<vmem>>, vector<16xf32>,
    %add3A_325 = arith.addf %add3A_301, %get3A_324 : vector<16xf32>
    %get3A_326 = arith.constant 130 : index
    %get3A_327 = tpu.vector_load %arg10[%get3A_326] {strides = array<i32>} : memref<1040xf32, #tpu.memory_space<vmem>>, vector<16xf32>,
    %add3A_328 = arith.addf %add3A_304, %get3A_327 : vector<16xf32>
    %get3A_329 = arith.constant 146 : index
    %get3A_330 = tpu.vector_load %arg9[%get3A_329] {strides = array<i32>} : memref<1040xf32, #tpu.memory_space<vmem>>, vector<16xf32>,
    %add3A_331 = arith.addf %add3A_307, %get3A_330 : vector<16xf32>
    %get3A_332 = arith.constant 146 : index
    %get3A_333 = tpu.vector_load %arg10[%get3A_332] {strides = array<i32>} : memref<1040xf32, #tpu.memory_space<vmem>>, vector<16xf32>,
    %add3A_334 = arith.addf %add3A_310, %get3A_333 : vector<16xf32>
    %get3A_335 = arith.constant 162 : index
    %get3A_336 = tpu.vector_load %arg9[%get3A_335] {strides = array<i32>} : memref<1040xf32, #tpu.memory_space<vmem>>, vector<16xf32>,
    %add3A_337 = arith.addf %add3A_313, %get3A_336 : vector<16xf32>
    %get3A_338 = arith.constant 162 : index
    %get3A_339 = tpu.vector_load %arg10[%get3A_338] {strides = array<i32>} : memref<1040xf32, #tpu.memory_space<vmem>>, vector<16xf32>,
    %add3A_340 = arith.addf %add3A_316, %get3A_339 : vector<16xf32>
    %get3A_341 = arith.constant 178 : index
    %get3A_342 = tpu.vector_load %arg9[%get3A_341] {strides = array<i32>} : memref<1040xf32, #tpu.memory_space<vmem>>, vector<16xf32>,
    %add3A_343 = arith.addf %add3A_319, %get3A_342 : vector<16xf32>
    %get3A_344 = arith.constant 178 : index
    %get3A_345 = tpu.vector_load %arg10[%get3A_344] {strides = array<i32>} : memref<1040xf32, #tpu.memory_space<vmem>>, vector<16xf32>,
    %add3A_346 = arith.addf %add3A_322, %get3A_345 : vector<16xf32>
    %get3A_347 = arith.constant 195 : index
    %get3A_348 = tpu.vector_load %arg9[%get3A_347] {strides = array<i32>} : memref<1040xf32, #tpu.memory_space<vmem>>, vector<16xf32>,
    %add3A_349 = arith.addf %add3A_325, %get3A_348 : vector<16xf32>
    %get3A_350 = arith.constant 195 : index
    %get3A_351 = tpu.vector_load %arg10[%get3A_350] {strides = array<i32>} : memref<1040xf32, #tpu.memory_space<vmem>>, vector<16xf32>,
    %add3A_352 = arith.addf %add3A_328, %get3A_351 : vector<16xf32>
    %get3A_353 = arith.constant 211 : index
    %get3A_354 = tpu.vector_load %arg9[%get3A_353] {strides = array<i32>} : memref<1040xf32, #tpu.memory_space<vmem>>, vector<16xf32>,
    %add3A_355 = arith.addf %add3A_331, %get3A_354 : vector<16xf32>
    %get3A_356 = arith.constant 211 : index
    %get3A_357 = tpu.vector_load %arg10[%get3A_356] {strides = array<i32>} : memref<1040xf32, #tpu.memory_space<vmem>>, vector<16xf32>,
    %add3A_358 = arith.addf %add3A_334, %get3A_357 : vector<16xf32>
    %get3A_359 = arith.constant 227 : index
    %get3A_360 = tpu.vector_load %arg9[%get3A_359] {strides = array<i32>} : memref<1040xf32, #tpu.memory_space<vmem>>, vector<16xf32>,
    %add3A_361 = arith.addf %add3A_337, %get3A_360 : vector<16xf32>
    %get3A_362 = arith.constant 227 : index
    %get3A_363 = tpu.vector_load %arg10[%get3A_362] {strides = array<i32>} : memref<1040xf32, #tpu.memory_space<vmem>>, vector<16xf32>,
    %add3A_364 = arith.addf %add3A_340, %get3A_363 : vector<16xf32>
    %get3A_365 = arith.constant 243 : index
    %get3A_366 = tpu.vector_load %arg9[%get3A_365] {strides = array<i32>} : memref<1040xf32, #tpu.memory_space<vmem>>, vector<16xf32>,
    %add3A_367 = arith.addf %add3A_343, %get3A_366 : vector<16xf32>
    %get3A_368 = arith.constant 243 : index
    %get3A_369 = tpu.vector_load %arg10[%get3A_368] {strides = array<i32>} : memref<1040xf32, #tpu.memory_space<vmem>>, vector<16xf32>,
    %add3A_370 = arith.addf %add3A_346, %get3A_369 : vector<16xf32>
    %get3A_371 = arith.constant 260 : index
    %get3A_372 = tpu.vector_load %arg9[%get3A_371] {strides = array<i32>} : memref<1040xf32, #tpu.memory_space<vmem>>, vector<16xf32>,
    %add3A_373 = arith.addf %add3A_349, %get3A_372 : vector<16xf32>
    %get3A_374 = arith.constant 260 : index
    %get3A_375 = tpu.vector_load %arg10[%get3A_374] {strides = array<i32>} : memref<1040xf32, #tpu.memory_space<vmem>>, vector<16xf32>,
    %add3A_376 = arith.addf %add3A_352, %get3A_375 : vector<16xf32>
    %get3A_377 = arith.constant 276 : index
    %get3A_378 = tpu.vector_load %arg9[%get3A_377] {strides = array<i32>} : memref<1040xf32, #tpu.memory_space<vmem>>, vector<16xf32>,
    %add3A_379 = arith.addf %add3A_355, %get3A_378 : vector<16xf32>
    %get3A_380 = arith.constant 276 : index
    %get3A_381 = tpu.vector_load %arg10[%get3A_380] {strides = array<i32>} : memref<1040xf32, #tpu.memory_space<vmem>>, vector<16xf32>,
    %add3A_382 = arith.addf %add3A_358, %get3A_381 : vector<16xf32>
    %get3A_383 = arith.constant 292 : index
    %get3A_384 = tpu.vector_load %arg9[%get3A_383] {strides = array<i32>} : memref<1040xf32, #tpu.memory_space<vmem>>, vector<16xf32>,
    %add3A_385 = arith.addf %add3A_361, %get3A_384 : vector<16xf32>
    %get3A_386 = arith.constant 292 : index
    %get3A_387 = tpu.vector_load %arg10[%get3A_386] {strides = array<i32>} : memref<1040xf32, #tpu.memory_space<vmem>>, vector<16xf32>,
    %add3A_388 = arith.addf %add3A_364, %get3A_387 : vector<16xf32>
    %get3A_389 = arith.constant 308 : index
    %get3A_390 = tpu.vector_load %arg9[%get3A_389] {strides = array<i32>} : memref<1040xf32, #tpu.memory_space<vmem>>, vector<16xf32>,
    %add3A_391 = arith.addf %add3A_367, %get3A_390 : vector<16xf32>
    %get3A_392 = arith.constant 308 : index
    %get3A_393 = tpu.vector_load %arg10[%get3A_392] {strides = array<i32>} : memref<1040xf32, #tpu.memory_space<vmem>>, vector<16xf32>,
    %add3A_394 = arith.addf %add3A_370, %get3A_393 : vector<16xf32>
    %get3A_395 = arith.constant 325 : index
    %get3A_396 = tpu.vector_load %arg9[%get3A_395] {strides = array<i32>} : memref<1040xf32, #tpu.memory_space<vmem>>, vector<16xf32>,
    %add3A_397 = arith.addf %add3A_373, %get3A_396 : vector<16xf32>
    %get3A_398 = arith.constant 325 : index
    %get3A_399 = tpu.vector_load %arg10[%get3A_398] {strides = array<i32>} : memref<1040xf32, #tpu.memory_space<vmem>>, vector<16xf32>,
    %add3A_400 = arith.addf %add3A_376, %get3A_399 : vector<16xf32>
    %get3A_401 = arith.constant 341 : index
    %get3A_402 = tpu.vector_load %arg9[%get3A_401] {strides = array<i32>} : memref<1040xf32, #tpu.memory_space<vmem>>, vector<16xf32>,
    %add3A_403 = arith.addf %add3A_379, %get3A_402 : vector<16xf32>
    %get3A_404 = arith.constant 341 : index
    %get3A_405 = tpu.vector_load %arg10[%get3A_404] {strides = array<i32>} : memref<1040xf32, #tpu.memory_space<vmem>>, vector<16xf32>,
    %add3A_406 = arith.addf %add3A_382, %get3A_405 : vector<16xf32>
    %get3A_407 = arith.constant 357 : index
    %get3A_408 = tpu.vector_load %arg9[%get3A_407] {strides = array<i32>} : memref<1040xf32, #tpu.memory_space<vmem>>, vector<16xf32>,
    %add3A_409 = arith.addf %add3A_385, %get3A_408 : vector<16xf32>
    %get3A_410 = arith.constant 357 : index
    %get3A_411 = tpu.vector_load %arg10[%get3A_410] {strides = array<i32>} : memref<1040xf32, #tpu.memory_space<vmem>>, vector<16xf32>,
    %add3A_412 = arith.addf %add3A_388, %get3A_411 : vector<16xf32>
    %get3A_413 = arith.constant 373 : index
    %get3A_414 = tpu.vector_load %arg9[%get3A_413] {strides = array<i32>} : memref<1040xf32, #tpu.memory_space<vmem>>, vector<16xf32>,
    %add3A_415 = arith.addf %add3A_391, %get3A_414 : vector<16xf32>
    %get3A_416 = arith.constant 373 : index
    %get3A_417 = tpu.vector_load %arg10[%get3A_416] {strides = array<i32>} : memref<1040xf32, #tpu.memory_space<vmem>>, vector<16xf32>,
    %add3A_418 = arith.addf %add3A_394, %get3A_417 : vector<16xf32>
    %get3A_419 = arith.constant 390 : index
    %get3A_420 = tpu.vector_load %arg9[%get3A_419] {strides = array<i32>} : memref<1040xf32, #tpu.memory_space<vmem>>, vector<16xf32>,
    %add3A_421 = arith.addf %add3A_397, %get3A_420 : vector<16xf32>
    %get3A_422 = arith.constant 390 : index
    %get3A_423 = tpu.vector_load %arg10[%get3A_422] {strides = array<i32>} : memref<1040xf32, #tpu.memory_space<vmem>>, vector<16xf32>,
    %add3A_424 = arith.addf %add3A_400, %get3A_423 : vector<16xf32>
    %get3A_425 = arith.constant 406 : index
    %get3A_426 = tpu.vector_load %arg9[%get3A_425] {strides = array<i32>} : memref<1040xf32, #tpu.memory_space<vmem>>, vector<16xf32>,
    %add3A_427 = arith.addf %add3A_403, %get3A_426 : vector<16xf32>
    %get3A_428 = arith.constant 406 : index
    %get3A_429 = tpu.vector_load %arg10[%get3A_428] {strides = array<i32>} : memref<1040xf32, #tpu.memory_space<vmem>>, vector<16xf32>,
    %add3A_430 = arith.addf %add3A_406, %get3A_429 : vector<16xf32>
    %get3A_431 = arith.constant 422 : index
    %get3A_432 = tpu.vector_load %arg9[%get3A_431] {strides = array<i32>} : memref<1040xf32, #tpu.memory_space<vmem>>, vector<16xf32>,
    %add3A_433 = arith.addf %add3A_409, %get3A_432 : vector<16xf32>
    %get3A_434 = arith.constant 422 : index
    %get3A_435 = tpu.vector_load %arg10[%get3A_434] {strides = array<i32>} : memref<1040xf32, #tpu.memory_space<vmem>>, vector<16xf32>,
    %add3A_436 = arith.addf %add3A_412, %get3A_435 : vector<16xf32>
    %get3A_437 = arith.constant 438 : index
    %get3A_438 = tpu.vector_load %arg9[%get3A_437] {strides = array<i32>} : memref<1040xf32, #tpu.memory_space<vmem>>, vector<16xf32>,
    %add3A_439 = arith.addf %add3A_415, %get3A_438 : vector<16xf32>
    %get3A_440 = arith.constant 438 : index
    %get3A_441 = tpu.vector_load %arg10[%get3A_440] {strides = array<i32>} : memref<1040xf32, #tpu.memory_space<vmem>>, vector<16xf32>,
    %add3A_442 = arith.addf %add3A_418, %get3A_441 : vector<16xf32>
    %get3A_443 = arith.constant 455 : index
    %get3A_444 = tpu.vector_load %arg9[%get3A_443] {strides = array<i32>} : memref<1040xf32, #tpu.memory_space<vmem>>, vector<16xf32>,
    %add3A_445 = arith.addf %add3A_421, %get3A_444 : vector<16xf32>
    %get3A_446 = arith.constant 455 : index
    %get3A_447 = tpu.vector_load %arg10[%get3A_446] {strides = array<i32>} : memref<1040xf32, #tpu.memory_space<vmem>>, vector<16xf32>,
    %add3A_448 = arith.addf %add3A_424, %get3A_447 : vector<16xf32>
    %get3A_449 = arith.constant 471 : index
    %get3A_450 = tpu.vector_load %arg9[%get3A_449] {strides = array<i32>} : memref<1040xf32, #tpu.memory_space<vmem>>, vector<16xf32>,
    %add3A_451 = arith.addf %add3A_427, %get3A_450 : vector<16xf32>
    %get3A_452 = arith.constant 471 : index
    %get3A_453 = tpu.vector_load %arg10[%get3A_452] {strides = array<i32>} : memref<1040xf32, #tpu.memory_space<vmem>>, vector<16xf32>,
    %add3A_454 = arith.addf %add3A_430, %get3A_453 : vector<16xf32>
    %get3A_455 = arith.constant 487 : index
    %get3A_456 = tpu.vector_load %arg9[%get3A_455] {strides = array<i32>} : memref<1040xf32, #tpu.memory_space<vmem>>, vector<16xf32>,
    %add3A_457 = arith.addf %add3A_433, %get3A_456 : vector<16xf32>
    %get3A_458 = arith.constant 487 : index
    %get3A_459 = tpu.vector_load %arg10[%get3A_458] {strides = array<i32>} : memref<1040xf32, #tpu.memory_space<vmem>>, vector<16xf32>,
    %add3A_460 = arith.addf %add3A_436, %get3A_459 : vector<16xf32>
    %get3A_461 = arith.constant 503 : index
    %get3A_462 = tpu.vector_load %arg9[%get3A_461] {strides = array<i32>} : memref<1040xf32, #tpu.memory_space<vmem>>, vector<16xf32>,
    %add3A_463 = arith.addf %add3A_439, %get3A_462 : vector<16xf32>
    %get3A_464 = arith.constant 503 : index
    %get3A_465 = tpu.vector_load %arg10[%get3A_464] {strides = array<i32>} : memref<1040xf32, #tpu.memory_space<vmem>>, vector<16xf32>,
    %add3A_466 = arith.addf %add3A_442, %get3A_465 : vector<16xf32>
    %get3A_467 = arith.constant 520 : index
    %get3A_468 = tpu.vector_load %arg9[%get3A_467] {strides = array<i32>} : memref<1040xf32, #tpu.memory_space<vmem>>, vector<16xf32>,
    %add3A_469 = arith.addf %add3A_445, %get3A_468 : vector<16xf32>
    %get3A_470 = arith.constant 520 : index
    %get3A_471 = tpu.vector_load %arg10[%get3A_470] {strides = array<i32>} : memref<1040xf32, #tpu.memory_space<vmem>>, vector<16xf32>,
    %add3A_472 = arith.addf %add3A_448, %get3A_471 : vector<16xf32>
    %get3A_473 = arith.constant 536 : index
    %get3A_474 = tpu.vector_load %arg9[%get3A_473] {strides = array<i32>} : memref<1040xf32, #tpu.memory_space<vmem>>, vector<16xf32>,
    %add3A_475 = arith.addf %add3A_451, %get3A_474 : vector<16xf32>
    %get3A_476 = arith.constant 536 : index
    %get3A_477 = tpu.vector_load %arg10[%get3A_476] {strides = array<i32>} : memref<1040xf32, #tpu.memory_space<vmem>>, vector<16xf32>,
    %add3A_478 = arith.addf %add3A_454, %get3A_477 : vector<16xf32>
    %get3A_479 = arith.constant 552 : index
    %get3A_480 = tpu.vector_load %arg9[%get3A_479] {strides = array<i32>} : memref<1040xf32, #tpu.memory_space<vmem>>, vector<16xf32>,
    %add3A_481 = arith.addf %add3A_457, %get3A_480 : vector<16xf32>
    %get3A_482 = arith.constant 552 : index
    %get3A_483 = tpu.vector_load %arg10[%get3A_482] {strides = array<i32>} : memref<1040xf32, #tpu.memory_space<vmem>>, vector<16xf32>,
    %add3A_484 = arith.addf %add3A_460, %get3A_483 : vector<16xf32>
    %get3A_485 = arith.constant 568 : index
    %get3A_486 = tpu.vector_load %arg9[%get3A_485] {strides = array<i32>} : memref<1040xf32, #tpu.memory_space<vmem>>, vector<16xf32>,
    %add3A_487 = arith.addf %add3A_463, %get3A_486 : vector<16xf32>
    %get3A_488 = arith.constant 568 : index
    %get3A_489 = tpu.vector_load %arg10[%get3A_488] {strides = array<i32>} : memref<1040xf32, #tpu.memory_space<vmem>>, vector<16xf32>,
    %add3A_490 = arith.addf %add3A_466, %get3A_489 : vector<16xf32>
    %get3A_491 = arith.constant 585 : index
    %get3A_492 = tpu.vector_load %arg9[%get3A_491] {strides = array<i32>} : memref<1040xf32, #tpu.memory_space<vmem>>, vector<16xf32>,
    %add3A_493 = arith.addf %add3A_469, %get3A_492 : vector<16xf32>
    %get3A_494 = arith.constant 585 : index
    %get3A_495 = tpu.vector_load %arg10[%get3A_494] {strides = array<i32>} : memref<1040xf32, #tpu.memory_space<vmem>>, vector<16xf32>,
    %add3A_496 = arith.addf %add3A_472, %get3A_495 : vector<16xf32>
    %get3A_497 = arith.constant 601 : index
    %get3A_498 = tpu.vector_load %arg9[%get3A_497] {strides = array<i32>} : memref<1040xf32, #tpu.memory_space<vmem>>, vector<16xf32>,
    %add3A_499 = arith.addf %add3A_475, %get3A_498 : vector<16xf32>
    %get3A_500 = arith.constant 601 : index
    %get3A_501 = tpu.vector_load %arg10[%get3A_500] {strides = array<i32>} : memref<1040xf32, #tpu.memory_space<vmem>>, vector<16xf32>,
    %add3A_502 = arith.addf %add3A_478, %get3A_501 : vector<16xf32>
    %get3A_503 = arith.constant 617 : index
    %get3A_504 = tpu.vector_load %arg9[%get3A_503] {strides = array<i32>} : memref<1040xf32, #tpu.memory_space<vmem>>, vector<16xf32>,
    %add3A_505 = arith.addf %add3A_481, %get3A_504 : vector<16xf32>
    %get3A_506 = arith.constant 617 : index
    %get3A_507 = tpu.vector_load %arg10[%get3A_506] {strides = array<i32>} : memref<1040xf32, #tpu.memory_space<vmem>>, vector<16xf32>,
    %add3A_508 = arith.addf %add3A_484, %get3A_507 : vector<16xf32>
    %get3A_509 = arith.constant 633 : index
    %get3A_510 = tpu.vector_load %arg9[%get3A_509] {strides = array<i32>} : memref<1040xf32, #tpu.memory_space<vmem>>, vector<16xf32>,
    %add3A_511 = arith.addf %add3A_487, %get3A_510 : vector<16xf32>
    %get3A_512 = arith.constant 633 : index
    %get3A_513 = tpu.vector_load %arg10[%get3A_512] {strides = array<i32>} : memref<1040xf32, #tpu.memory_space<vmem>>, vector<16xf32>,
    %add3A_514 = arith.addf %add3A_490, %get3A_513 : vector<16xf32>
    %get3A_515 = arith.constant 650 : index
    %get3A_516 = tpu.vector_load %arg9[%get3A_515] {strides = array<i32>} : memref<1040xf32, #tpu.memory_space<vmem>>, vector<16xf32>,
    %add3A_517 = arith.addf %add3A_493, %get3A_516 : vector<16xf32>
    %get3A_518 = arith.constant 650 : index
    %get3A_519 = tpu.vector_load %arg10[%get3A_518] {strides = array<i32>} : memref<1040xf32, #tpu.memory_space<vmem>>, vector<16xf32>,
    %add3A_520 = arith.addf %add3A_496, %get3A_519 : vector<16xf32>
    %get3A_521 = arith.constant 666 : index
    %get3A_522 = tpu.vector_load %arg9[%get3A_521] {strides = array<i32>} : memref<1040xf32, #tpu.memory_space<vmem>>, vector<16xf32>,
    %add3A_523 = arith.addf %add3A_499, %get3A_522 : vector<16xf32>
    %get3A_524 = arith.constant 666 : index
    %get3A_525 = tpu.vector_load %arg10[%get3A_524] {strides = array<i32>} : memref<1040xf32, #tpu.memory_space<vmem>>, vector<16xf32>,
    %add3A_526 = arith.addf %add3A_502, %get3A_525 : vector<16xf32>
    %get3A_527 = arith.constant 682 : index
    %get3A_528 = tpu.vector_load %arg9[%get3A_527] {strides = array<i32>} : memref<1040xf32, #tpu.memory_space<vmem>>, vector<16xf32>,
    %add3A_529 = arith.addf %add3A_505, %get3A_528 : vector<16xf32>
    %get3A_530 = arith.constant 682 : index
    %get3A_531 = tpu.vector_load %arg10[%get3A_530] {strides = array<i32>} : memref<1040xf32, #tpu.memory_space<vmem>>, vector<16xf32>,
    %add3A_532 = arith.addf %add3A_508, %get3A_531 : vector<16xf32>
    %get3A_533 = arith.constant 698 : index
    %get3A_534 = tpu.vector_load %arg9[%get3A_533] {strides = array<i32>} : memref<1040xf32, #tpu.memory_space<vmem>>, vector<16xf32>,
    %add3A_535 = arith.addf %add3A_511, %get3A_534 : vector<16xf32>
    %get3A_536 = arith.constant 698 : index
    %get3A_537 = tpu.vector_load %arg10[%get3A_536] {strides = array<i32>} : memref<1040xf32, #tpu.memory_space<vmem>>, vector<16xf32>,
    %add3A_538 = arith.addf %add3A_514, %get3A_537 : vector<16xf32>
    %get3A_539 = arith.constant 715 : index
    %get3A_540 = tpu.vector_load %arg9[%get3A_539] {strides = array<i32>} : memref<1040xf32, #tpu.memory_space<vmem>>, vector<16xf32>,
    %add3A_541 = arith.addf %add3A_517, %get3A_540 : vector<16xf32>
    %get3A_542 = arith.constant 715 : index
    %get3A_543 = tpu.vector_load %arg10[%get3A_542] {strides = array<i32>} : memref<1040xf32, #tpu.memory_space<vmem>>, vector<16xf32>,
    %add3A_544 = arith.addf %add3A_520, %get3A_543 : vector<16xf32>
    %get3A_545 = arith.constant 731 : index
    %get3A_546 = tpu.vector_load %arg9[%get3A_545] {strides = array<i32>} : memref<1040xf32, #tpu.memory_space<vmem>>, vector<16xf32>,
    %add3A_547 = arith.addf %add3A_523, %get3A_546 : vector<16xf32>
    %get3A_548 = arith.constant 731 : index
    %get3A_549 = tpu.vector_load %arg10[%get3A_548] {strides = array<i32>} : memref<1040xf32, #tpu.memory_space<vmem>>, vector<16xf32>,
    %add3A_550 = arith.addf %add3A_526, %get3A_549 : vector<16xf32>
    %get3A_551 = arith.constant 747 : index
    %get3A_552 = tpu.vector_load %arg9[%get3A_551] {strides = array<i32>} : memref<1040xf32, #tpu.memory_space<vmem>>, vector<16xf32>,
    %add3A_553 = arith.addf %add3A_529, %get3A_552 : vector<16xf32>
    %get3A_554 = arith.constant 747 : index
    %get3A_555 = tpu.vector_load %arg10[%get3A_554] {strides = array<i32>} : memref<1040xf32, #tpu.memory_space<vmem>>, vector<16xf32>,
    %add3A_556 = arith.addf %add3A_532, %get3A_555 : vector<16xf32>
    %get3A_557 = arith.constant 763 : index
    %get3A_558 = tpu.vector_load %arg9[%get3A_557] {strides = array<i32>} : memref<1040xf32, #tpu.memory_space<vmem>>, vector<16xf32>,
    %add3A_559 = arith.addf %add3A_535, %get3A_558 : vector<16xf32>
    %get3A_560 = arith.constant 763 : index
    %get3A_561 = tpu.vector_load %arg10[%get3A_560] {strides = array<i32>} : memref<1040xf32, #tpu.memory_space<vmem>>, vector<16xf32>,
    %add3A_562 = arith.addf %add3A_538, %get3A_561 : vector<16xf32>
    %get3A_563 = arith.constant 780 : index
    %get3A_564 = tpu.vector_load %arg9[%get3A_563] {strides = array<i32>} : memref<1040xf32, #tpu.memory_space<vmem>>, vector<16xf32>,
    %add3A_565 = arith.addf %add3A_541, %get3A_564 : vector<16xf32>
    %get3A_566 = arith.constant 780 : index
    %get3A_567 = tpu.vector_load %arg10[%get3A_566] {strides = array<i32>} : memref<1040xf32, #tpu.memory_space<vmem>>, vector<16xf32>,
    %add3A_568 = arith.addf %add3A_544, %get3A_567 : vector<16xf32>
    %get3A_569 = arith.constant 796 : index
    %get3A_570 = tpu.vector_load %arg9[%get3A_569] {strides = array<i32>} : memref<1040xf32, #tpu.memory_space<vmem>>, vector<16xf32>,
    %add3A_571 = arith.addf %add3A_547, %get3A_570 : vector<16xf32>
    %get3A_572 = arith.constant 796 : index
    %get3A_573 = tpu.vector_load %arg10[%get3A_572] {strides = array<i32>} : memref<1040xf32, #tpu.memory_space<vmem>>, vector<16xf32>,
    %add3A_574 = arith.addf %add3A_550, %get3A_573 : vector<16xf32>
    %get3A_575 = arith.constant 812 : index
    %get3A_576 = tpu.vector_load %arg9[%get3A_575] {strides = array<i32>} : memref<1040xf32, #tpu.memory_space<vmem>>, vector<16xf32>,
    %add3A_577 = arith.addf %add3A_553, %get3A_576 : vector<16xf32>
    %get3A_578 = arith.constant 812 : index
    %get3A_579 = tpu.vector_load %arg10[%get3A_578] {strides = array<i32>} : memref<1040xf32, #tpu.memory_space<vmem>>, vector<16xf32>,
    %add3A_580 = arith.addf %add3A_556, %get3A_579 : vector<16xf32>
    %get3A_581 = arith.constant 828 : index
    %get3A_582 = tpu.vector_load %arg9[%get3A_581] {strides = array<i32>} : memref<1040xf32, #tpu.memory_space<vmem>>, vector<16xf32>,
    %add3A_583 = arith.addf %add3A_559, %get3A_582 : vector<16xf32>
    %get3A_584 = arith.constant 828 : index
    %get3A_585 = tpu.vector_load %arg10[%get3A_584] {strides = array<i32>} : memref<1040xf32, #tpu.memory_space<vmem>>, vector<16xf32>,
    %add3A_586 = arith.addf %add3A_562, %get3A_585 : vector<16xf32>
    %get3A_587 = arith.constant 845 : index
    %get3A_588 = tpu.vector_load %arg9[%get3A_587] {strides = array<i32>} : memref<1040xf32, #tpu.memory_space<vmem>>, vector<16xf32>,
    %add3A_589 = arith.addf %add3A_565, %get3A_588 : vector<16xf32>
    %get3A_590 = arith.constant 845 : index
    %get3A_591 = tpu.vector_load %arg10[%get3A_590] {strides = array<i32>} : memref<1040xf32, #tpu.memory_space<vmem>>, vector<16xf32>,
    %add3A_592 = arith.addf %add3A_568, %get3A_591 : vector<16xf32>
    %get3A_593 = arith.constant 861 : index
    %get3A_594 = tpu.vector_load %arg9[%get3A_593] {strides = array<i32>} : memref<1040xf32, #tpu.memory_space<vmem>>, vector<16xf32>,
    %add3A_595 = arith.addf %add3A_571, %get3A_594 : vector<16xf32>
    %get3A_596 = arith.constant 861 : index
    %get3A_597 = tpu.vector_load %arg10[%get3A_596] {strides = array<i32>} : memref<1040xf32, #tpu.memory_space<vmem>>, vector<16xf32>,
    %add3A_598 = arith.addf %add3A_574, %get3A_597 : vector<16xf32>
    %get3A_599 = arith.constant 877 : index
    %get3A_600 = tpu.vector_load %arg9[%get3A_599] {strides = array<i32>} : memref<1040xf32, #tpu.memory_space<vmem>>, vector<16xf32>,
    %add3A_601 = arith.addf %add3A_577, %get3A_600 : vector<16xf32>
    %get3A_602 = arith.constant 877 : index
    %get3A_603 = tpu.vector_load %arg10[%get3A_602] {strides = array<i32>} : memref<1040xf32, #tpu.memory_space<vmem>>, vector<16xf32>,
    %add3A_604 = arith.addf %add3A_580, %get3A_603 : vector<16xf32>
    %get3A_605 = arith.constant 893 : index
    %get3A_606 = tpu.vector_load %arg9[%get3A_605] {strides = array<i32>} : memref<1040xf32, #tpu.memory_space<vmem>>, vector<16xf32>,
    %add3A_607 = arith.addf %add3A_583, %get3A_606 : vector<16xf32>
    %get3A_608 = arith.constant 893 : index
    %get3A_609 = tpu.vector_load %arg10[%get3A_608] {strides = array<i32>} : memref<1040xf32, #tpu.memory_space<vmem>>, vector<16xf32>,
    %add3A_610 = arith.addf %add3A_586, %get3A_609 : vector<16xf32>
    %get3A_611 = arith.constant 910 : index
    %get3A_612 = tpu.vector_load %arg9[%get3A_611] {strides = array<i32>} : memref<1040xf32, #tpu.memory_space<vmem>>, vector<16xf32>,
    %add3A_613 = arith.addf %add3A_589, %get3A_612 : vector<16xf32>
    %get3A_614 = arith.constant 910 : index
    %get3A_615 = tpu.vector_load %arg10[%get3A_614] {strides = array<i32>} : memref<1040xf32, #tpu.memory_space<vmem>>, vector<16xf32>,
    %add3A_616 = arith.addf %add3A_592, %get3A_615 : vector<16xf32>
    %get3A_617 = arith.constant 926 : index
    %get3A_618 = tpu.vector_load %arg9[%get3A_617] {strides = array<i32>} : memref<1040xf32, #tpu.memory_space<vmem>>, vector<16xf32>,
    %add3A_619 = arith.addf %add3A_595, %get3A_618 : vector<16xf32>
    %get3A_620 = arith.constant 926 : index
    %get3A_621 = tpu.vector_load %arg10[%get3A_620] {strides = array<i32>} : memref<1040xf32, #tpu.memory_space<vmem>>, vector<16xf32>,
    %add3A_622 = arith.addf %add3A_598, %get3A_621 : vector<16xf32>
    %get3A_623 = arith.constant 942 : index
    %get3A_624 = tpu.vector_load %arg9[%get3A_623] {strides = array<i32>} : memref<1040xf32, #tpu.memory_space<vmem>>, vector<16xf32>,
    %add3A_625 = arith.addf %add3A_601, %get3A_624 : vector<16xf32>
    %get3A_626 = arith.constant 942 : index
    %get3A_627 = tpu.vector_load %arg10[%get3A_626] {strides = array<i32>} : memref<1040xf32, #tpu.memory_space<vmem>>, vector<16xf32>,
    %add3A_628 = arith.addf %add3A_604, %get3A_627 : vector<16xf32>
    %get3A_629 = arith.constant 958 : index
    %get3A_630 = tpu.vector_load %arg9[%get3A_629] {strides = array<i32>} : memref<1040xf32, #tpu.memory_space<vmem>>, vector<16xf32>,
    %add3A_631 = arith.addf %add3A_607, %get3A_630 : vector<16xf32>
    %get3A_632 = arith.constant 958 : index
    %get3A_633 = tpu.vector_load %arg10[%get3A_632] {strides = array<i32>} : memref<1040xf32, #tpu.memory_space<vmem>>, vector<16xf32>,
    %add3A_634 = arith.addf %add3A_610, %get3A_633 : vector<16xf32>
    %get3A_635 = arith.constant 975 : index
    %get3A_636 = tpu.vector_load %arg9[%get3A_635] {strides = array<i32>} : memref<1040xf32, #tpu.memory_space<vmem>>, vector<16xf32>,
    %add3A_637 = arith.addf %add3A_613, %get3A_636 : vector<16xf32>
    %get3A_638 = arith.constant 975 : index
    %get3A_639 = tpu.vector_load %arg10[%get3A_638] {strides = array<i32>} : memref<1040xf32, #tpu.memory_space<vmem>>, vector<16xf32>,
    %add3A_640 = arith.addf %add3A_616, %get3A_639 : vector<16xf32>
    %get3A_641 = arith.constant 991 : index
    %get3A_642 = tpu.vector_load %arg9[%get3A_641] {strides = array<i32>} : memref<1040xf32, #tpu.memory_space<vmem>>, vector<16xf32>,
    %add3A_643 = arith.addf %add3A_619, %get3A_642 : vector<16xf32>
    %get3A_644 = arith.constant 991 : index
    %get3A_645 = tpu.vector_load %arg10[%get3A_644] {strides = array<i32>} : memref<1040xf32, #tpu.memory_space<vmem>>, vector<16xf32>,
    %add3A_646 = arith.addf %add3A_622, %get3A_645 : vector<16xf32>
    %get3A_647 = arith.constant 1007 : index
    %get3A_648 = tpu.vector_load %arg9[%get3A_647] {strides = array<i32>} : memref<1040xf32, #tpu.memory_space<vmem>>, vector<16xf32>,
    %add3A_649 = arith.addf %add3A_625, %get3A_648 : vector<16xf32>
    %get3A_650 = arith.constant 1007 : index
    %get3A_651 = tpu.vector_load %arg10[%get3A_650] {strides = array<i32>} : memref<1040xf32, #tpu.memory_space<vmem>>, vector<16xf32>,
    %add3A_652 = arith.addf %add3A_628, %get3A_651 : vector<16xf32>
    %get3A_653 = arith.constant 1023 : index
    %get3A_654 = tpu.vector_load %arg9[%get3A_653] {strides = array<i32>} : memref<1040xf32, #tpu.memory_space<vmem>>, vector<16xf32>,
    %add3A_655 = arith.addf %add3A_631, %get3A_654 : vector<16xf32>
    %get3A_656 = arith.constant 1023 : index
    %get3A_657 = tpu.vector_load %arg10[%get3A_656] {strides = array<i32>} : memref<1040xf32, #tpu.memory_space<vmem>>, vector<16xf32>,
    %add3A_658 = arith.addf %add3A_634, %get3A_657 : vector<16xf32>
    %swap3A_659 = arith.constant 0 : index
    %swap3A_660 = tpu.vector_load %arg11[%swap3A_659] {strides = array<i32>} : memref<128xf32, #tpu.memory_space<vmem>>, vector<16xf32>,
    tpu.vector_store %arg11[%swap3A_659], %add3A_637 {strides = array<i32>} : memref<128xf32, #tpu.memory_space<vmem>>, vector<16xf32>,
    %swap3A_661 = arith.constant 16 : index
    %swap3A_662 = tpu.vector_load %arg11[%swap3A_661] {strides = array<i32>} : memref<128xf32, #tpu.memory_space<vmem>>, vector<16xf32>,
    tpu.vector_store %arg11[%swap3A_661], %add3A_643 {strides = array<i32>} : memref<128xf32, #tpu.memory_space<vmem>>, vector<16xf32>,
    %swap3A_663 = arith.constant 32 : index
    %swap3A_664 = tpu.vector_load %arg11[%swap3A_663] {strides = array<i32>} : memref<128xf32, #tpu.memory_space<vmem>>, vector<16xf32>,
    tpu.vector_store %arg11[%swap3A_663], %add3A_649 {strides = array<i32>} : memref<128xf32, #tpu.memory_space<vmem>>, vector<16xf32>,
    %swap3A_665 = arith.constant 48 : index
    %swap3A_666 = tpu.vector_load %arg11[%swap3A_665] {strides = array<i32>} : memref<128xf32, #tpu.memory_space<vmem>>, vector<16xf32>,
    tpu.vector_store %arg11[%swap3A_665], %add3A_655 {strides = array<i32>} : memref<128xf32, #tpu.memory_space<vmem>>, vector<16xf32>,
    %swap3A_667 = arith.constant 64 : index
    %swap3A_668 = tpu.vector_load %arg11[%swap3A_667] {strides = array<i32>} : memref<128xf32, #tpu.memory_space<vmem>>, vector<16xf32>,
    tpu.vector_store %arg11[%swap3A_667], %add3A_640 {strides = array<i32>} : memref<128xf32, #tpu.memory_space<vmem>>, vector<16xf32>,
    %swap3A_669 = arith.constant 80 : index
    %swap3A_670 = tpu.vector_load %arg11[%swap3A_669] {strides = array<i32>} : memref<128xf32, #tpu.memory_space<vmem>>, vector<16xf32>,
    tpu.vector_store %arg11[%swap3A_669], %add3A_646 {strides = array<i32>} : memref<128xf32, #tpu.memory_space<vmem>>, vector<16xf32>,
    %swap3A_671 = arith.constant 96 : index
    %swap3A_672 = tpu.vector_load %arg11[%swap3A_671] {strides = array<i32>} : memref<128xf32, #tpu.memory_space<vmem>>, vector<16xf32>,
    tpu.vector_store %arg11[%swap3A_671], %add3A_652 {strides = array<i32>} : memref<128xf32, #tpu.memory_space<vmem>>, vector<16xf32>,
    %swap3A_673 = arith.constant 112 : index
    %swap3A_674 = tpu.vector_load %arg11[%swap3A_673] {strides = array<i32>} : memref<128xf32, #tpu.memory_space<vmem>>, vector<16xf32>,
    tpu.vector_store %arg11[%swap3A_673], %add3A_658 {strides = array<i32>} : memref<128xf32, #tpu.memory_space<vmem>>, vector<16xf32>,
    "tpu.region"() ({
      %run_scoped3A = tpu.sem_alloc : memref<!tpu.dma_semaphore, #tpu.memory_space<semaphore_mem>>
      %dma_start3A_675 = arith.constant 0 : i32
      %dma_start3A_676 = tpu.memref_slice %arg4[%add3A, %dma_start3A_675] : memref<32x128xf32, #tpu.memory_space<hbm>> -> memref<1x128xf32, #tpu.memory_space<hbm>>
      %dma_start3A_677 = tpu.memref_squeeze %dma_start3A_676 : memref<1x128xf32, #tpu.memory_space<hbm>> -> memref<128xf32, #tpu.memory_space<hbm>>
      %dma_start3A_678 = arith.constant 0 : i32
      %dma_start3A_679 = tpu.memref_slice %arg4[%add3A, %dma_start3A_678] : memref<32x128xf32, #tpu.memory_space<hbm>> -> memref<1x128xf32, #tpu.memory_space<hbm>>
      %dma_start3A_680 = tpu.memref_squeeze %dma_start3A_679 : memref<1x128xf32, #tpu.memory_space<hbm>> -> memref<128xf32, #tpu.memory_space<hbm>>
      tpu.enqueue_dma source(%arg11 : memref<128xf32, #tpu.memory_space<vmem>>) target(%dma_start3A_680 : memref<128xf32, #tpu.memory_space<hbm>>) target_semaphore(%run_scoped3A : memref<!tpu.dma_semaphore, #tpu.memory_space<semaphore_mem>>)
      %dma_wait3A = arith.constant 0 : i32
      %dma_wait3A_681 = tpu.memref_slice %arg4[%add3A, %dma_wait3A] : memref<32x128xf32, #tpu.memory_space<hbm>> -> memref<1x128xf32, #tpu.memory_space<hbm>>
      %dma_wait3A_682 = tpu.memref_squeeze %dma_wait3A_681 : memref<1x128xf32, #tpu.memory_space<hbm>> -> memref<128xf32, #tpu.memory_space<hbm>>
      %dma_wait3A_683 = arith.constant 0 : i32
      %dma_wait3A_684 = tpu.memref_slice %arg4[%add3A, %dma_wait3A_683] : memref<32x128xf32, #tpu.memory_space<hbm>> -> memref<1x128xf32, #tpu.memory_space<hbm>>
      %dma_wait3A_685 = tpu.memref_squeeze %dma_wait3A_684 : memref<1x128xf32, #tpu.memory_space<hbm>> -> memref<128xf32, #tpu.memory_space<hbm>>
      tpu.wait_dma2 semaphore(%run_scoped3A : memref<!tpu.dma_semaphore, #tpu.memory_space<semaphore_mem>>) src(%arg11 : memref<128xf32, #tpu.memory_space<vmem>>) dst(%dma_wait3A_685 : memref<128xf32, #tpu.memory_space<hbm>>)
      tpu.yield
    }) : () -> ()
    return
  }
}

</mosaic_0001>

<sc_bundles>
// kernel: kernel.3.cloned.1.call-start
scs
__scs_entry_jumppad:
0x0: {  	(pc) =	sbr.rel $0x88, $3  }
0x1: {  	(tag) =	ssettag $0x0;
	lr =	simm.s32 $0x1  }
0x2: {  	[smem:$0x3F9F] =	sst lr;
	_ =	strace $0xD0000000  }
0x3: {  	_ = 	snop  }
0x4: {  	_ = 	snop  }
0x5: {  	_ = 	snop  }
0x6: {  	_ = 	snop  }
0x7: {  	_ = 	snop  }
__scs_overlays_trampoline_lowered:
0x8: {  	[smem:$0x3FAE] =	sst s0  }
0x9: {  	[smem:$0x3FAF] =	sst s1  }
0xa: {  	[smem:$0x3FB0] =	sst s2  }
0xb: {  	[smem:$0x3FB1] =	sst s3  }
0xc: {  	[smem:$0x3FB2] =	sst s4  }
0xd: {  	[smem:$0x3FB3] =	sst s5  }
0xe: {  	[smem:$0x3FB4] =	sst s6  }
0xf: {  	[smem:$0x3FB5] =	sst s7  }
0x10: {  	[smem:$0x3FB6] =	sst s8  }
0x11: {  	[smem:$0x3FB7] =	sst s9;
	s0 =	simm.s32 @!p0 $0x0  }
0x12: {  	s1 =	sld [smem:$0x3F9D];
	s0 =	simm.s32 @p0 $0x1  }
0x13: {  	[smem:$0x3FB8] =	sst s0;
	s0 =	simm.s32 @!p1 $0x0  }
0x14: {  	s2 =	sld [smem:$0x3F9C];
	s0 =	simm.s32 @p1 $0x1  }
0x15: {  	[smem:$0x3FB9] =	sst s0;
	s0 =	simm.s32 @!p2 $0x0  }
0x16: {  	s3 =	sld [smem:$0x3FDB];
	s0 =	simm.s32 @p2 $0x1  }
0x17: {  	s4 =	simm.s32 $0x1BF5;
	[smem:$0x3FBB] =	sst s0  }
0x18: {  	s0 =	sld [smem:$0x3F9E];
	_ =	swait.ge [sflag:s4], $0x0  }
0x19: {  	s7 =	sld [smem:$0x3F9F]  }
0x1a: {  	s8 =	sadd.s32 $0xFFFFE003, lr  }
0x1b: {  	s9 =	sadd.s32 $0xFFFFFEF7, lr;
	s5 =	simm.s32 $0xFFFFFFFF;
	p2 =	slt.u32 s8, $0xFFFFF086  }
0x1c: {  	p1 =	slt.u32 s9, $0xF7A;
	s5 =	simm.s32 @!p2 $0x0  }
0x1d: {  	s5 =	simm.s32 @p1 $0x1;
	p0 =	seq.s32 s7, s2  }
0x1e: {  	s7 =	smul.u32 @!p0 $0xF7A, s2;
	p2 =	seq.s32 @!p0 s5, $0x0  }
0x1f: {  	s9 =	smul.u32 $0xF7A, s1;
	s8 =	simm.s32 @!p0 $0x1BF5;
	p2 =	por !p2, p0  }
0x20: {  	[sflag:s8] =	ssyncset.s32 @!p0 $0xFFFFF086;
	s6 =	sadd.s32 @!p0 s3, s7;
	s7 =	simm.s32 @!p0 $0x108  }
0x21: {  	s3 =	sadd.s32 s3, s9;
	s6 =	sadd.s32 @!p0 $0x88, s6;
	s7 =	simm.s32 @p2 $0x1082  }
0x22: {  	[simem:s7], [sflag:s8] =	dma.local @!p0 [hbm:s6], $0xF7A  }
0x23: {  	s9 =	sor.u32 $0xD0000000, s2;
	s6 =	simm.s32 $0x108;
	_ =	swait.ge @!p0 [sflag:s8], $0x0  }
0x24: {  	s3 =	sadd.s32 $0x88, s3;
	s6 =	simm.s32 @!p1 $0x1082;
	[sflag:s4] =	ssyncset.s32 $0xFFFFF086  }
0x25: {  	[simem:s6], [sflag:s4] =	dma.local [hbm:s3], $0xF7A  }
0x26: {  	[smem:$0x3F9F] =	sst s1;
	(tag) =	ssettag s2;
	_ =	strace s9  }
0x27: {  	s1 =	sld [smem:$0x3FAF]  }
0x28: {  	s2 =	sld [smem:$0x3FB0]  }
0x29: {  	s4 =	sld [smem:$0x3FB2]  }
0x2a: {  	p0 =	seq.s32 s5, $0x0;
	s5 =	sld [smem:$0x3FB3]  }
0x2b: {  	s6 =	sld [smem:$0x3FB4]  }
0x2c: {  	s7 =	sld [smem:$0x3FB5]  }
0x2d: {  	s3 =	simm.s32 $0x108;
	s8 =	sld [smem:$0x3FB6]  }
0x2e: {  	s3 =	simm.s32 @!p0 $0x1082;
	s9 =	sld [smem:$0x3FB7]  }
0x2f: {  	lr =	sadd.s32 s0, s3;
	s0 =	sld [smem:$0x3FAE]  }
0x30: {  	s3 =	sld [smem:$0x3FB1]  }
0x31: {  	[smem:$0x3FBA] =	sst s10  }
0x32: {  	s10 =	sld [smem:$0x3FB8];
	_ =	sdelay $0x3  }
0x33: {  	p0 =	seq.s32 s10, $0x1;
	s10 =	sld [smem:$0x3FBA];
	_ =	sdelay $0x3  }
0x34: {  	[smem:$0x3FBA] =	sst s10  }
0x35: {  	s10 =	sld [smem:$0x3FB9];
	_ =	sdelay $0x3  }
0x36: {  	p1 =	seq.s32 s10, $0x1;
	s10 =	sld [smem:$0x3FBA];
	_ =	sdelay $0x3  }
0x37: {  	[smem:$0x3FBA] =	sst s10  }
0x38: {  	s10 =	sld [smem:$0x3FBB]  }
0x39: {  	_ = 	snop;
	(pc) =	sbr.ind lr, $3  }
0x3a: {  	_ = 	snop  }
0x3b: {  	_ = 	snop  }
0x3c: {  	p2 =	seq.s32 s10, $0x1;
	s10 =	sld [smem:$0x3FBA]  }
0x3d: {  	_ =	shalt  }
0x3e: {  	_ =	shalt  }
0x3f: {  	_ =	shalt  }
0x40: {  	_ =	shalt  }
0x41: {  	_ =	shalt  }
0x42: {  	_ =	shalt  }
0x43: {  	_ =	shalt  }
0x44: {  	_ =	shalt  }
0x45: {  	_ =	shalt  }
0x46: {  	_ =	shalt  }
0x47: {  	_ =	shalt  }
0x48: {  	_ =	shalt  }
0x49: {  	_ =	shalt  }
0x4a: {  	_ =	shalt  }
0x4b: {  	_ =	shalt  }
0x4c: {  	_ =	shalt  }
0x4d: {  	_ =	shalt  }
0x4e: {  	_ =	shalt  }
0x4f: {  	_ =	shalt  }
0x50: {  	_ =	shalt  }
0x51: {  	_ =	shalt  }
0x52: {  	_ =	shalt  }
0x53: {  	_ =	shalt  }
0x54: {  	_ =	shalt  }
0x55: {  	_ =	shalt  }
0x56: {  	_ =	shalt  }
0x57: {  	_ =	shalt  }
0x58: {  	_ =	shalt  }
0x59: {  	_ =	shalt  }
0x5a: {  	_ =	shalt  }
0x5b: {  	_ =	shalt  }
0x5c: {  	_ =	shalt  }
0x5d: {  	_ =	shalt  }
0x5e: {  	_ =	shalt  }
0x5f: {  	_ =	shalt  }
0x60: {  	_ =	shalt  }
0x61: {  	_ =	shalt  }
0x62: {  	_ =	shalt  }
0x63: {  	_ =	shalt  }
0x64: {  	_ =	shalt  }
0x65: {  	_ =	shalt  }
0x66: {  	_ =	shalt  }
0x67: {  	_ =	shalt  }
0x68: {  	_ =	shalt  }
0x69: {  	_ =	shalt  }
0x6a: {  	_ =	shalt  }
0x6b: {  	_ =	shalt  }
0x6c: {  	_ =	shalt  }
0x6d: {  	_ =	shalt  }
0x6e: {  	_ =	shalt  }
0x6f: {  	_ =	shalt  }
0x70: {  	_ =	shalt  }
0x71: {  	_ =	shalt  }
0x72: {  	_ =	shalt  }
0x73: {  	_ =	shalt  }
0x74: {  	_ =	shalt  }
0x75: {  	_ =	shalt  }
0x76: {  	_ =	shalt  }
0x77: {  	_ =	shalt  }
0x78: {  	_ =	shalt  }
0x79: {  	_ =	shalt  }
0x7a: {  	_ =	shalt  }
0x7b: {  	_ =	shalt  }
0x7c: {  	_ =	shalt  }
0x7d: {  	_ =	shalt  }
0x7e: {  	_ =	shalt  }
0x7f: {  	_ =	shalt  }
0x80: {  	_ =	shalt  }
0x81: {  	_ =	shalt  }
0x82: {  	_ =	shalt  }
0x83: {  	_ =	shalt  }
0x84: {  	_ =	shalt  }
0x85: {  	_ =	shalt  }
0x86: {  	_ =	shalt  }
0x87: {  	_ =	shalt  }
.Lfunc_end0:
.L_simem_size_0:
called_computation_lowered:
.L_overlay_start_0:
0x88: {  	s2 =	sld [smem:$0x3FD9]  }
0x89: {  	s3 =	sld [smem:$0x3FFE];
	_ =	sdelay $0x1  }
0x8a: {  	s1 =	srdreg.scid  }
0x8b: {  	s0 =	sand.u32 $0x1, s1  }
0x8c: {  	s17 =	sshll.u32 s0, $0xA;
	s2 =	sadd.s32 s3, s2  }
0x8d: {  	s2 =	sadd.s32 s2, s17  }
0x8e: {  	[smem:$0x3FC6] =	sst s2  }
0x8f: {  	_ = 	snop  }
0x90: {  	s2 =	sld [smem:$0x3FC9]  }
0x91: {  	s18 =	sld [smem:$0x3FC8];
	(tm) =	ssettm $0x1  }
0x92: {  	s4 =	sld [smem:$0x3FFB];
	_ =	sdelay $0x3  }
0x93: {  	_ =	strace s4  }
0x94: {  	s4 =	sld [smem:$0x3FFC];
	_ =	sdelay $0x3  }
0x95: {  	_ =	strace s4  }
0x96: {  	s4 =	sld [smem:$0x3FFD];
	_ =	sdelay $0x3  }
0x97: {  	_ =	strace s4  }
0x98: {  	_ =	strace $0x8FFFFFFF  }
0x99: {  	s19 =	sld [smem:$0x3FDB];
	_ =	sdelay $0x1  }
0x9a: {  	s5 =	simm.s32 $_scs_section_size  }
0x9b: {  	s6 =	simm.s32 $_size__tile_overlayer_lowered;
	s7 =	simm.s32 $_tile_overlayer_lowered  }
0x9c: {  	s22 =	simm.s32 $0x1BFF;
	s21 =	sshll.u32 s7, $0x1;
	s4 =	sadd.s32 s5, s19  }
0x9d: {  	s8 =	simm.s32 $0x0;
	s20 =	sshll.u32 s6, $0x1;
	s6 =	sadd.s32 s21, s4  }
0x9e: {  	[timem:s8], [sflag:s22] =	dma.local [hbm:s6], s20  }
0x9f: {  	_ =	swait.ge [sflag:s22], s20  }
0xa0: {  	s5 =	ssub.s32 $0x0, s20;
	[sflag:s22] =	ssyncset.done $0x0  }
0xa1: {  	[sflag:s22] =	ssyncadd.s32 s5;
	_ =	sdelay $0x1  }
0xa2: {  	s23 =	simm.s32 $0x1B8B  }
0xa3: {  	_ =	swait.ge [sflag:s23], $0x1  }
0xa4: {  	[sflag:s23] =	ssyncset.done $0x0  }
0xa5: {  	s25 =	simm.s32 $0x1B8E;
	s24 =	sld [smem:$0x3FFE];
	[sflag:s23] =	ssyncadd.s32 $0xFFFFFFFF  }
0xa6: {  	s26 =	simm.s32 $execute0_lowered;
	[smem:$0x3FD2] =	sst s25  }
0xa7: {  	s6 =	sshll.u32 s26, $0x1;
	_ =	strace $0x80000046;
	[dreg:$0x1] =	wrdreg $0xFFFFFFFF  }
0xa8: {  	s28 =	simm.s32 $_size_execute0_lowered;
	s4 =	sadd.s32 s4, s6;
	[dreg:$0x0] =	wrdreg $0x0  }
0xa9: {  	s6 =	sshll.u32 s28, $0x1;
	[dreg:$0x2] =	wrdreg s4  }
0xaa: {  	[dreg:$0x3] =	wrdreg s6  }
0xab: {  	[dreg:$0x4] =	wrdreg $0xC0  }
0xac: {  	_ =	task [dreg:s8], $0x5FFFF  }
0xad: {  	[dreg:$0x1] =	wrdreg $0xFFFFFFFF  }
0xae: {  	[dreg:$0x0] =	wrdreg $0x60  }
0xaf: {  	[dreg:$0x2] =	wrdreg s2  }
0xb0: {  	[dreg:$0x3] =	wrdreg s18  }
0xb1: {  	[dreg:$0x4] =	wrdreg s24  }
0xb2: {  	[dreg:$0x5] =	wrdreg $0x9  }
0xb3: {  	_ =	task.clear_ibuf [dreg:s8], $0x6FFFF;
	_ =	strace $0x90000046  }
0xb4: {  	s29 =	simm.s32 $0x9;
	_ =	strace $0x80000048  }
0xb5: {  	_ =	swait.ge [sflag:s29], $0x1  }
0xb6: {  	[sflag:s29] =	ssyncadd.s32 $0xFFFFFFFF  }
0xb7: {  	_ =	strace $0x90000048  }
0xb8: {  	_ =	sfence  }
0xb9: {  	s30 =	sld [smem:$0x0];
	_ =	sdelay $0x2  }
0xba: {  	s31 =	sshll.u32 s1, $0xD;
	s1 =	sshrl.u32 s1, $0x2  }
0xbb: {  	s3 =	sand.u32 $0x4000, s31;
	s1 =	sadd.s32 s1, s30  }
0xbc: {  	s0 =	sor.u32 s3, s0;
	s1 =	sshll.u32 s1, $0x11  }
0xbd: {  	s0 =	sor.u32 s1, s0  }
0xbe: {  	s0 =	sadd.s32 $0x8F2B, s0  }
0xbf: {  	[sflag:s0] =	ssyncadd.remote.s32 $0x1  }
0xc0: {  	_ =	sfence.sel $0xFFFF  }
0xc1: {  	[dreg:$0x0] =	wrdreg $0xFFFFFFFF;
	(pc) =	sbr.abs _section_cstart, $3  }
0xc2: {  	[dreg:$0x1] =	wrdreg $0xFFFFFFFF  }
0xc3: {  	_ =	task.clear_ibuf [dreg:s8], $0x2FFFF;
	_ =	strace $0x9FFFFFFF  }
0xc4: {  	(tm) =	ssettm $0x7FFFFFFF  }
0xc5: {  	_ =	shalt  }
tec
execute0_lowered:
.L_overlay_start_1:
0x0: {  	(tag) =	ssettag $0x1  }
0x1: {  	s1 =	rddreg [dreg:$0x0]  }
0x2: {  	s3 =	rddreg [dreg:$0x1]  }
0x3: {  	s9 =	rddreg [dreg:$0x2]  }
0x4: {  	s0 =	rddreg [dreg:$0x3]  }
0x5: {  	s5 =	srdreg.scid;
	s2 =	stileid.u32  }
0x6: {  	s4 =	simm.s32 $0x0;
	s12 =	simm.s32 $0x4000;
	s13 =	simm.s32 $0xC000  }
0x7: {  	s14 =	simm.s32 $0x1;
	s15 =	simm.s32 $0x10000;
	s16 =	simm.s32 $0x10480  }
0x8: {  	s17 =	simm.s32 $0x2;
	s18 =	simm.s32 $0x10900;
	s19 =	simm.s32 $0x3  }
0x9: {  	s20 =	simm.s32 $0x0;
	s5 =	sand.u32 $0x1, s5;
	s6 =	sshll.u32 s2, $0x1  }
0xa: {  	[smem:$0x7FF] =	sst s4;
	s7 =	ssub.s32 $0x2, s5;
	s10 =	sor.u32 s5, s6  }
0xb: {  	v0 =	vlaneseq.u32;
	_ =	strace $0x80000047;
	s31 =	sshrl.u32 s7, $0x1;
	s8 =	sshll.u32 s10, $0x10  }
0xc: {  	v0 =	vmul.u32 $0x41, v0;
	s5 =	sshll.u32 s10, $0x13;
	s10 =	sshll.u32 s10, $0x4;
	s11 =	ssub.s32 s7, s31  }
0xd: {  	s6 =	sadd.s32 s1, s8;
	s7 =	sadd.s32 s3, s8;
	s8 =	sor.u32 $0x8000, s5  }
0xe: {  	v1 =	vimm.f32 $0.0e+00;
	v3 =	vimm.f32 $1.000000000e+00;
	v2 =	vadd.s32 $0x3E, v0;
	s9 =	sadd.s32 s9, s10;
	s10 =	smax.u32 s11, $0x1;
	s11 =	simm.s32 $0x8000  }
.LBB2_1:
0xf: {  	[tilespmem:$0x10000] =	vst v1  }
0x10: {  	[tilespmem:$0x10480] =	vst v1  }
0x11: {  	[tilespmem:$0x10010] =	vst v1  }
0x12: {  	[tilespmem:$0x10490] =	vst v1  }
0x13: {  	[tilespmem:$0x10020] =	vst v1  }
0x14: {  	[tilespmem:$0x104A0] =	vst v1  }
0x15: {  	[tilespmem:$0x10030] =	vst v1  }
0x16: {  	[tilespmem:$0x104B0] =	vst v1  }
0x17: {  	[tilespmem:$0x10041] =	vst v1  }
0x18: {  	[tilespmem:$0x104C1] =	vst v1  }
0x19: {  	[tilespmem:$0x10051] =	vst v1  }
0x1a: {  	[tilespmem:$0x104D1] =	vst v1  }
0x1b: {  	[tilespmem:$0x10061] =	vst v1  }
0x1c: {  	[tilespmem:$0x104E1] =	vst v1  }
0x1d: {  	[tilespmem:$0x10071] =	vst v1  }
0x1e: {  	[tilespmem:$0x104F1] =	vst v1  }
0x1f: {  	[tilespmem:$0x10082] =	vst v1  }
0x20: {  	[tilespmem:$0x10502] =	vst v1  }
0x21: {  	[tilespmem:$0x10092] =	vst v1  }
0x22: {  	[tilespmem:$0x10512] =	vst v1  }
0x23: {  	[tilespmem:$0x100A2] =	vst v1  }
0x24: {  	[tilespmem:$0x10522] =	vst v1  }
0x25: {  	[tilespmem:$0x100B2] =	vst v1  }
0x26: {  	[tilespmem:$0x10532] =	vst v1  }
0x27: {  	[tilespmem:$0x100C3] =	vst v1  }
0x28: {  	[tilespmem:$0x10543] =	vst v1  }
0x29: {  	[tilespmem:$0x100D3] =	vst v1  }
0x2a: {  	[tilespmem:$0x10553] =	vst v1  }
0x2b: {  	[tilespmem:$0x100E3] =	vst v1  }
0x2c: {  	[tilespmem:$0x10563] =	vst v1  }
0x2d: {  	[tilespmem:$0x100F3] =	vst v1  }
0x2e: {  	[tilespmem:$0x10573] =	vst v1  }
0x2f: {  	[tilespmem:$0x10104] =	vst v1  }
0x30: {  	[tilespmem:$0x10584] =	vst v1  }
0x31: {  	[tilespmem:$0x10114] =	vst v1  }
0x32: {  	[tilespmem:$0x10594] =	vst v1  }
0x33: {  	[tilespmem:$0x10124] =	vst v1  }
0x34: {  	[tilespmem:$0x105A4] =	vst v1  }
0x35: {  	[tilespmem:$0x10134] =	vst v1  }
0x36: {  	[tilespmem:$0x105B4] =	vst v1  }
0x37: {  	[tilespmem:$0x10145] =	vst v1  }
0x38: {  	[tilespmem:$0x105C5] =	vst v1  }
0x39: {  	[tilespmem:$0x10155] =	vst v1  }
0x3a: {  	[tilespmem:$0x105D5] =	vst v1  }
0x3b: {  	[tilespmem:$0x10165] =	vst v1  }
0x3c: {  	[tilespmem:$0x105E5] =	vst v1  }
0x3d: {  	[tilespmem:$0x10175] =	vst v1  }
0x3e: {  	[tilespmem:$0x105F5] =	vst v1  }
0x3f: {  	[tilespmem:$0x10186] =	vst v1  }
0x40: {  	[tilespmem:$0x10606] =	vst v1  }
0x41: {  	[tilespmem:$0x10196] =	vst v1  }
0x42: {  	[tilespmem:$0x10616] =	vst v1  }
0x43: {  	[tilespmem:$0x101A6] =	vst v1  }
0x44: {  	[tilespmem:$0x10626] =	vst v1  }
0x45: {  	[tilespmem:$0x101B6] =	vst v1  }
0x46: {  	[tilespmem:$0x10636] =	vst v1  }
0x47: {  	[tilespmem:$0x101C7] =	vst v1  }
0x48: {  	[tilespmem:$0x10647] =	vst v1  }
0x49: {  	[tilespmem:$0x101D7] =	vst v1  }
0x4a: {  	[tilespmem:$0x10657] =	vst v1  }
0x4b: {  	[tilespmem:$0x101E7] =	vst v1  }
0x4c: {  	[tilespmem:$0x10667] =	vst v1  }
0x4d: {  	[tilespmem:$0x101F7] =	vst v1  }
0x4e: {  	[tilespmem:$0x10677] =	vst v1  }
0x4f: {  	[tilespmem:$0x10208] =	vst v1  }
0x50: {  	[tilespmem:$0x10688] =	vst v1  }
0x51: {  	[tilespmem:$0x10218] =	vst v1  }
0x52: {  	[tilespmem:$0x10698] =	vst v1  }
0x53: {  	[tilespmem:$0x10228] =	vst v1  }
0x54: {  	[tilespmem:$0x106A8] =	vst v1  }
0x55: {  	[tilespmem:$0x10238] =	vst v1  }
0x56: {  	[tilespmem:$0x106B8] =	vst v1  }
0x57: {  	[tilespmem:$0x10249] =	vst v1  }
0x58: {  	[tilespmem:$0x106C9] =	vst v1  }
0x59: {  	[tilespmem:$0x10259] =	vst v1  }
0x5a: {  	[tilespmem:$0x106D9] =	vst v1  }
0x5b: {  	[tilespmem:$0x10269] =	vst v1  }
0x5c: {  	[tilespmem:$0x106E9] =	vst v1  }
0x5d: {  	[tilespmem:$0x10279] =	vst v1  }
0x5e: {  	[tilespmem:$0x106F9] =	vst v1  }
0x5f: {  	[tilespmem:$0x1028A] =	vst v1  }
0x60: {  	[tilespmem:$0x1070A] =	vst v1  }
0x61: {  	[tilespmem:$0x1029A] =	vst v1  }
0x62: {  	[tilespmem:$0x1071A] =	vst v1  }
0x63: {  	[tilespmem:$0x102AA] =	vst v1  }
0x64: {  	[tilespmem:$0x1072A] =	vst v1  }
0x65: {  	[tilespmem:$0x102BA] =	vst v1  }
0x66: {  	[tilespmem:$0x1073A] =	vst v1  }
0x67: {  	[tilespmem:$0x102CB] =	vst v1  }
0x68: {  	[tilespmem:$0x1074B] =	vst v1  }
0x69: {  	[tilespmem:$0x102DB] =	vst v1  }
0x6a: {  	[tilespmem:$0x1075B] =	vst v1  }
0x6b: {  	[tilespmem:$0x102EB] =	vst v1  }
0x6c: {  	[tilespmem:$0x1076B] =	vst v1  }
0x6d: {  	[tilespmem:$0x102FB] =	vst v1  }
0x6e: {  	[tilespmem:$0x1077B] =	vst v1  }
0x6f: {  	[tilespmem:$0x1030C] =	vst v1  }
0x70: {  	[tilespmem:$0x1078C] =	vst v1  }
0x71: {  	[tilespmem:$0x1031C] =	vst v1  }
0x72: {  	[tilespmem:$0x1079C] =	vst v1  }
0x73: {  	[tilespmem:$0x1032C] =	vst v1  }
0x74: {  	[tilespmem:$0x107AC] =	vst v1  }
0x75: {  	[tilespmem:$0x1033C] =	vst v1  }
0x76: {  	[tilespmem:$0x107BC] =	vst v1  }
0x77: {  	[tilespmem:$0x1034D] =	vst v1  }
0x78: {  	[tilespmem:$0x107CD] =	vst v1  }
0x79: {  	[tilespmem:$0x1035D] =	vst v1  }
0x7a: {  	[tilespmem:$0x107DD] =	vst v1  }
0x7b: {  	[tilespmem:$0x1036D] =	vst v1  }
0x7c: {  	[tilespmem:$0x107ED] =	vst v1  }
0x7d: {  	[tilespmem:$0x1037D] =	vst v1  }
0x7e: {  	[tilespmem:$0x107FD] =	vst v1  }
0x7f: {  	[tilespmem:$0x1038E] =	vst v1  }
0x80: {  	[tilespmem:$0x1080E] =	vst v1  }
0x81: {  	[tilespmem:$0x1039E] =	vst v1  }
0x82: {  	[tilespmem:$0x1081E] =	vst v1  }
0x83: {  	[tilespmem:$0x103AE] =	vst v1  }
0x84: {  	[tilespmem:$0x1082E] =	vst v1  }
0x85: {  	[tilespmem:$0x103BE] =	vst v1  }
0x86: {  	[tilespmem:$0x1083E] =	vst v1  }
0x87: {  	[tilespmem:$0x103CF] =	vst v1  }
0x88: {  	[tilespmem:$0x1084F] =	vst v1  }
0x89: {  	[tilespmem:$0x103DF] =	vst v1  }
0x8a: {  	[tilespmem:$0x1085F] =	vst v1  }
0x8b: {  	[tilespmem:$0x103EF] =	vst v1  }
0x8c: {  	[tilespmem:$0x1086F] =	vst v1  }
0x8d: {  	[tilespmem:$0x103FF] =	vst v1  }
0x8e: {  	[tilespmem:$0x1087F] =	vst v1  }
0x8f: {  	[tilespmem:s4], [sflag:$0x1] =	stream.linear.gather [hbm4b:s6+s4], $0x4000, $0x38;
	[tilespmem:$0x10980] =	vst v63  }
0x90: {  	s21 =	simm.s32 $0x0  }
0x91: {  	[tilespmem:s11], [sflag:$0x1] =	stream.linear.gather [hbm4b:s7+s4], $0x4000, $0x38;
	[tilespmem:$0x10980] =	vst v63  }
.LBB2_2:
0x92: {  	s22 =	sshll.u32 s21, $0xF  }
0x93: {  	s23 =	sor.u32 s22, s5  }
0x94: {  	s23 =	sshrl.u32 s23, $0x3  }
0x95: {  	s23 =	sor.u32 $0x800, s23  }
0x96: {  	s24 =	sadd.s32 s1, s23  }
0x97: {  	[tilespmem:s12], [sflag:$0x2] =	stream.linear.gather [hbm4b:s24+s4], $0x4000, $0x38;
	[tilespmem:$0x10980] =	vst v63  }
0x98: {  	s23 =	sadd.s32 s3, s23  }
0x99: {  	[tilespmem:s13], [sflag:$0x2] =	stream.linear.gather [hbm4b:s23+s4], $0x4000, $0x38;
	[tilespmem:$0x10980] =	vst v63  }
0x9a: {  	_ =	swait.ge [sflag:s14], $0x4000  }
0x9b: {  	[sflag:s14] =	ssyncset.done $0x0  }
0x9c: {  	[sflag:s14] =	ssyncadd.s32 $0xFFFFC000  }
0x9d: {  	_ =	swait.ge [sflag:s14], $0x4000  }
0x9e: {  	[sflag:s14] =	ssyncset.done $0x0  }
0x9f: {  	s31 =	simm.s32 $0x8080;
	[sflag:s14] =	ssyncadd.s32 $0xFFFFC000  }
0xa0: {  	s23 =	simm.s32 $0x80;
	v5 =	vld [tilespmem:s31+$0x60]  }
0xa1: {  	v15 =	vld [tilespmem:s23+$0xFFFFFF90]  }
0xa2: {  	v7 =	vld [tilespmem:s23+$0xFFFFFF80]  }
0xa3: {  	v4 =	vld [tilespmem:s31+$0x70]  }
0xa4: {  	v18 =	vld [tilespmem:s23+$0xFFFFFFA0]  }
0xa5: {  	v21 =	vld [tilespmem:s23+$0xFFFFFFB0]  }
0xa6: {  	v22 =	vld [tilespmem:s23+$0xFFFFFFC0]  }
0xa7: {  	v24 =	vld [tilespmem:s23+$0xFFFFFFD0]  }
0xa8: {  	v25 =	vld [tilespmem:s23+$0xFFFFFFE0]  }
0xa9: {  	v11 =	vld [tilespmem:s23+$0xFFFFFFF0]  }
0xaa: {  	v26 =	vld [tilespmem:s23+$0x0]  }
0xab: {  	v13 =	vld [tilespmem:s23+$0x10]  }
0xac: {  	v9 =	vld [tilespmem:s31+$0xFFFFFFA0]  }
0xad: {  	v6 =	vld [tilespmem:s31+$0x10]  }
0xae: {  	v27 =	vld [tilespmem:s23+$0x20]  }
0xaf: {  	v23 =	vld [tilespmem:s31+$0xFFFFFF80]  }
0xb0: {  	v17 =	vld [tilespmem:s31+$0xFFFFFF90]  }
0xb1: {  	v10 =	vld [tilespmem:s31+$0xFFFFFFB0]  }
0xb2: {  	v8 =	vld [tilespmem:s31+$0xFFFFFFC0]  }
0xb3: {  	v12 =	vld [tilespmem:s31+$0xFFFFFFD0]  }
0xb4: {  	v14 =	vld [tilespmem:s31+$0xFFFFFFE0];
	v28 =	vmul.f32 $-1.442695020e+00, v7  }
0xb5: {  	v20 =	vld [tilespmem:s31+$0xFFFFFFF0];
	v27 =	vmul.f32 $-1.442695020e+00, v27  }
0xb6: {  	v16 =	vld [tilespmem:s31+$0x0];
	(erf) = vpow2.f32 v28  }
0xb7: {  	v19 =	vld [tilespmem:s31+$0x20];
	(erf) = vpow2.f32 v27;
	v27 =	vmul.f32 $-1.442695020e+00, v13  }
0xb8: {  	v29 =	vld [tilespmem:s23+$0x50];
	v26 =	vmul.f32 $-1.442695020e+00, v26;
	v30 =	vmul.f32 $-1.442695020e+00, v11  }
0xb9: {  	v7 =	vld [tilespmem:s31+$0x30];
	v25 =	vmul.f32 $-1.442695020e+00, v25;
	(erf) = vpow2.f32 v27  }
0xba: {  	v11 =	vld [tilespmem:s31+$0x50];
	v24 =	vmul.f32 $-1.442695020e+00, v24;
	(erf) = vpow2.f32 v26  }
0xbb: {  	v22 =	vmul.f32 $-1.442695020e+00, v22;
	v28 =	vld [tilespmem:s23+$0x40];
	(erf) = vpow2.f32 v30  }
0xbc: {  	v13 =	vld [tilespmem:s31+$0x40];
	(erf) = vpow2.f32 v25  }
0xbd: {  	v21 =	vmul.f32 $-1.442695020e+00, v21;
	v26 =	vld [tilespmem:s23+$0x70];
	(erf) = vpow2.f32 v24  }
0xbe: {  	v18 =	vmul.f32 $-1.442695020e+00, v18;
	v30 =	vld [tilespmem:s23+$0x30];
	(erf) = vpow2.f32 v22  }
0xbf: {  	v15 =	vmul.f32 $-1.442695020e+00, v15;
	v25 =	vld [tilespmem:s23+$0x60];
	v22 =	vpop (erf);
	(erf) = vpow2.f32 v21  }
0xc0: {  	v27 =	vimm.f32 $0.0e+00;
	[tilespmem:v2+s15+$0x0] =	vst.idx.add.f32.msk $0xffff, v3;
	v21 =	vadd.f32 $1.000000000e+00, v22;
	v22 =	vpop (erf);
	(erf) = vpow2.f32 v18  }
0xc1: {  	[tilespmem:v2+s16+$0x0] =	vst.idx.add.f32.msk $0xffff, v27;
	v18 =	vadd.f32 $1.000000000e+00, v22;
	(erf) = vpow2.f32 v15  }
0xc2: {  	[tilespmem:v2+s15+$0x0] =	vst.idx.add.f32.msk $0xffff, v3;
	v15 =	vmul.f32 $-1.442695020e+00, v26;
	v22 =	vpop (erf);
	(erf) = vrcp.f32 v21  }
0xc3: {  	[tilespmem:v2+s16+$0x0] =	vst.idx.add.f32.msk $0xffff, v27;
	v21 =	vmul.f32 $-1.442695020e+00, v29;
	v24 =	vpop (erf);
	(erf) = vrcp.f32 v18  }
0xc4: {  	[tilespmem:v2+s15+$0x0] =	vst.idx.add.f32.msk $0xffff, v3;
	v18 =	vmul.f32 $-1.442695020e+00, v25;
	v25 =	vpop (erf);
	(erf) = vpow2.f32 v15  }
0xc5: {  	[tilespmem:v2+s16+$0x0] =	vst.idx.add.f32.msk $0xffff, v27;
	v15 =	vadd.f32 $1.000000000e+00, v22;
	v22 =	vpop (erf);
	(erf) = vpow2.f32 v21  }
0xc6: {  	[tilespmem:v2+s15+$0x0] =	vst.idx.add.f32.msk $0xffff, v3;
	v21 =	vmul.f32 $-1.442695020e+00, v28;
	v26 =	vpop (erf);
	(erf) = vpow2.f32 v18  }
0xc7: {  	[tilespmem:v2+s16+$0x0] =	vst.idx.add.f32.msk $0xffff, v27;
	v18 =	vadd.f32 $1.000000000e+00, v24;
	v24 =	vpop (erf);
	(erf) = vrcp.f32 v15  }
0xc8: {  	[tilespmem:v2+s15+$0x0] =	vst.idx.add.f32.msk $0xffff, v3;
	v15 =	vadd.f32 $1.000000000e+00, v25;
	v25 =	vpop (erf);
	(erf) = vpow2.f32 v21  }
0xc9: {  	[tilespmem:v2+s16+$0x0] =	vst.idx.add.f32.msk $0xffff, v27;
	v21 =	vadd.f32 $1.000000000e+00, v22;
	v28 =	vpop (erf);
	(erf) = vrcp.f32 v18  }
0xca: {  	[tilespmem:v2+s15+$0x0] =	vst.idx.add.f32.msk $0xffff, v3;
	v18 =	vadd.f32 $1.000000000e+00, v26;
	v26 =	vpop (erf);
	(erf) = vrcp.f32 v15  }
0xcb: {  	[tilespmem:v2+s16+$0x0] =	vst.idx.add.f32.msk $0xffff, v27;
	v22 =	vpop (erf);
	(erf) = vrcp.f32 v21;
	v15 =	vadd.f32 $1.000000000e+00, v26  }
0xcc: {  	[tilespmem:v2+s15+$0x0] =	vst.idx.add.f32.msk $0xffff, v3;
	v21 =	vmul.f32 $3.000000000e+01, v22;
	(erf) = vrcp.f32 v18;
	v18 =	vadd.f32 $1.000000000e+00, v24  }
0xcd: {  	[tilespmem:v2+s16+$0x0] =	vst.idx.add.f32.msk $0xffff, v27;
	v32 =	vpop (erf)  }
0xce: {  	[tilespmem:v2+s15+$0x0] =	vst.idx.add.f32.msk $0xffff, v3;
	v26 =	vpop (erf);
	(erf) = vrcp.f32 v15;
	v15 =	vtrunc.f32 v21  }
0xcf: {  	[tilespmem:v2+s16+$0x0] =	vst.idx.add.f32.msk $0xffff, v27;
	v21 =	vadd.f32 $1.000000000e+00, v26;
	v26 =	vpop (erf)  }
0xd0: {  	v29 =	vmul.f32 $-1.442695020e+00, v30;
	v30 =	vadd.f32 $1.000000000e+00, v28;
	[tilespmem:v2+s15+$0x0] =	vst.idx.add.f32.msk $0xffff, v3;
	(erf) = vrcp.f32 v18;
	v18 =	vpop (erf)  }
0xd1: {  	v24 =	vadd.f32 $1.000000000e+00, v25;
	v25 =	vmul.f32 $3.000000000e+01, v32;
	[tilespmem:v2+s16+$0x0] =	vst.idx.add.f32.msk $0xffff, v27;
	v28 =	vcvt.f32.s32 v15;
	v15 =	vpop (erf)  }
0xd2: {  	[tilespmem:v2+s15+$0x0] =	vst.idx.add.f32.msk $0xffff, v3;
	(erf) = vrcp.f32 v21;
	v31 =	vadd.f32 $1.000000000e+00, v18;
	v18 =	vpop (erf)  }
0xd3: {  	v25 =	vtrunc.f32 v25;
	[tilespmem:v2+s16+$0x0] =	vst.idx.add.f32.msk $0xffff, v27;
	(erf) = vrcp.f32 v24;
	v24 =	vadd.f32 $1.000000000e+00, v18;
	v18 =	vpop (erf)  }
0xd4: {  	v25 =	vcvt.f32.s32 v25;
	[tilespmem:v2+s15+$0x0] =	vst.idx.add.f32.msk $0xffff, v3;
	(erf) = vpow2.f32 v29;
	v21 =	vpop (erf)  }
0xd5: {  	v26 =	vadd.f32 $1.000000000e+00, v26;
	[tilespmem:v2+s16+$0x0] =	vst.idx.add.f32.msk $0xffff, v27;
	(erf) = vrcp.f32 v31;
	v31 =	vmul.f32 $3.000000000e+01, v21  }
0xd6: {  	v28 =	vshll.u32 v28, $0x1;
	[tilespmem:v2+s15+$0x0] =	vst.idx.add.f32.msk $0xffff, v3;
	v29 =	vmul.f32 $3.000000000e+01, v18;
	(erf) = vrcp.f32 v24  }
0xd7: {  	v28 =	vadd.s32 v28, v23;
	[tilespmem:v2+s16+$0x0] =	vst.idx.add.f32.msk $0xffff, v27;
	v23 =	vpop (erf);
	(erf) = vrcp.f32 v26;
	v26 =	vtrunc.f32 v31  }
0xd8: {  	v25 =	vshll.u32 v25, $0x1;
	[tilespmem:v2+s15+$0x0] =	vst.idx.add.f32.msk $0xffff, v3;
	v33 =	vmul.f32 $3.000000000e+01, v23;
	v62 =	vcvt.f32.s32 v26  }
0xd9: {  	v36 =	vmul.f32 $3.000000000e+01, v15;
	v19 =	vadd.s32 v25, v19;
	[tilespmem:v2+s16+$0x0] =	vst.idx.add.f32.msk $0xffff, v27;
	v24 =	vpop (erf)  }
0xda: {  	[tilespmem:v2+s15+$0x0] =	vst.idx.add.f32.msk $0xffff, v3;
	v63 =	vtrunc.f32 v29;
	v25 =	vtrunc.f32 v33;
	v31 =	vpop (erf);
	v33 =	vshll.u32 v62, $0x1  }
0xdb: {  	[tilespmem:v2+s16+$0x0] =	vst.idx.add.f32.msk $0xffff, v27;
	(erf) = vrcp.f32 v30;
	v34 =	vmul.f32 $3.000000000e+01, v24;
	v26 =	vpop (erf);
	v20 =	vadd.s32 v33, v20  }
0xdc: {  	v28 =	vadd.s32 v0, v28;
	[tilespmem:v2+s15+$0x0] =	vst.idx.add.f32.msk $0xffff, v3;
	v42 =	vcvt.f32.s32 v25;
	v25 =	vmul.f32 $3.000000000e+01, v31;
	v35 =	vpop (erf)  }
0xdd: {  	v19 =	vadd.s32 v0, v19;
	v37 =	vcvt.f32.s32 v63;
	[tilespmem:v2+s16+$0x0] =	vst.idx.add.f32.msk $0xffff, v27;
	v38 =	vtrunc.f32 v34;
	v33 =	vpop (erf)  }
0xde: {  	[tilespmem:v2+s15+$0x0] =	vst.idx.add.f32.msk $0xffff, v3;
	v29 =	vmul.f32 $3.000000000e+01, v26;
	v30 =	vtrunc.f32 v25;
	v25 =	vadd.s32 v0, v20;
	v20 =	vpop (erf)  }
0xdf: {  	s25 =	simm.s32 $0x8180;
	s24 =	simm.s32 $0x0;
	[tilespmem:v2+s16+$0x0] =	vst.idx.add.f32.msk $0xffff, v27;
	v40 =	vmul.f32 $3.000000000e+01, v35;
	v43 =	vcvt.f32.s32 v30;
	v41 =	vadd.f32 $1.000000000e+00, v20;
	v20 =	vpop (erf)  }
.LBB2_3:
0xe0: {  	v39 =	vld [tilespmem:s25+$0x60];
	s24 =	sadd.s32 $0x10, s24;
	v44 =	vmul.f32 $3.000000000e+01, v33;
	v46 =	vtrunc.f32 v29;
	s23 =	sadd.s32 $0x100, s23;
	v30 =	vpop (erf);
	v34 =	vmov v32  }
0xe1: {  	v32 =	vshll.u32 v42, $0x1;
	v45 =	vld [tilespmem:s23+$0xFFFFFF90];
	p0 =	slt.u32 s24, $0x3F0;
	v47 =	vshll.u32 v43, $0x1;
	(erf) = vrcp.f32 v41;
	v29 =	vpop (erf)  }
0xe2: {  	v27 =	vmovc v35;
	v42 =	vmul.f32 $3.000000000e+01, v30;
	v41 =	vld [tilespmem:s23+$0xFFFFFF80];
	v17 =	vadd.s32 v47, v17;
	v43 =	vmul.f32 $3.000000000e+01, v29  }
0xe3: {  	v35 =	vcvt.f32.s32 v38;
	v51 =	vld [tilespmem:s25+$0x70];
	v47 =	vadd.s32 v0, v17;
	v17 =	vtrunc.f32 v44  }
0xe4: {  	v37 =	vshll.u32 v37, $0x1;
	v38 =	vtrunc.f32 v42;
	v50 =	vld [tilespmem:s23+$0xFFFFFFA0];
	v17 =	vcvt.f32.s32 v17  }
0xe5: {  	v16 =	vadd.s32 v37, v16;
	v37 =	vcvt.f32.s32 v38;
	v38 =	vtrunc.f32 v43;
	v52 =	vld [tilespmem:s23+$0xFFFFFFB0]  }
0xe6: {  	v35 =	vshll.u32 v35, $0x1;
	v38 =	vcvt.f32.s32 v38;
	v53 =	vld [tilespmem:s23+$0xFFFFFFC0];
	v17 =	vshll.u32 v17, $0x1;
	v49 =	vpop (erf)  }
0xe7: {  	v14 =	vadd.s32 v32, v14;
	v32 =	vshll.u32 v37, $0x1;
	v54 =	vld [tilespmem:s23+$0xFFFFFFD0];
	v42 =	vmul.f32 $3.000000000e+01, v49  }
0xe8: {  	v12 =	vadd.s32 v35, v12;
	v37 =	vcvt.f32.s32 v46;
	v13 =	vadd.s32 v32, v13;
	v55 =	vld [tilespmem:s23+$0xFFFFFFE0]  }
0xe9: {  	v32 =	vadd.s32 v0, v14;
	v35 =	vadd.s32 v0, v13;
	v13 =	vshll.u32 v38, $0x1;
	v56 =	vld [tilespmem:s23+$0xFFFFFFF0]  }
0xea: {  	v44 =	vshll.u32 v37, $0x1;
	v14 =	vtrunc.f32 v42;
	v11 =	vadd.s32 v13, v11;
	v57 =	vld [tilespmem:s23+$0x0];
	v38 =	vpop (erf)  }
0xeb: {  	v43 =	vadd.s32 v0, v16;
	v14 =	vcvt.f32.s32 v14;
	v37 =	vadd.s32 v0, v11;
	v13 =	vld [tilespmem:s23+$0x10]  }
0xec: {  	v48 =	vadd.s32 v0, v12;
	v12 =	vtrunc.f32 v36;
	v11 =	vld [tilespmem:s25+$0xFFFFFFA0]  }
0xed: {  	v10 =	vadd.s32 v17, v10;
	v17 =	vmul.f32 $3.000000000e+01, v38;
	v14 =	vshll.u32 v14, $0x1;
	v16 =	vld [tilespmem:s25+$0x10]  }
0xee: {  	v12 =	vcvt.f32.s32 v12;
	v9 =	vadd.s32 v14, v9;
	v14 =	vmul.f32 $3.000000000e+01, v20;
	v46 =	vld [tilespmem:s23+$0x20]  }
0xef: {  	v59 =	vadd.s32 v0, v10;
	v36 =	vtrunc.f32 v17;
	v58 =	vadd.s32 v0, v9;
	v42 =	vld [tilespmem:s25+$0xFFFFFF80]  }
0xf0: {  	v61 =	vshll.u32 v12, $0x1;
	v12 =	vtrunc.f32 v14;
	v17 =	vld [tilespmem:s25+$0xFFFFFF90]  }
0xf1: {  	v14 =	vadd.s32 v61, v6;
	v60 =	vcvt.f32.s32 v12;
	v12 =	vtrunc.f32 v40;
	v10 =	vld [tilespmem:s25+$0xFFFFFFB0];
	v9 =	vmovc v11  }
0xf2: {  	v40 =	vcvt.f32.s32 v36;
	v11 =	vadd.s32 v44, v8;
	v44 =	vcvt.f32.s32 v12;
	v8 =	vld [tilespmem:s25+$0xFFFFFFC0];
	v6 =	vmovc v16  }
0xf3: {  	v36 =	vadd.s32 v0, v14;
	v61 =	vadd.s32 v0, v11;
	v11 =	vshll.u32 v60, $0x1;
	v12 =	vld [tilespmem:s25+$0xFFFFFFD0]  }
0xf4: {  	v60 =	vmul.f32 $-1.442695020e+00, v41;
	v16 =	vshll.u32 v40, $0x1;
	v11 =	vadd.s32 v11, v5;
	v5 =	vmovc v39;
	v14 =	vld [tilespmem:s25+$0xFFFFFFE0]  }
0xf5: {  	v7 =	vadd.s32 v16, v7;
	v41 =	vadd.s32 v0, v11;
	v11 =	vshll.u32 v44, $0x1;
	v40 =	vld [tilespmem:s25+$0xFFFFFFF0]  }
0xf6: {  	v62 =	vmul.f32 $-1.442695020e+00, v46;
	v11 =	vadd.s32 v11, v4;
	v4 =	vmovc v51;
	v16 =	vld [tilespmem:s25+$0x0];
	(erf) = vpow2.f32 v60  }
0xf7: {  	v46 =	vadd.s32 v0, v7;
	v39 =	vadd.s32 v0, v11;
	v44 =	vld [tilespmem:s25+$0x20]  }
0xf8: {  	v7 =	vld [tilespmem:s25+$0x30];
	(erf) = vpow2.f32 v62  }
0xf9: {  	v11 =	vmul.f32 $-1.442695020e+00, v13;
	v51 =	vld [tilespmem:s23+$0x40]  }
0xfa: {  	v57 =	vmul.f32 $-1.442695020e+00, v57;
	v13 =	vld [tilespmem:s25+$0x40]  }
0xfb: {  	v56 =	vmul.f32 $-1.442695020e+00, v56;
	v60 =	vld [tilespmem:s23+$0x50];
	(erf) = vpow2.f32 v11  }
0xfc: {  	v55 =	vmul.f32 $-1.442695020e+00, v55;
	v11 =	vld [tilespmem:s25+$0x50];
	(erf) = vpow2.f32 v57  }
0xfd: {  	v54 =	vmul.f32 $-1.442695020e+00, v54;
	v57 =	vld [tilespmem:s23+$0x70];
	(erf) = vpow2.f32 v56  }
0xfe: {  	v53 =	vmul.f32 $-1.442695020e+00, v53;
	v56 =	vld [tilespmem:s23+$0x30];
	(erf) = vpow2.f32 v55  }
0xff: {  	v52 =	vmul.f32 $-1.442695020e+00, v52;
	v55 =	vld [tilespmem:s23+$0x60];
	v62 =	vpop (erf);
	(erf) = vpow2.f32 v54  }
0x100: {  	v50 =	vmul.f32 $-1.442695020e+00, v50;
	v54 =	vadd.f32 $1.000000000e+00, v62;
	[tilespmem:v28+s15+$0x0] =	vst.idx.add.f32.msk $0xffff, v3;
	(erf) = vpow2.f32 v53  }
0x101: {  	v45 =	vmul.f32 $-1.442695020e+00, v45;
	[tilespmem:v28+s16+$0x0] =	vst.idx.add.f32.msk $0xffff, v22;
	(erf) = vpow2.f32 v52;
	v22 =	vpop (erf)  }
0x102: {  	v22 =	vadd.f32 $1.000000000e+00, v22;
	[tilespmem:v47+s15+$0x0] =	vst.idx.add.f32.msk $0xffff, v3;
	(erf) = vpow2.f32 v50  }
0x103: {  	v28 =	vmul.f32 $-1.442695020e+00, v57;
	[tilespmem:v47+s16+$0x0] =	vst.idx.add.f32.msk $0xffff, v31;
	(erf) = vpow2.f32 v45  }
0x104: {  	v31 =	vmul.f32 $-1.442695020e+00, v56;
	v45 =	vmul.f32 $-1.442695020e+00, v55;
	[tilespmem:v58+s15+$0x0] =	vst.idx.add.f32.msk $0xffff, v3;
	v47 =	vpop (erf)  }
0x105: {  	v50 =	vmul.f32 $-1.442695020e+00, v60;
	v47 =	vadd.f32 $1.000000000e+00, v47;
	[tilespmem:v58+s16+$0x0] =	vst.idx.add.f32.msk $0xffff, v49;
	(erf) = vrcp.f32 v54;
	v49 =	vpop (erf)  }
0x106: {  	v51 =	vmul.f32 $-1.442695020e+00, v51;
	v49 =	vadd.f32 $1.000000000e+00, v49;
	[tilespmem:v59+s15+$0x0] =	vst.idx.add.f32.msk $0xffff, v3;
	v52 =	vpop (erf);
	(erf) = vrcp.f32 v22  }
0x107: {  	v22 =	vadd.f32 $1.000000000e+00, v52;
	[tilespmem:v59+s16+$0x0] =	vst.idx.add.f32.msk $0xffff, v33;
	v33 =	vpop (erf);
	(erf) = vpow2.f32 v28  }
0x108: {  	v28 =	vadd.f32 $1.000000000e+00, v33;
	[tilespmem:v61+s15+$0x0] =	vst.idx.add.f32.msk $0xffff, v3;
	v33 =	vpop (erf);
	(erf) = vpow2.f32 v50  }
0x109: {  	v33 =	vadd.f32 $1.000000000e+00, v33;
	[tilespmem:v61+s16+$0x0] =	vst.idx.add.f32.msk $0xffff, v26;
	v26 =	vpop (erf);
	(erf) = vpow2.f32 v45  }
0x10a: {  	v26 =	vadd.f32 $1.000000000e+00, v26;
	[tilespmem:v48+s15+$0x0] =	vst.idx.add.f32.msk $0xffff, v3;
	v45 =	vpop (erf);
	(erf) = vrcp.f32 v47  }
0x10b: {  	v45 =	vadd.f32 $1.000000000e+00, v45;
	[tilespmem:v48+s16+$0x0] =	vst.idx.add.f32.msk $0xffff, v24;
	v24 =	vpop (erf);
	(erf) = vpow2.f32 v51  }
0x10c: {  	v47 =	vadd.f32 $1.000000000e+00, v24;
	[tilespmem:v32+s15+$0x0] =	vst.idx.add.f32.msk $0xffff, v3;
	v24 =	vpop (erf);
	(erf) = vrcp.f32 v49  }
0x10d: {  	v48 =	vadd.f32 $1.000000000e+00, v24;
	[tilespmem:v32+s16+$0x0] =	vst.idx.add.f32.msk $0xffff, v23;
	(erf) = vrcp.f32 v22  }
0x10e: {  	[tilespmem:v25+s15+$0x0] =	vst.idx.add.f32.msk $0xffff, v3;
	v22 =	vpop (erf);
	(erf) = vrcp.f32 v28  }
0x10f: {  	v23 =	vmul.f32 $3.000000000e+01, v22;
	[tilespmem:v25+s16+$0x0] =	vst.idx.add.f32.msk $0xffff, v21;
	(erf) = vrcp.f32 v33;
	v32 =	vpop (erf)  }
0x110: {  	v21 =	vmul.f32 $3.000000000e+01, v32;
	[tilespmem:v43+s15+$0x0] =	vst.idx.add.f32.msk $0xffff, v3;
	(erf) = vrcp.f32 v48;
	v24 =	vpop (erf)  }
0x111: {  	v23 =	vtrunc.f32 v23;
	v24 =	vadd.f32 $1.000000000e+00, v24;
	[tilespmem:v43+s16+$0x0] =	vst.idx.add.f32.msk $0xffff, v18;
	(erf) = vrcp.f32 v26;
	v18 =	vpop (erf)  }
0x112: {  	v23 =	vcvt.f32.s32 v23;
	v28 =	vtrunc.f32 v21;
	v25 =	vadd.f32 $1.000000000e+00, v18;
	[tilespmem:v36+s15+$0x0] =	vst.idx.add.f32.msk $0xffff, v3;
	v18 =	vpop (erf)  }
0x113: {  	v26 =	vcvt.f32.s32 v28;
	v33 =	vadd.f32 $1.000000000e+00, v18;
	[tilespmem:v36+s16+$0x0] =	vst.idx.add.f32.msk $0xffff, v15;
	v15 =	vpop (erf);
	(erf) = vrcp.f32 v24  }
0x114: {  	v28 =	vshll.u32 v23, $0x1;
	v36 =	vmul.f32 $3.000000000e+01, v15;
	[tilespmem:v19+s15+$0x0] =	vst.idx.add.f32.msk $0xffff, v3;
	(erf) = vrcp.f32 v45;
	v21 =	vpop (erf)  }
0x115: {  	v42 =	vadd.s32 v28, v42;
	v43 =	vadd.f32 $1.000000000e+00, v21;
	[tilespmem:v19+s16+$0x0] =	vst.idx.add.f32.msk $0xffff, v34;
	v18 =	vpop (erf);
	(erf) = vpow2.f32 v31  }
0x116: {  	v28 =	vadd.s32 v0, v42;
	v34 =	vmul.f32 $3.000000000e+01, v18;
	[tilespmem:v46+s15+$0x0] =	vst.idx.add.f32.msk $0xffff, v3;
	v21 =	vpop (erf);
	(erf) = vrcp.f32 v33  }
0x117: {  	v26 =	vshll.u32 v26, $0x1;
	v19 =	vmul.f32 $3.000000000e+01, v21;
	[tilespmem:v46+s16+$0x0] =	vst.idx.add.f32.msk $0xffff, v38;
	v23 =	vpop (erf);
	(erf) = vrcp.f32 v43  }
0x118: {  	v42 =	vadd.s32 v26, v44;
	v33 =	vmul.f32 $3.000000000e+01, v23;
	[tilespmem:v35+s15+$0x0] =	vst.idx.add.f32.msk $0xffff, v3;
	v24 =	vpop (erf);
	(erf) = vrcp.f32 v25  }
0x119: {  	v25 =	vmul.f32 $3.000000000e+01, v24;
	v38 =	vtrunc.f32 v19;
	v19 =	vadd.s32 v0, v42;
	[tilespmem:v35+s16+$0x0] =	vst.idx.add.f32.msk $0xffff, v30;
	v31 =	vpop (erf)  }
0x11a: {  	v30 =	vtrunc.f32 v33;
	v43 =	vcvt.f32.s32 v38;
	[tilespmem:v37+s15+$0x0] =	vst.idx.add.f32.msk $0xffff, v3;
	v26 =	vpop (erf)  }
.Ltmp0:
0x11b: {  	v38 =	vtrunc.f32 v25;
	v42 =	vcvt.f32.s32 v30;
	[tilespmem:v37+s16+$0x0] =	vst.idx.add.f32.msk $0xffff, v29;
	(pc) =	sbr.rel @p0 .LBB2_3-.Ltmp0, $4  }
0x11c: {  	v34 =	vtrunc.f32 v34;
	v25 =	vmul.f32 $3.000000000e+01, v31;
	v43 =	vshll.u32 v43, $0x1;
	[tilespmem:v41+s15+$0x0] =	vst.idx.add.f32.msk $0xffff, v3;
	v35 =	vpop (erf)  }
0x11d: {  	v29 =	vmul.f32 $3.000000000e+01, v26;
	v37 =	vadd.s32 v43, v40;
	[tilespmem:v41+s16+$0x0] =	vst.idx.add.f32.msk $0xffff, v20;
	(erf) = vrcp.f32 v47;
	v33 =	vpop (erf)  }
0x11e: {  	v44 =	vtrunc.f32 v25;
	v40 =	vmul.f32 $3.000000000e+01, v35;
	v25 =	vadd.s32 v0, v37;
	[tilespmem:v39+s15+$0x0] =	vst.idx.add.f32.msk $0xffff, v3;
	v30 =	vpop (erf)  }
0x11f: {  	s25 =	sadd.s32 $0x100, s25;
	v43 =	vcvt.f32.s32 v44;
	v37 =	vcvt.f32.s32 v34;
	v41 =	vadd.f32 $1.000000000e+00, v30;
	[tilespmem:v39+s16+$0x0] =	vst.idx.add.f32.msk $0xffff, v27;
	v20 =	vpop (erf)  }
0x120: {  	_ =	sdelay $0x3  }
0x121: {  	v27 =	vpop (erf)  }
0x122: {  	v30 =	vpop (erf)  }
0x123: {  	v34 =	vpop (erf)  }
0x124: {  	v39 =	vmul.f32 $3.000000000e+01, v34;
	_ =	sdelay $0x1  }
0x125: {  	v44 =	vmul.f32 $3.000000000e+01, v33;
	v39 =	vtrunc.f32 v39  }
0x126: {  	v43 =	vshll.u32 v43, $0x1;
	v39 =	vcvt.f32.s32 v39  }
0x127: {  	v17 =	vadd.s32 v43, v17;
	v58 =	vtrunc.f32 v44  }
0x128: {  	v17 =	vadd.s32 v0, v17;
	v43 =	vcvt.f32.s32 v58;
	v39 =	vshll.u32 v39, $0x1  }
0x129: {  	v29 =	vtrunc.f32 v29;
	v9 =	vadd.s32 v39, v9  }
0x12a: {  	v29 =	vcvt.f32.s32 v29;
	v59 =	vshll.u32 v43, $0x1;
	v9 =	vadd.s32 v0, v9  }
0x12b: {  	[tilespmem:v28+s15+$0x0] =	vst.idx.add.f32.msk $0xffff, v3;
	(erf) = vrcp.f32 v41;
	v10 =	vadd.s32 v59, v10  }
0x12c: {  	v38 =	vcvt.f32.s32 v38;
	[tilespmem:v28+s16+$0x0] =	vst.idx.add.f32.msk $0xffff, v22;
	v29 =	vshll.u32 v29, $0x1;
	v10 =	vadd.s32 v0, v10  }
0x12d: {  	v8 =	vadd.s32 v29, v8;
	[tilespmem:v17+s15+$0x0] =	vst.idx.add.f32.msk $0xffff, v3  }
0x12e: {  	v22 =	vshll.u32 v38, $0x1;
	v8 =	vadd.s32 v0, v8;
	[tilespmem:v17+s16+$0x0] =	vst.idx.add.f32.msk $0xffff, v31  }
0x12f: {  	v12 =	vadd.s32 v22, v12;
	[tilespmem:v9+s15+$0x0] =	vst.idx.add.f32.msk $0xffff, v3  }
0x130: {  	v12 =	vadd.s32 v0, v12;
	v17 =	vshll.u32 v42, $0x1;
	[tilespmem:v9+s16+$0x0] =	vst.idx.add.f32.msk $0xffff, v34  }
0x131: {  	v9 =	vadd.s32 v17, v14;
	[tilespmem:v10+s15+$0x0] =	vst.idx.add.f32.msk $0xffff, v3  }
0x132: {  	v9 =	vadd.s32 v0, v9;
	[tilespmem:v10+s16+$0x0] =	vst.idx.add.f32.msk $0xffff, v33  }
0x133: {  	v10 =	vtrunc.f32 v36;
	[tilespmem:v8+s15+$0x0] =	vst.idx.add.f32.msk $0xffff, v3  }
0x134: {  	v14 =	vshll.u32 v37, $0x1;
	v17 =	vpop (erf);
	v10 =	vcvt.f32.s32 v10;
	[tilespmem:v8+s16+$0x0] =	vst.idx.add.f32.msk $0xffff, v26  }
0x135: {  	v8 =	vadd.s32 v14, v16;
	v14 =	vmul.f32 $3.000000000e+01, v17;
	[tilespmem:v12+s15+$0x0] =	vst.idx.add.f32.msk $0xffff, v3  }
0x136: {  	v8 =	vadd.s32 v0, v8;
	v10 =	vshll.u32 v10, $0x1;
	[tilespmem:v12+s16+$0x0] =	vst.idx.add.f32.msk $0xffff, v24  }
0x137: {  	v12 =	vmul.f32 $3.000000000e+01, v27;
	v14 =	vtrunc.f32 v14;
	v6 =	vadd.s32 v10, v6;
	[tilespmem:v9+s15+$0x0] =	vst.idx.add.f32.msk $0xffff, v3  }
0x138: {  	v10 =	vcvt.f32.s32 v14;
	v6 =	vadd.s32 v0, v6;
	[tilespmem:v9+s16+$0x0] =	vst.idx.add.f32.msk $0xffff, v23  }
0x139: {  	v9 =	vmul.f32 $3.000000000e+01, v30;
	v12 =	vtrunc.f32 v12;
	[tilespmem:v25+s15+$0x0] =	vst.idx.add.f32.msk $0xffff, v3  }
0x13a: {  	v12 =	vcvt.f32.s32 v12;
	v10 =	vshll.u32 v10, $0x1;
	[tilespmem:v25+s16+$0x0] =	vst.idx.add.f32.msk $0xffff, v21  }
0x13b: {  	v14 =	vmul.f32 $3.000000000e+01, v20;
	v9 =	vtrunc.f32 v9;
	v7 =	vadd.s32 v10, v7;
	[tilespmem:v8+s15+$0x0] =	vst.idx.add.f32.msk $0xffff, v3  }
0x13c: {  	v9 =	vcvt.f32.s32 v9;
	v10 =	vshll.u32 v12, $0x1;
	v7 =	vadd.s32 v0, v7;
	[tilespmem:v8+s16+$0x0] =	vst.idx.add.f32.msk $0xffff, v18  }
0x13d: {  	v8 =	vadd.s32 v10, v13;
	v10 =	vtrunc.f32 v14;
	[tilespmem:v6+s15+$0x0] =	vst.idx.add.f32.msk $0xffff, v3  }
0x13e: {  	v8 =	vadd.s32 v0, v8;
	v9 =	vshll.u32 v9, $0x1;
	v10 =	vcvt.f32.s32 v10;
	[tilespmem:v6+s16+$0x0] =	vst.idx.add.f32.msk $0xffff, v15  }
0x13f: {  	v6 =	vadd.s32 v9, v11;
	v9 =	vtrunc.f32 v40;
	[tilespmem:v19+s15+$0x0] =	vst.idx.add.f32.msk $0xffff, v3  }
0x140: {  	v6 =	vadd.s32 v0, v6;
	v9 =	vcvt.f32.s32 v9;
	v10 =	vshll.u32 v10, $0x1;
	[tilespmem:v19+s16+$0x0] =	vst.idx.add.f32.msk $0xffff, v32  }
0x141: {  	v5 =	vadd.s32 v10, v5;
	[tilespmem:v7+s15+$0x0] =	vst.idx.add.f32.msk $0xffff, v3  }
0x142: {  	v5 =	vadd.s32 v0, v5;
	v9 =	vshll.u32 v9, $0x1;
	[tilespmem:v7+s16+$0x0] =	vst.idx.add.f32.msk $0xffff, v17  }
0x143: {  	v4 =	vadd.s32 v9, v4;
	[tilespmem:v8+s15+$0x0] =	vst.idx.add.f32.msk $0xffff, v3  }
0x144: {  	v4 =	vadd.s32 v0, v4;
	[tilespmem:v8+s16+$0x0] =	vst.idx.add.f32.msk $0xffff, v27  }
0x145: {  	[tilespmem:v6+s15+$0x0] =	vst.idx.add.f32.msk $0xffff, v3  }
0x146: {  	[tilespmem:v6+s16+$0x0] =	vst.idx.add.f32.msk $0xffff, v30  }
0x147: {  	p0 =	seq.s32 s21, $0xF;
	[tilespmem:v5+s15+$0x0] =	vst.idx.add.f32.msk $0xffff, v3  }
0x148: {  	s22 =	sadd.s32 @!p0 s22, s8;
	[tilespmem:v5+s16+$0x0] =	vst.idx.add.f32.msk $0xffff, v20  }
0x149: {  	s22 =	sshrl.u32 @!p0 s22, $0x3;
	[tilespmem:v4+s15+$0x0] =	vst.idx.add.f32.msk $0xffff, v3  }
0x14a: {  	s24 =	simm.s32 @!p0 $0x0;
	s23 =	sadd.s32 @!p0 s1, s22;
	[tilespmem:v4+s16+$0x0] =	vst.idx.add.f32.msk $0xffff, v35  }
0x14b: {  	[tilespmem:s24], [sflag:$0x1] =	stream.linear.gather @!p0 [hbm4b:s23+s24], $0x4000, $0x38;
	[tilespmem:$0x10980] =	vst v63  }
0x14c: {  	s22 =	sadd.s32 @!p0 s3, s22;
	s23 =	simm.s32 @!p0 $0x8000  }
0x14d: {  	[tilespmem:s23], [sflag:$0x1] =	stream.linear.gather @!p0 [hbm4b:s22+s24], $0x4000, $0x38;
	[tilespmem:$0x10980] =	vst v63  }
0x14e: {  	_ =	swait.ge [sflag:s17], $0x4000  }
0x14f: {  	[sflag:s17] =	ssyncset.done $0x0  }
0x150: {  	[sflag:s17] =	ssyncadd.s32 $0xFFFFC000  }
0x151: {  	_ =	swait.ge [sflag:s17], $0x4000  }
0x152: {  	[sflag:s17] =	ssyncset.done $0x0  }
0x153: {  	s31 =	simm.s32 $0xC080;
	[sflag:s17] =	ssyncadd.s32 $0xFFFFC000  }
0x154: {  	s22 =	simm.s32 $0x4080;
	v5 =	vld [tilespmem:s31+$0x60]  }
0x155: {  	v15 =	vld [tilespmem:s22+$0xFFFFFF90]  }
0x156: {  	v7 =	vld [tilespmem:s22+$0xFFFFFF80]  }
0x157: {  	v4 =	vld [tilespmem:s31+$0x70]  }
0x158: {  	v18 =	vld [tilespmem:s22+$0xFFFFFFA0]  }
0x159: {  	v21 =	vld [tilespmem:s22+$0xFFFFFFB0]  }
0x15a: {  	v22 =	vld [tilespmem:s22+$0xFFFFFFC0]  }
0x15b: {  	v24 =	vld [tilespmem:s22+$0xFFFFFFD0]  }
0x15c: {  	v25 =	vld [tilespmem:s22+$0xFFFFFFE0]  }
0x15d: {  	v11 =	vld [tilespmem:s22+$0xFFFFFFF0]  }
0x15e: {  	v26 =	vld [tilespmem:s22+$0x0]  }
0x15f: {  	v13 =	vld [tilespmem:s22+$0x10]  }
0x160: {  	v9 =	vld [tilespmem:s31+$0xFFFFFFA0]  }
0x161: {  	v6 =	vld [tilespmem:s31+$0x10]  }
0x162: {  	v27 =	vld [tilespmem:s22+$0x20]  }
0x163: {  	v23 =	vld [tilespmem:s31+$0xFFFFFF80]  }
0x164: {  	v17 =	vld [tilespmem:s31+$0xFFFFFF90]  }
0x165: {  	v10 =	vld [tilespmem:s31+$0xFFFFFFB0]  }
0x166: {  	v8 =	vld [tilespmem:s31+$0xFFFFFFC0]  }
0x167: {  	v12 =	vld [tilespmem:s31+$0xFFFFFFD0]  }
0x168: {  	v14 =	vld [tilespmem:s31+$0xFFFFFFE0];
	v28 =	vmul.f32 $-1.442695020e+00, v7  }
0x169: {  	v20 =	vld [tilespmem:s31+$0xFFFFFFF0];
	v27 =	vmul.f32 $-1.442695020e+00, v27  }
0x16a: {  	v16 =	vld [tilespmem:s31+$0x0];
	(erf) = vpow2.f32 v28  }
0x16b: {  	v19 =	vld [tilespmem:s31+$0x20];
	(erf) = vpow2.f32 v27;
	v27 =	vmul.f32 $-1.442695020e+00, v13  }
0x16c: {  	v29 =	vld [tilespmem:s22+$0x50];
	v26 =	vmul.f32 $-1.442695020e+00, v26;
	v30 =	vmul.f32 $-1.442695020e+00, v11  }
0x16d: {  	v7 =	vld [tilespmem:s31+$0x30];
	v25 =	vmul.f32 $-1.442695020e+00, v25;
	(erf) = vpow2.f32 v27  }
0x16e: {  	v11 =	vld [tilespmem:s31+$0x50];
	v24 =	vmul.f32 $-1.442695020e+00, v24;
	(erf) = vpow2.f32 v26  }
0x16f: {  	v22 =	vmul.f32 $-1.442695020e+00, v22;
	v28 =	vld [tilespmem:s22+$0x40];
	(erf) = vpow2.f32 v30  }
0x170: {  	v13 =	vld [tilespmem:s31+$0x40];
	(erf) = vpow2.f32 v25  }
0x171: {  	v21 =	vmul.f32 $-1.442695020e+00, v21;
	v26 =	vld [tilespmem:s22+$0x70];
	(erf) = vpow2.f32 v24  }
0x172: {  	v18 =	vmul.f32 $-1.442695020e+00, v18;
	v30 =	vld [tilespmem:s22+$0x30];
	(erf) = vpow2.f32 v22  }
0x173: {  	v15 =	vmul.f32 $-1.442695020e+00, v15;
	v25 =	vld [tilespmem:s22+$0x60];
	v22 =	vpop (erf);
	(erf) = vpow2.f32 v21  }
0x174: {  	v27 =	vimm.f32 $0.0e+00;
	[tilespmem:v2+s15+$0x0] =	vst.idx.add.f32.msk $0xffff, v3;
	v21 =	vadd.f32 $1.000000000e+00, v22;
	v22 =	vpop (erf);
	(erf) = vpow2.f32 v18  }
0x175: {  	[tilespmem:v2+s16+$0x0] =	vst.idx.add.f32.msk $0xffff, v27;
	v18 =	vadd.f32 $1.000000000e+00, v22;
	(erf) = vpow2.f32 v15  }
0x176: {  	[tilespmem:v2+s15+$0x0] =	vst.idx.add.f32.msk $0xffff, v3;
	v15 =	vmul.f32 $-1.442695020e+00, v26;
	v22 =	vpop (erf);
	(erf) = vrcp.f32 v21  }
0x177: {  	[tilespmem:v2+s16+$0x0] =	vst.idx.add.f32.msk $0xffff, v27;
	v21 =	vmul.f32 $-1.442695020e+00, v29;
	v24 =	vpop (erf);
	(erf) = vrcp.f32 v18  }
0x178: {  	[tilespmem:v2+s15+$0x0] =	vst.idx.add.f32.msk $0xffff, v3;
	v18 =	vmul.f32 $-1.442695020e+00, v25;
	v25 =	vpop (erf);
	(erf) = vpow2.f32 v15  }
0x179: {  	[tilespmem:v2+s16+$0x0] =	vst.idx.add.f32.msk $0xffff, v27;
	v15 =	vadd.f32 $1.000000000e+00, v22;
	v22 =	vpop (erf);
	(erf) = vpow2.f32 v21  }
0x17a: {  	[tilespmem:v2+s15+$0x0] =	vst.idx.add.f32.msk $0xffff, v3;
	v21 =	vmul.f32 $-1.442695020e+00, v28;
	v26 =	vpop (erf);
	(erf) = vpow2.f32 v18  }
0x17b: {  	[tilespmem:v2+s16+$0x0] =	vst.idx.add.f32.msk $0xffff, v27;
	v18 =	vadd.f32 $1.000000000e+00, v24;
	v24 =	vpop (erf);
	(erf) = vrcp.f32 v15  }
0x17c: {  	[tilespmem:v2+s15+$0x0] =	vst.idx.add.f32.msk $0xffff, v3;
	v15 =	vadd.f32 $1.000000000e+00, v25;
	v25 =	vpop (erf);
	(erf) = vpow2.f32 v21  }
0x17d: {  	[tilespmem:v2+s16+$0x0] =	vst.idx.add.f32.msk $0xffff, v27;
	v21 =	vadd.f32 $1.000000000e+00, v22;
	v28 =	vpop (erf);
	(erf) = vrcp.f32 v18  }
0x17e: {  	[tilespmem:v2+s15+$0x0] =	vst.idx.add.f32.msk $0xffff, v3;
	v18 =	vadd.f32 $1.000000000e+00, v26;
	v26 =	vpop (erf);
	(erf) = vrcp.f32 v15  }
0x17f: {  	[tilespmem:v2+s16+$0x0] =	vst.idx.add.f32.msk $0xffff, v27;
	v22 =	vpop (erf);
	(erf) = vrcp.f32 v21;
	v15 =	vadd.f32 $1.000000000e+00, v26  }
0x180: {  	[tilespmem:v2+s15+$0x0] =	vst.idx.add.f32.msk $0xffff, v3;
	v21 =	vmul.f32 $3.000000000e+01, v22;
	(erf) = vrcp.f32 v18;
	v18 =	vadd.f32 $1.000000000e+00, v24  }
0x181: {  	[tilespmem:v2+s16+$0x0] =	vst.idx.add.f32.msk $0xffff, v27;
	v32 =	vpop (erf)  }
0x182: {  	[tilespmem:v2+s15+$0x0] =	vst.idx.add.f32.msk $0xffff, v3;
	v26 =	vpop (erf);
	(erf) = vrcp.f32 v15;
	v15 =	vtrunc.f32 v21  }
0x183: {  	[tilespmem:v2+s16+$0x0] =	vst.idx.add.f32.msk $0xffff, v27;
	v21 =	vadd.f32 $1.000000000e+00, v26;
	v26 =	vpop (erf)  }
0x184: {  	v29 =	vmul.f32 $-1.442695020e+00, v30;
	[tilespmem:v2+s15+$0x0] =	vst.idx.add.f32.msk $0xffff, v3;
	(erf) = vrcp.f32 v18;
	v18 =	vpop (erf)  }
0x185: {  	v30 =	vadd.f32 $1.000000000e+00, v28;
	v24 =	vadd.f32 $1.000000000e+00, v25;
	[tilespmem:v2+s16+$0x0] =	vst.idx.add.f32.msk $0xffff, v27;
	v28 =	vcvt.f32.s32 v15;
	v15 =	vpop (erf)  }
0x186: {  	v25 =	vmul.f32 $3.000000000e+01, v32;
	[tilespmem:v2+s15+$0x0] =	vst.idx.add.f32.msk $0xffff, v3;
	(erf) = vrcp.f32 v21;
	v31 =	vadd.f32 $1.000000000e+00, v18;
	v18 =	vpop (erf)  }
0x187: {  	[tilespmem:v2+s16+$0x0] =	vst.idx.add.f32.msk $0xffff, v27;
	(erf) = vrcp.f32 v24;
	v24 =	vadd.f32 $1.000000000e+00, v18;
	v18 =	vpop (erf)  }
0x188: {  	v25 =	vtrunc.f32 v25;
	[tilespmem:v2+s15+$0x0] =	vst.idx.add.f32.msk $0xffff, v3;
	(erf) = vpow2.f32 v29;
	v21 =	vpop (erf)  }
0x189: {  	v26 =	vadd.f32 $1.000000000e+00, v26;
	[tilespmem:v2+s16+$0x0] =	vst.idx.add.f32.msk $0xffff, v27;
	(erf) = vrcp.f32 v31;
	v31 =	vmul.f32 $3.000000000e+01, v21  }
0x18a: {  	v25 =	vcvt.f32.s32 v25;
	v28 =	vshll.u32 v28, $0x1;
	[tilespmem:v2+s15+$0x0] =	vst.idx.add.f32.msk $0xffff, v3;
	(erf) = vrcp.f32 v24  }
0x18b: {  	v28 =	vadd.s32 v28, v23;
	[tilespmem:v2+s16+$0x0] =	vst.idx.add.f32.msk $0xffff, v27;
	(erf) = vrcp.f32 v26;
	v26 =	vtrunc.f32 v31  }
0x18c: {  	v25 =	vshll.u32 v25, $0x1;
	v29 =	vmul.f32 $3.000000000e+01, v18;
	[tilespmem:v2+s15+$0x0] =	vst.idx.add.f32.msk $0xffff, v3;
	v23 =	vpop (erf);
	v62 =	vcvt.f32.s32 v26  }
0x18d: {  	v36 =	vmul.f32 $3.000000000e+01, v15;
	v19 =	vadd.s32 v25, v19;
	[tilespmem:v2+s16+$0x0] =	vst.idx.add.f32.msk $0xffff, v27;
	v60 =	vmul.f32 $3.000000000e+01, v23;
	v24 =	vpop (erf)  }
0x18e: {  	[tilespmem:v2+s15+$0x0] =	vst.idx.add.f32.msk $0xffff, v3;
	v63 =	vtrunc.f32 v29;
	(erf) = vrcp.f32 v30;
	v31 =	vpop (erf);
	v33 =	vshll.u32 v62, $0x1  }
0x18f: {  	[tilespmem:v2+s16+$0x0] =	vst.idx.add.f32.msk $0xffff, v27;
	v61 =	vmul.f32 $3.000000000e+01, v24;
	v25 =	vtrunc.f32 v60;
	v26 =	vpop (erf);
	v20 =	vadd.s32 v33, v20  }
0x190: {  	v28 =	vadd.s32 v0, v28;
	[tilespmem:v2+s15+$0x0] =	vst.idx.add.f32.msk $0xffff, v3;
	v42 =	vcvt.f32.s32 v25;
	v25 =	vmul.f32 $3.000000000e+01, v31;
	v35 =	vpop (erf)  }
0x191: {  	v19 =	vadd.s32 v0, v19;
	v37 =	vcvt.f32.s32 v63;
	[tilespmem:v2+s16+$0x0] =	vst.idx.add.f32.msk $0xffff, v27;
	v38 =	vtrunc.f32 v61;
	v33 =	vpop (erf)  }
0x192: {  	[tilespmem:v2+s15+$0x0] =	vst.idx.add.f32.msk $0xffff, v3;
	v29 =	vmul.f32 $3.000000000e+01, v26;
	v30 =	vtrunc.f32 v25;
	v25 =	vadd.s32 v0, v20;
	v20 =	vpop (erf)  }
0x193: {  	s23 =	simm.s32 $0x0;
	s24 =	simm.s32 $0xC180;
	[tilespmem:v2+s16+$0x0] =	vst.idx.add.f32.msk $0xffff, v27;
	v40 =	vmul.f32 $3.000000000e+01, v35;
	v43 =	vcvt.f32.s32 v30;
	v41 =	vadd.f32 $1.000000000e+00, v20;
	v20 =	vpop (erf)  }
.LBB2_5:
0x194: {  	v39 =	vld [tilespmem:s24+$0x60];
	s23 =	sadd.s32 $0x10, s23;
	v44 =	vmul.f32 $3.000000000e+01, v33;
	v46 =	vtrunc.f32 v29;
	s22 =	sadd.s32 $0x100, s22;
	v30 =	vpop (erf);
	v34 =	vmov v32  }
0x195: {  	v32 =	vshll.u32 v42, $0x1;
	v45 =	vld [tilespmem:s22+$0xFFFFFF90];
	p0 =	slt.u32 s23, $0x3F0;
	v47 =	vshll.u32 v43, $0x1;
	(erf) = vrcp.f32 v41;
	v29 =	vpop (erf)  }
0x196: {  	v27 =	vmovc v35;
	v42 =	vmul.f32 $3.000000000e+01, v30;
	v41 =	vld [tilespmem:s22+$0xFFFFFF80];
	v17 =	vadd.s32 v47, v17;
	v43 =	vmul.f32 $3.000000000e+01, v29  }
0x197: {  	v35 =	vcvt.f32.s32 v38;
	v51 =	vld [tilespmem:s24+$0x70];
	v47 =	vadd.s32 v0, v17;
	v17 =	vtrunc.f32 v44  }
0x198: {  	v37 =	vshll.u32 v37, $0x1;
	v38 =	vtrunc.f32 v42;
	v50 =	vld [tilespmem:s22+$0xFFFFFFA0];
	v17 =	vcvt.f32.s32 v17  }
0x199: {  	v16 =	vadd.s32 v37, v16;
	v37 =	vcvt.f32.s32 v38;
	v38 =	vtrunc.f32 v43;
	v52 =	vld [tilespmem:s22+$0xFFFFFFB0]  }
0x19a: {  	v35 =	vshll.u32 v35, $0x1;
	v38 =	vcvt.f32.s32 v38;
	v53 =	vld [tilespmem:s22+$0xFFFFFFC0];
	v17 =	vshll.u32 v17, $0x1;
	v49 =	vpop (erf)  }
0x19b: {  	v14 =	vadd.s32 v32, v14;
	v32 =	vshll.u32 v37, $0x1;
	v54 =	vld [tilespmem:s22+$0xFFFFFFD0];
	v42 =	vmul.f32 $3.000000000e+01, v49  }
0x19c: {  	v12 =	vadd.s32 v35, v12;
	v37 =	vcvt.f32.s32 v46;
	v13 =	vadd.s32 v32, v13;
	v55 =	vld [tilespmem:s22+$0xFFFFFFE0]  }
0x19d: {  	v32 =	vadd.s32 v0, v14;
	v35 =	vadd.s32 v0, v13;
	v13 =	vshll.u32 v38, $0x1;
	v56 =	vld [tilespmem:s22+$0xFFFFFFF0]  }
0x19e: {  	v44 =	vshll.u32 v37, $0x1;
	v14 =	vtrunc.f32 v42;
	v11 =	vadd.s32 v13, v11;
	v57 =	vld [tilespmem:s22+$0x0];
	v38 =	vpop (erf)  }
0x19f: {  	v43 =	vadd.s32 v0, v16;
	v14 =	vcvt.f32.s32 v14;
	v37 =	vadd.s32 v0, v11;
	v13 =	vld [tilespmem:s22+$0x10]  }
0x1a0: {  	v48 =	vadd.s32 v0, v12;
	v12 =	vtrunc.f32 v36;
	v11 =	vld [tilespmem:s24+$0xFFFFFFA0]  }
0x1a1: {  	v10 =	vadd.s32 v17, v10;
	v17 =	vmul.f32 $3.000000000e+01, v38;
	v14 =	vshll.u32 v14, $0x1;
	v16 =	vld [tilespmem:s24+$0x10]  }
0x1a2: {  	v12 =	vcvt.f32.s32 v12;
	v9 =	vadd.s32 v14, v9;
	v14 =	vmul.f32 $3.000000000e+01, v20;
	v46 =	vld [tilespmem:s22+$0x20]  }
0x1a3: {  	v59 =	vadd.s32 v0, v10;
	v36 =	vtrunc.f32 v17;
	v58 =	vadd.s32 v0, v9;
	v42 =	vld [tilespmem:s24+$0xFFFFFF80]  }
0x1a4: {  	v61 =	vshll.u32 v12, $0x1;
	v12 =	vtrunc.f32 v14;
	v17 =	vld [tilespmem:s24+$0xFFFFFF90]  }
0x1a5: {  	v14 =	vadd.s32 v61, v6;
	v60 =	vcvt.f32.s32 v12;
	v12 =	vtrunc.f32 v40;
	v10 =	vld [tilespmem:s24+$0xFFFFFFB0];
	v9 =	vmovc v11  }
0x1a6: {  	v40 =	vcvt.f32.s32 v36;
	v11 =	vadd.s32 v44, v8;
	v44 =	vcvt.f32.s32 v12;
	v8 =	vld [tilespmem:s24+$0xFFFFFFC0];
	v6 =	vmovc v16  }
0x1a7: {  	v36 =	vadd.s32 v0, v14;
	v61 =	vadd.s32 v0, v11;
	v11 =	vshll.u32 v60, $0x1;
	v12 =	vld [tilespmem:s24+$0xFFFFFFD0]  }
0x1a8: {  	v60 =	vmul.f32 $-1.442695020e+00, v41;
	v16 =	vshll.u32 v40, $0x1;
	v11 =	vadd.s32 v11, v5;
	v5 =	vmovc v39;
	v14 =	vld [tilespmem:s24+$0xFFFFFFE0]  }
0x1a9: {  	v7 =	vadd.s32 v16, v7;
	v41 =	vadd.s32 v0, v11;
	v11 =	vshll.u32 v44, $0x1;
	v40 =	vld [tilespmem:s24+$0xFFFFFFF0]  }
0x1aa: {  	v62 =	vmul.f32 $-1.442695020e+00, v46;
	v11 =	vadd.s32 v11, v4;
	v4 =	vmovc v51;
	v16 =	vld [tilespmem:s24+$0x0];
	(erf) = vpow2.f32 v60  }
0x1ab: {  	v46 =	vadd.s32 v0, v7;
	v39 =	vadd.s32 v0, v11;
	v44 =	vld [tilespmem:s24+$0x20]  }
0x1ac: {  	v7 =	vld [tilespmem:s24+$0x30];
	(erf) = vpow2.f32 v62  }
0x1ad: {  	v11 =	vmul.f32 $-1.442695020e+00, v13;
	v51 =	vld [tilespmem:s22+$0x40]  }
0x1ae: {  	v57 =	vmul.f32 $-1.442695020e+00, v57;
	v13 =	vld [tilespmem:s24+$0x40]  }
0x1af: {  	v56 =	vmul.f32 $-1.442695020e+00, v56;
	v60 =	vld [tilespmem:s22+$0x50];
	(erf) = vpow2.f32 v11  }
0x1b0: {  	v55 =	vmul.f32 $-1.442695020e+00, v55;
	v11 =	vld [tilespmem:s24+$0x50];
	(erf) = vpow2.f32 v57  }
0x1b1: {  	v54 =	vmul.f32 $-1.442695020e+00, v54;
	v57 =	vld [tilespmem:s22+$0x70];
	(erf) = vpow2.f32 v56  }
0x1b2: {  	v53 =	vmul.f32 $-1.442695020e+00, v53;
	v56 =	vld [tilespmem:s22+$0x30];
	(erf) = vpow2.f32 v55  }
0x1b3: {  	v52 =	vmul.f32 $-1.442695020e+00, v52;
	v55 =	vld [tilespmem:s22+$0x60];
	v62 =	vpop (erf);
	(erf) = vpow2.f32 v54  }
0x1b4: {  	v50 =	vmul.f32 $-1.442695020e+00, v50;
	v54 =	vadd.f32 $1.000000000e+00, v62;
	[tilespmem:v28+s15+$0x0] =	vst.idx.add.f32.msk $0xffff, v3;
	(erf) = vpow2.f32 v53  }
0x1b5: {  	v45 =	vmul.f32 $-1.442695020e+00, v45;
	[tilespmem:v28+s16+$0x0] =	vst.idx.add.f32.msk $0xffff, v22;
	(erf) = vpow2.f32 v52;
	v22 =	vpop (erf)  }
0x1b6: {  	v22 =	vadd.f32 $1.000000000e+00, v22;
	[tilespmem:v47+s15+$0x0] =	vst.idx.add.f32.msk $0xffff, v3;
	(erf) = vpow2.f32 v50  }
0x1b7: {  	v28 =	vmul.f32 $-1.442695020e+00, v57;
	[tilespmem:v47+s16+$0x0] =	vst.idx.add.f32.msk $0xffff, v31;
	(erf) = vpow2.f32 v45  }
0x1b8: {  	v31 =	vmul.f32 $-1.442695020e+00, v56;
	v45 =	vmul.f32 $-1.442695020e+00, v55;
	[tilespmem:v58+s15+$0x0] =	vst.idx.add.f32.msk $0xffff, v3;
	v47 =	vpop (erf)  }
0x1b9: {  	v50 =	vmul.f32 $-1.442695020e+00, v60;
	v47 =	vadd.f32 $1.000000000e+00, v47;
	[tilespmem:v58+s16+$0x0] =	vst.idx.add.f32.msk $0xffff, v49;
	(erf) = vrcp.f32 v54;
	v49 =	vpop (erf)  }
0x1ba: {  	v51 =	vmul.f32 $-1.442695020e+00, v51;
	v49 =	vadd.f32 $1.000000000e+00, v49;
	[tilespmem:v59+s15+$0x0] =	vst.idx.add.f32.msk $0xffff, v3;
	v52 =	vpop (erf);
	(erf) = vrcp.f32 v22  }
0x1bb: {  	v22 =	vadd.f32 $1.000000000e+00, v52;
	[tilespmem:v59+s16+$0x0] =	vst.idx.add.f32.msk $0xffff, v33;
	v33 =	vpop (erf);
	(erf) = vpow2.f32 v28  }
0x1bc: {  	v28 =	vadd.f32 $1.000000000e+00, v33;
	[tilespmem:v61+s15+$0x0] =	vst.idx.add.f32.msk $0xffff, v3;
	v33 =	vpop (erf);
	(erf) = vpow2.f32 v50  }
0x1bd: {  	v33 =	vadd.f32 $1.000000000e+00, v33;
	[tilespmem:v61+s16+$0x0] =	vst.idx.add.f32.msk $0xffff, v26;
	v26 =	vpop (erf);
	(erf) = vpow2.f32 v45  }
0x1be: {  	v26 =	vadd.f32 $1.000000000e+00, v26;
	[tilespmem:v48+s15+$0x0] =	vst.idx.add.f32.msk $0xffff, v3;
	v45 =	vpop (erf);
	(erf) = vrcp.f32 v47  }
0x1bf: {  	v45 =	vadd.f32 $1.000000000e+00, v45;
	[tilespmem:v48+s16+$0x0] =	vst.idx.add.f32.msk $0xffff, v24;
	v24 =	vpop (erf);
	(erf) = vpow2.f32 v51  }
0x1c0: {  	v47 =	vadd.f32 $1.000000000e+00, v24;
	[tilespmem:v32+s15+$0x0] =	vst.idx.add.f32.msk $0xffff, v3;
	v24 =	vpop (erf);
	(erf) = vrcp.f32 v49  }
0x1c1: {  	v48 =	vadd.f32 $1.000000000e+00, v24;
	[tilespmem:v32+s16+$0x0] =	vst.idx.add.f32.msk $0xffff, v23;
	(erf) = vrcp.f32 v22  }
0x1c2: {  	[tilespmem:v25+s15+$0x0] =	vst.idx.add.f32.msk $0xffff, v3;
	v22 =	vpop (erf);
	(erf) = vrcp.f32 v28  }
0x1c3: {  	v23 =	vmul.f32 $3.000000000e+01, v22;
	[tilespmem:v25+s16+$0x0] =	vst.idx.add.f32.msk $0xffff, v21;
	(erf) = vrcp.f32 v33;
	v32 =	vpop (erf)  }
0x1c4: {  	v21 =	vmul.f32 $3.000000000e+01, v32;
	[tilespmem:v43+s15+$0x0] =	vst.idx.add.f32.msk $0xffff, v3;
	(erf) = vrcp.f32 v48;
	v24 =	vpop (erf)  }
0x1c5: {  	v23 =	vtrunc.f32 v23;
	v24 =	vadd.f32 $1.000000000e+00, v24;
	[tilespmem:v43+s16+$0x0] =	vst.idx.add.f32.msk $0xffff, v18;
	(erf) = vrcp.f32 v26;
	v18 =	vpop (erf)  }
0x1c6: {  	v23 =	vcvt.f32.s32 v23;
	v28 =	vtrunc.f32 v21;
	v25 =	vadd.f32 $1.000000000e+00, v18;
	[tilespmem:v36+s15+$0x0] =	vst.idx.add.f32.msk $0xffff, v3;
	v18 =	vpop (erf)  }
0x1c7: {  	v26 =	vcvt.f32.s32 v28;
	v33 =	vadd.f32 $1.000000000e+00, v18;
	[tilespmem:v36+s16+$0x0] =	vst.idx.add.f32.msk $0xffff, v15;
	v15 =	vpop (erf);
	(erf) = vrcp.f32 v24  }
0x1c8: {  	v28 =	vshll.u32 v23, $0x1;
	v36 =	vmul.f32 $3.000000000e+01, v15;
	[tilespmem:v19+s15+$0x0] =	vst.idx.add.f32.msk $0xffff, v3;
	(erf) = vrcp.f32 v45;
	v21 =	vpop (erf)  }
0x1c9: {  	v42 =	vadd.s32 v28, v42;
	v43 =	vadd.f32 $1.000000000e+00, v21;
	[tilespmem:v19+s16+$0x0] =	vst.idx.add.f32.msk $0xffff, v34;
	v18 =	vpop (erf);
	(erf) = vpow2.f32 v31  }
0x1ca: {  	v28 =	vadd.s32 v0, v42;
	v34 =	vmul.f32 $3.000000000e+01, v18;
	[tilespmem:v46+s15+$0x0] =	vst.idx.add.f32.msk $0xffff, v3;
	v21 =	vpop (erf);
	(erf) = vrcp.f32 v33  }
0x1cb: {  	v26 =	vshll.u32 v26, $0x1;
	v19 =	vmul.f32 $3.000000000e+01, v21;
	[tilespmem:v46+s16+$0x0] =	vst.idx.add.f32.msk $0xffff, v38;
	v23 =	vpop (erf);
	(erf) = vrcp.f32 v43  }
0x1cc: {  	v42 =	vadd.s32 v26, v44;
	v33 =	vmul.f32 $3.000000000e+01, v23;
	[tilespmem:v35+s15+$0x0] =	vst.idx.add.f32.msk $0xffff, v3;
	v24 =	vpop (erf);
	(erf) = vrcp.f32 v25  }
0x1cd: {  	v25 =	vmul.f32 $3.000000000e+01, v24;
	v38 =	vtrunc.f32 v19;
	v19 =	vadd.s32 v0, v42;
	[tilespmem:v35+s16+$0x0] =	vst.idx.add.f32.msk $0xffff, v30;
	v31 =	vpop (erf)  }
0x1ce: {  	v30 =	vtrunc.f32 v33;
	v43 =	vcvt.f32.s32 v38;
	[tilespmem:v37+s15+$0x0] =	vst.idx.add.f32.msk $0xffff, v3;
	v26 =	vpop (erf)  }
.Ltmp1:
0x1cf: {  	v38 =	vtrunc.f32 v25;
	v42 =	vcvt.f32.s32 v30;
	[tilespmem:v37+s16+$0x0] =	vst.idx.add.f32.msk $0xffff, v29;
	(pc) =	sbr.rel @p0 .LBB2_5-.Ltmp1, $4  }
0x1d0: {  	v34 =	vtrunc.f32 v34;
	v25 =	vmul.f32 $3.000000000e+01, v31;
	v43 =	vshll.u32 v43, $0x1;
	[tilespmem:v41+s15+$0x0] =	vst.idx.add.f32.msk $0xffff, v3;
	v35 =	vpop (erf)  }
0x1d1: {  	v29 =	vmul.f32 $3.000000000e+01, v26;
	v37 =	vadd.s32 v43, v40;
	[tilespmem:v41+s16+$0x0] =	vst.idx.add.f32.msk $0xffff, v20;
	(erf) = vrcp.f32 v47;
	v33 =	vpop (erf)  }
0x1d2: {  	v44 =	vtrunc.f32 v25;
	v40 =	vmul.f32 $3.000000000e+01, v35;
	v25 =	vadd.s32 v0, v37;
	[tilespmem:v39+s15+$0x0] =	vst.idx.add.f32.msk $0xffff, v3;
	v30 =	vpop (erf)  }
0x1d3: {  	s24 =	sadd.s32 $0x100, s24;
	v43 =	vcvt.f32.s32 v44;
	v37 =	vcvt.f32.s32 v34;
	v41 =	vadd.f32 $1.000000000e+00, v30;
	[tilespmem:v39+s16+$0x0] =	vst.idx.add.f32.msk $0xffff, v27;
	v20 =	vpop (erf)  }
0x1d4: {  	_ =	sdelay $0x3  }
0x1d5: {  	v27 =	vpop (erf)  }
0x1d6: {  	v30 =	vpop (erf)  }
0x1d7: {  	v34 =	vpop (erf)  }
0x1d8: {  	v39 =	vmul.f32 $3.000000000e+01, v34;
	_ =	sdelay $0x1  }
0x1d9: {  	v44 =	vmul.f32 $3.000000000e+01, v33;
	v39 =	vtrunc.f32 v39  }
0x1da: {  	v43 =	vshll.u32 v43, $0x1;
	v39 =	vcvt.f32.s32 v39  }
0x1db: {  	v17 =	vadd.s32 v43, v17;
	v45 =	vtrunc.f32 v44  }
0x1dc: {  	v17 =	vadd.s32 v0, v17;
	v43 =	vcvt.f32.s32 v45;
	v39 =	vshll.u32 v39, $0x1  }
0x1dd: {  	v29 =	vtrunc.f32 v29;
	v9 =	vadd.s32 v39, v9  }
0x1de: {  	v29 =	vcvt.f32.s32 v29;
	v46 =	vshll.u32 v43, $0x1;
	v9 =	vadd.s32 v0, v9  }
0x1df: {  	[tilespmem:v28+s15+$0x0] =	vst.idx.add.f32.msk $0xffff, v3;
	(erf) = vrcp.f32 v41;
	v10 =	vadd.s32 v46, v10  }
0x1e0: {  	v38 =	vcvt.f32.s32 v38;
	[tilespmem:v28+s16+$0x0] =	vst.idx.add.f32.msk $0xffff, v22;
	v29 =	vshll.u32 v29, $0x1;
	v10 =	vadd.s32 v0, v10  }
0x1e1: {  	v8 =	vadd.s32 v29, v8;
	[tilespmem:v17+s15+$0x0] =	vst.idx.add.f32.msk $0xffff, v3  }
0x1e2: {  	v47 =	vshll.u32 v38, $0x1;
	v8 =	vadd.s32 v0, v8;
	[tilespmem:v17+s16+$0x0] =	vst.idx.add.f32.msk $0xffff, v31  }
0x1e3: {  	v12 =	vadd.s32 v47, v12;
	[tilespmem:v9+s15+$0x0] =	vst.idx.add.f32.msk $0xffff, v3  }
0x1e4: {  	v48 =	vshll.u32 v42, $0x1;
	v12 =	vadd.s32 v0, v12;
	[tilespmem:v9+s16+$0x0] =	vst.idx.add.f32.msk $0xffff, v34  }
0x1e5: {  	v49 =	vadd.s32 v48, v14;
	[tilespmem:v10+s15+$0x0] =	vst.idx.add.f32.msk $0xffff, v3  }
0x1e6: {  	v9 =	vadd.s32 v0, v49;
	[tilespmem:v10+s16+$0x0] =	vst.idx.add.f32.msk $0xffff, v33  }
0x1e7: {  	v50 =	vtrunc.f32 v36;
	[tilespmem:v8+s15+$0x0] =	vst.idx.add.f32.msk $0xffff, v3  }
0x1e8: {  	v51 =	vshll.u32 v37, $0x1;
	v52 =	vpop (erf);
	v10 =	vcvt.f32.s32 v50;
	[tilespmem:v8+s16+$0x0] =	vst.idx.add.f32.msk $0xffff, v26  }
0x1e9: {  	v53 =	vadd.s32 v51, v16;
	v54 =	vmul.f32 $3.000000000e+01, v52;
	[tilespmem:v12+s15+$0x0] =	vst.idx.add.f32.msk $0xffff, v3  }
0x1ea: {  	v8 =	vadd.s32 v0, v53;
	v10 =	vshll.u32 v10, $0x1;
	[tilespmem:v12+s16+$0x0] =	vst.idx.add.f32.msk $0xffff, v24  }
0x1eb: {  	v55 =	vmul.f32 $3.000000000e+01, v27;
	v14 =	vtrunc.f32 v54;
	v6 =	vadd.s32 v10, v6;
	[tilespmem:v9+s15+$0x0] =	vst.idx.add.f32.msk $0xffff, v3  }
0x1ec: {  	v56 =	vcvt.f32.s32 v14;
	v6 =	vadd.s32 v0, v6;
	[tilespmem:v9+s16+$0x0] =	vst.idx.add.f32.msk $0xffff, v23  }
0x1ed: {  	v57 =	vmul.f32 $3.000000000e+01, v30;
	v12 =	vtrunc.f32 v55;
	[tilespmem:v25+s15+$0x0] =	vst.idx.add.f32.msk $0xffff, v3  }
0x1ee: {  	v10 =	vshll.u32 v56, $0x1;
	v12 =	vcvt.f32.s32 v12;
	[tilespmem:v25+s16+$0x0] =	vst.idx.add.f32.msk $0xffff, v21  }
0x1ef: {  	v58 =	vmul.f32 $3.000000000e+01, v20;
	v7 =	vadd.s32 v10, v7;
	v9 =	vtrunc.f32 v57;
	[tilespmem:v8+s15+$0x0] =	vst.idx.add.f32.msk $0xffff, v3  }
0x1f0: {  	v7 =	vadd.s32 v0, v7;
	v9 =	vcvt.f32.s32 v9;
	v59 =	vshll.u32 v12, $0x1;
	[tilespmem:v8+s16+$0x0] =	vst.idx.add.f32.msk $0xffff, v18  }
0x1f1: {  	v61 =	vtrunc.f32 v58;
	v60 =	vadd.s32 v59, v13;
	[tilespmem:v6+s15+$0x0] =	vst.idx.add.f32.msk $0xffff, v3  }
0x1f2: {  	v10 =	vcvt.f32.s32 v61;
	v9 =	vshll.u32 v9, $0x1;
	v8 =	vadd.s32 v0, v60;
	[tilespmem:v6+s16+$0x0] =	vst.idx.add.f32.msk $0xffff, v15  }
0x1f3: {  	v63 =	vtrunc.f32 v40;
	v62 =	vadd.s32 v9, v11;
	[tilespmem:v19+s15+$0x0] =	vst.idx.add.f32.msk $0xffff, v3  }
0x1f4: {  	v10 =	vshll.u32 v10, $0x1;
	v9 =	vcvt.f32.s32 v63;
	v6 =	vadd.s32 v0, v62;
	[tilespmem:v19+s16+$0x0] =	vst.idx.add.f32.msk $0xffff, v32  }
0x1f5: {  	v5 =	vadd.s32 v10, v5;
	[tilespmem:v7+s15+$0x0] =	vst.idx.add.f32.msk $0xffff, v3  }
0x1f6: {  	v5 =	vadd.s32 v0, v5;
	v9 =	vshll.u32 v9, $0x1;
	[tilespmem:v7+s16+$0x0] =	vst.idx.add.f32.msk $0xffff, v52  }
0x1f7: {  	v4 =	vadd.s32 v9, v4;
	[tilespmem:v8+s15+$0x0] =	vst.idx.add.f32.msk $0xffff, v3  }
0x1f8: {  	s21 =	sadd.s32 $0x1, s21;
	v4 =	vadd.s32 v0, v4;
	[tilespmem:v8+s16+$0x0] =	vst.idx.add.f32.msk $0xffff, v27  }
0x1f9: {  	p0 =	sne.s32 s21, $0x10;
	[tilespmem:v6+s15+$0x0] =	vst.idx.add.f32.msk $0xffff, v3  }
.Ltmp2:
0x1fa: {  	[tilespmem:v6+s16+$0x0] =	vst.idx.add.f32.msk $0xffff, v30;
	(pc) =	sbr.rel @p0 .LBB2_2-.Ltmp2, $4  }
0x1fb: {  	[tilespmem:v5+s15+$0x0] =	vst.idx.add.f32.msk $0xffff, v3  }
0x1fc: {  	[tilespmem:v5+s16+$0x0] =	vst.idx.add.f32.msk $0xffff, v20  }
0x1fd: {  	[tilespmem:v4+s15+$0x0] =	vst.idx.add.f32.msk $0xffff, v3  }
0x1fe: {  	[tilespmem:v4+s16+$0x0] =	vst.idx.add.f32.msk $0xffff, v35  }
0x1ff: {  	v4 =	vld [tilespmem:$0x10000]  }
0x200: {  	v5 =	vld [tilespmem:$0x10480]  }
0x201: {  	v6 =	vld [tilespmem:$0x10010]  }
0x202: {  	v7 =	vld [tilespmem:$0x10490]  }
0x203: {  	v8 =	vld [tilespmem:$0x10020]  }
0x204: {  	v9 =	vld [tilespmem:$0x104A0]  }
0x205: {  	v10 =	vld [tilespmem:$0x10030]  }
0x206: {  	v11 =	vld [tilespmem:$0x104B0]  }
0x207: {  	v12 =	vld [tilespmem:$0x10041]  }
0x208: {  	v13 =	vld [tilespmem:$0x104C1]  }
0x209: {  	v14 =	vld [tilespmem:$0x10051]  }
0x20a: {  	v15 =	vld [tilespmem:$0x104D1]  }
0x20b: {  	v16 =	vld [tilespmem:$0x10061]  }
0x20c: {  	v17 =	vld [tilespmem:$0x104E1]  }
0x20d: {  	v18 =	vld [tilespmem:$0x10071]  }
0x20e: {  	v19 =	vld [tilespmem:$0x104F1]  }
0x20f: {  	v20 =	vld [tilespmem:$0x10082]  }
0x210: {  	v21 =	vld [tilespmem:$0x10502]  }
0x211: {  	v22 =	vld [tilespmem:$0x10092]  }
0x212: {  	v23 =	vld [tilespmem:$0x10512]  }
0x213: {  	v24 =	vld [tilespmem:$0x100A2]  }
0x214: {  	v25 =	vld [tilespmem:$0x10522]  }
0x215: {  	v26 =	vld [tilespmem:$0x100B2]  }
0x216: {  	v27 =	vld [tilespmem:$0x10532]  }
0x217: {  	v28 =	vld [tilespmem:$0x100C3]  }
0x218: {  	v29 =	vld [tilespmem:$0x10543]  }
0x219: {  	v30 =	vld [tilespmem:$0x100D3]  }
0x21a: {  	v31 =	vld [tilespmem:$0x10553]  }
0x21b: {  	v32 =	vld [tilespmem:$0x100E3]  }
0x21c: {  	v33 =	vld [tilespmem:$0x10563]  }
0x21d: {  	v34 =	vld [tilespmem:$0x100F3]  }
0x21e: {  	v35 =	vld [tilespmem:$0x10573]  }
0x21f: {  	v36 =	vld [tilespmem:$0x10104]  }
0x220: {  	v37 =	vld [tilespmem:$0x10584]  }
0x221: {  	v38 =	vld [tilespmem:$0x10114]  }
0x222: {  	v39 =	vld [tilespmem:$0x10594]  }
0x223: {  	v40 =	vld [tilespmem:$0x10124]  }
0x224: {  	v41 =	vld [tilespmem:$0x105A4]  }
0x225: {  	v42 =	vld [tilespmem:$0x10134]  }
0x226: {  	v43 =	vld [tilespmem:$0x105B4]  }
0x227: {  	v44 =	vld [tilespmem:$0x10145]  }
0x228: {  	v45 =	vld [tilespmem:$0x105C5]  }
0x229: {  	v46 =	vld [tilespmem:$0x10155]  }
0x22a: {  	v47 =	vld [tilespmem:$0x105D5]  }
0x22b: {  	v48 =	vld [tilespmem:$0x10165]  }
0x22c: {  	v49 =	vld [tilespmem:$0x105E5]  }
0x22d: {  	v50 =	vld [tilespmem:$0x10175]  }
0x22e: {  	v51 =	vld [tilespmem:$0x105F5]  }
0x22f: {  	v52 =	vld [tilespmem:$0x10186]  }
0x230: {  	v53 =	vld [tilespmem:$0x10606]  }
0x231: {  	v54 =	vld [tilespmem:$0x10196]  }
0x232: {  	v55 =	vld [tilespmem:$0x10616]  }
0x233: {  	v56 =	vld [tilespmem:$0x101A6]  }
0x234: {  	v57 =	vld [tilespmem:$0x10626]  }
0x235: {  	v58 =	vld [tilespmem:$0x101B6]  }
0x236: {  	v62 =	vld [tilespmem:$0x101D7]  }
0x237: {  	v59 =	vld [tilespmem:$0x10636]  }
0x238: {  	v60 =	vld [tilespmem:$0x101C7]  }
0x239: {  	v61 =	vld [tilespmem:$0x10647]  }
0x23a: {  	v63 =	vld [tilespmem:$0x10657];
	v4 =	vadd.f32 $0.0e+00, v4  }
0x23b: {  	[tilespmem:$0x1FF60] =	vst v62;
	v62 =	vld [tilespmem:$0x101E7];
	v5 =	vadd.f32 $0.0e+00, v5  }
0x23c: {  	v6 =	vadd.f32 $0.0e+00, v6;
	v4 =	vadd.f32 v12, v4;
	v12 =	vld [tilespmem:$0x10238]  }
0x23d: {  	v7 =	vadd.f32 $0.0e+00, v7;
	v5 =	vadd.f32 v13, v5;
	v13 =	vld [tilespmem:$0x106B8]  }
0x23e: {  	v8 =	vadd.f32 $0.0e+00, v8;
	v6 =	vadd.f32 v14, v6;
	v14 =	vld [tilespmem:$0x10249]  }
0x23f: {  	v9 =	vadd.f32 $0.0e+00, v9;
	v7 =	vadd.f32 v15, v7;
	v15 =	vld [tilespmem:$0x106C9]  }
0x240: {  	v10 =	vadd.f32 $0.0e+00, v10;
	v8 =	vadd.f32 v16, v8;
	v16 =	vld [tilespmem:$0x10259]  }
0x241: {  	v11 =	vadd.f32 $0.0e+00, v11;
	v9 =	vadd.f32 v17, v9;
	v17 =	vld [tilespmem:$0x106D9]  }
0x242: {  	v10 =	vadd.f32 v18, v10;
	v18 =	vld [tilespmem:$0x10269]  }
0x243: {  	v11 =	vadd.f32 v19, v11;
	v19 =	vld [tilespmem:$0x106E9]  }
0x244: {  	v4 =	vadd.f32 v20, v4;
	v20 =	vld [tilespmem:$0x10279]  }
0x245: {  	v5 =	vadd.f32 v21, v5;
	v21 =	vld [tilespmem:$0x106F9]  }
0x246: {  	v6 =	vadd.f32 v22, v6;
	v22 =	vld [tilespmem:$0x1028A]  }
0x247: {  	v7 =	vadd.f32 v23, v7;
	v23 =	vld [tilespmem:$0x1070A]  }
0x248: {  	v8 =	vadd.f32 v24, v8;
	v24 =	vld [tilespmem:$0x1029A]  }
0x249: {  	v9 =	vadd.f32 v25, v9;
	v25 =	vld [tilespmem:$0x1071A]  }
0x24a: {  	v10 =	vadd.f32 v26, v10;
	v26 =	vld [tilespmem:$0x102AA]  }
0x24b: {  	v11 =	vadd.f32 v27, v11;
	v27 =	vld [tilespmem:$0x1072A]  }
0x24c: {  	[tilespmem:$0x1FF70] =	vst v62;
	v62 =	vld [tilespmem:$0x10667]  }
0x24d: {  	v4 =	vadd.f32 v28, v4;
	v28 =	vld [tilespmem:$0x102BA]  }
0x24e: {  	v5 =	vadd.f32 v29, v5;
	v29 =	vld [tilespmem:$0x1073A]  }
0x24f: {  	v6 =	vadd.f32 v30, v6;
	v30 =	vld [tilespmem:$0x102CB]  }
0x250: {  	v7 =	vadd.f32 v31, v7;
	v31 =	vld [tilespmem:$0x1074B]  }
0x251: {  	v8 =	vadd.f32 v32, v8;
	v32 =	vld [tilespmem:$0x102DB]  }
0x252: {  	v9 =	vadd.f32 v33, v9;
	v33 =	vld [tilespmem:$0x1075B]  }
0x253: {  	v10 =	vadd.f32 v34, v10;
	v34 =	vld [tilespmem:$0x102EB]  }
0x254: {  	v11 =	vadd.f32 v35, v11;
	v35 =	vld [tilespmem:$0x1076B]  }
0x255: {  	[tilespmem:$0x1FF80] =	vst v62;
	v62 =	vld [tilespmem:$0x101F7]  }
0x256: {  	v4 =	vadd.f32 v36, v4;
	v36 =	vld [tilespmem:$0x102FB]  }
0x257: {  	v5 =	vadd.f32 v37, v5;
	v37 =	vld [tilespmem:$0x1077B]  }
0x258: {  	v6 =	vadd.f32 v38, v6;
	v38 =	vld [tilespmem:$0x1030C]  }
0x259: {  	v7 =	vadd.f32 v39, v7;
	v39 =	vld [tilespmem:$0x1078C]  }
0x25a: {  	[tilespmem:$0x1FF90] =	vst v62;
	v62 =	vld [tilespmem:$0x10677]  }
0x25b: {  	v8 =	vadd.f32 v40, v8;
	v40 =	vld [tilespmem:$0x1031C]  }
0x25c: {  	v9 =	vadd.f32 v41, v9;
	v41 =	vld [tilespmem:$0x1079C]  }
0x25d: {  	v10 =	vadd.f32 v42, v10;
	v42 =	vld [tilespmem:$0x1032C]  }
0x25e: {  	v5 =	vadd.f32 v45, v5;
	v45 =	vld [tilespmem:$0x1FF60]  }
0x25f: {  	[tilespmem:$0x1FFA0] =	vst v62;
	v62 =	vld [tilespmem:$0x10208]  }
0x260: {  	v6 =	vadd.f32 v46, v6;
	v46 =	vld [tilespmem:$0x1FF70]  }
0x261: {  	v7 =	vadd.f32 v47, v7;
	v47 =	vld [tilespmem:$0x1FF80]  }
0x262: {  	v11 =	vadd.f32 v43, v11;
	v8 =	vadd.f32 v48, v8;
	v48 =	vld [tilespmem:$0x1FF90]  }
0x263: {  	v10 =	vadd.f32 v50, v10;
	v6 =	vadd.f32 v54, v6;
	v54 =	vld [tilespmem:$0x107AC]  }
0x264: {  	v4 =	vadd.f32 v44, v4;
	v9 =	vadd.f32 v49, v9;
	[tilespmem:$0x1FFB0] =	vst v62;
	v62 =	vld [tilespmem:$0x10688]  }
0x265: {  	v8 =	vadd.f32 v56, v8;
	v10 =	vadd.f32 v58, v10;
	v56 =	vld [tilespmem:$0x1033C]  }
0x266: {  	v11 =	vadd.f32 v51, v11;
	v9 =	vadd.f32 v57, v9;
	v57 =	vld [tilespmem:$0x107BC]  }
0x267: {  	v4 =	vadd.f32 v52, v4;
	v10 =	vadd.f32 v48, v10;
	v49 =	vld [tilespmem:$0x1FFA0]  }
0x268: {  	v5 =	vadd.f32 v53, v5;
	v7 =	vadd.f32 v55, v7;
	v58 =	vld [tilespmem:$0x1034D]  }
0x269: {  	v11 =	vadd.f32 v59, v11;
	v10 =	vadd.f32 v12, v10;
	[tilespmem:$0x1FFC0] =	vst v62;
	v62 =	vld [tilespmem:$0x10218]  }
0x26a: {  	v4 =	vadd.f32 v60, v4;
	v5 =	vadd.f32 v61, v5;
	v50 =	vld [tilespmem:$0x1FFB0]  }
0x26b: {  	v7 =	vadd.f32 v63, v7;
	v10 =	vadd.f32 v20, v10;
	v51 =	vld [tilespmem:$0x1FFC0]  }
0x26c: {  	v59 =	vld [tilespmem:$0x107CD];
	v6 =	vadd.f32 v45, v6;
	v11 =	vadd.f32 v49, v11  }
0x26d: {  	v8 =	vadd.f32 v46, v8;
	v45 =	vld [tilespmem:$0x1037D];
	v10 =	vadd.f32 v28, v10  }
0x26e: {  	v9 =	vadd.f32 v47, v9;
	v11 =	vadd.f32 v13, v11;
	[tilespmem:$0x1FFD0] =	vst v62;
	v62 =	vld [tilespmem:$0x10698]  }
0x26f: {  	v60 =	vld [tilespmem:$0x1035D];
	v10 =	vadd.f32 v36, v10;
	v4 =	vadd.f32 v50, v4  }
0x270: {  	v11 =	vadd.f32 v21, v11;
	v5 =	vadd.f32 v51, v5;
	v52 =	vld [tilespmem:$0x1FFD0]  }
0x271: {  	v61 =	vld [tilespmem:$0x107DD];
	v10 =	vadd.f32 v56, v10;
	v4 =	vadd.f32 v14, v4  }
0x272: {  	v46 =	vld [tilespmem:$0x107FD];
	v11 =	vadd.f32 v29, v11;
	v5 =	vadd.f32 v15, v5  }
0x273: {  	v10 =	vadd.f32 v45, v10;
	v4 =	vadd.f32 v22, v4;
	[tilespmem:$0x1FFE0] =	vst v62;
	v62 =	vld [tilespmem:$0x10228]  }
0x274: {  	v63 =	vld [tilespmem:$0x107ED];
	v11 =	vadd.f32 v37, v11;
	v5 =	vadd.f32 v23, v5  }
0x275: {  	v4 =	vadd.f32 v30, v4;
	v6 =	vadd.f32 v52, v6;
	v53 =	vld [tilespmem:$0x1FFE0]  }
0x276: {  	v47 =	vld [tilespmem:$0x1038E];
	v11 =	vadd.f32 v57, v11;
	v5 =	vadd.f32 v31, v5  }
0x277: {  	v48 =	vld [tilespmem:$0x1080E];
	v4 =	vadd.f32 v38, v4;
	v6 =	vadd.f32 v16, v6  }
0x278: {  	v11 =	vadd.f32 v46, v11;
	v5 =	vadd.f32 v39, v5;
	[tilespmem:$0x1FFF0] =	vst v62;
	v62 =	vld [tilespmem:$0x106A8]  }
0x279: {  	v4 =	vadd.f32 v58, v4;
	v6 =	vadd.f32 v24, v6;
	v55 =	vld [tilespmem:$0x1FFF0]  }
0x27a: {  	v49 =	vld [tilespmem:$0x1039E];
	v7 =	vadd.f32 v53, v7;
	v5 =	vadd.f32 v59, v5  }
0x27b: {  	v4 =	vadd.f32 v47, v4;
	v53 =	vld [tilespmem:$0x103BE];
	v6 =	vadd.f32 v32, v6  }
0x27c: {  	v50 =	vld [tilespmem:$0x1081E];
	v7 =	vadd.f32 v17, v7;
	v5 =	vadd.f32 v48, v5  }
0x27d: {  	v59 =	vld [tilespmem:$0x1084F];
	v6 =	vadd.f32 v40, v6;
	v9 =	vadd.f32 v62, v9  }
0x27e: {  	v56 =	vld [tilespmem:$0x103DF];
	v7 =	vadd.f32 v25, v7;
	v8 =	vadd.f32 v55, v8  }
0x27f: {  	v51 =	vld [tilespmem:$0x103AE];
	v6 =	vadd.f32 v60, v6;
	v9 =	vadd.f32 v19, v9  }
0x280: {  	v52 =	vld [tilespmem:$0x1082E];
	v10 =	vadd.f32 v53, v10;
	v8 =	vadd.f32 v18, v8  }
0x281: {  	v55 =	vld [tilespmem:$0x103CF];
	v7 =	vadd.f32 v33, v7;
	v9 =	vadd.f32 v27, v9  }
0x282: {  	v58 =	vld [tilespmem:$0x103FF];
	v5 =	vadd.f32 v59, v5;
	v8 =	vadd.f32 v26, v8  }
0x283: {  	v62 =	vld [tilespmem:$0x1036D];
	v7 =	vadd.f32 v41, v7;
	v9 =	vadd.f32 v35, v9  }
0x284: {  	v60 =	vld [tilespmem:$0x1085F];
	v6 =	vadd.f32 v49, v6;
	v8 =	vadd.f32 v34, v8  }
0x285: {  	v7 =	vadd.f32 v61, v7;
	v61 =	vld [tilespmem:$0x1086F];
	v9 =	vadd.f32 v54, v9  }
0x286: {  	v4 =	vadd.f32 v55, v4;
	v54 =	vld [tilespmem:$0x1083E];
	v8 =	vadd.f32 v42, v8  }
0x287: {  	v57 =	vld [tilespmem:$0x103EF];
	v10 =	vadd.f32 v58, v10;
	v9 =	vadd.f32 v63, v9  }
0x288: {  	[tilespmem:$0x10900] =	vst v4;
	v4 =	vld [tilespmem:$0x1087F];
	v7 =	vadd.f32 v50, v7;
	v8 =	vadd.f32 v62, v8  }
0x289: {  	[tilespmem:$0x10940] =	vst v5;
	v6 =	vadd.f32 v56, v6;
	v62 =	vadd.f32 v52, v9  }
0x28a: {  	[tilespmem:$0x10930] =	vst v10;
	v7 =	vadd.f32 v60, v7;
	v8 =	vadd.f32 v51, v8  }
0x28b: {  	[tilespmem:$0x10910] =	vst v6;
	v63 =	vadd.f32 v54, v11;
	v6 =	vadd.f32 v61, v62  }
0x28c: {  	[tilespmem:$0x10950] =	vst v7;
	v8 =	vadd.f32 v57, v8  }
0x28d: {  	s20 =	sadd.s32 $0x1, s20;
	v4 =	vadd.f32 v4, v63;
	[tilespmem:$0x10960] =	vst v6  }
0x28e: {  	p0 =	sne.s32 s20, s10;
	[tilespmem:$0x10920] =	vst v8  }
.Ltmp3:
0x28f: {  	[tilespmem:$0x10970] =	vst v4;
	(pc) =	sbr.rel @p0 .LBB2_1-.Ltmp3, $4  }
0x290: {  	[hbm4b:s9+s4] =	stream.linear.scatter [tilespmem:s18], [sflag:$0x3], $0x80, $0x38;
	[tilespmem:$0x10980] =	vst v63  }
0x291: {  	_ =	swait.ge [sflag:s19], $0x80  }
0x292: {  	[sflag:s19] =	ssyncset.done $0x0  }
0x293: {  	[sflag:s19] =	ssyncadd.s32 $0xFFFFFF80  }
0x294: {  	_ =	sfence.sel $0x180000  }
0x295: {  	[bflag:$0x0] =	sbarrier.arrive $0xFFFF  }
0x296: {  	p0 =	sne.s32 s2, $0x0;
	_ =	strace $0x90000047  }
0x297: {  	s0 =	sadd.s32 @!p0 $0x100000, s0;
	[bflag:$0x2] =	sbarrier.arrive $0xFFFF  }
0x298: {  	[sflag:s0] =	ssyncadd.tile.s32 @!p0 $0x1;
	_ =	shalt  }
.Lfunc_end2:
_tile_overlayer_lowered:
.L_overlay_start_2:
0x299: {  	(tag) =	ssettag $0x2  }
0x29a: {  	s0 =	rddreg [dreg:$0x0];
	s2 =	stileid.u32  }
0x29b: {  	s1 =	rddreg [dreg:$0x1];
	p0 =	sne.s32 s2, $0x0  }
0x29c: {  	s3 =	rddreg [dreg:$0x2];
	[bflag:$0x3] =	sbarrier.arrive $0xFFFF;
	s2 =	simm.s32 @!p0 $0x1C03  }
0x29d: {  	[timem:s3], [sflag:s2] =	dma.local @!p0 [hbm:s0], s1  }
0x29e: {  	s0 =	simm.s32 @!p0 $0x3  }
0x29f: {  	_ =	swait.ge @!p0 [sflag:s0], s1  }
0x2a0: {  	s1 =	ssub.s32 @!p0 $0x0, s1;
	[sflag:s0] =	ssyncset.done @!p0 $0x0  }
0x2a1: {  	[sflag:s0] =	ssyncadd.s32 @!p0 s1  }
0x2a2: {  	[bflag:$0x3] =	sbarrier.arrive $0xFFFF  }
0x2a3: {  	_ =	shalt  }

</sc_bundles>
